<compile_context>
chip_gen: v7x
topology: tpu7x:2x2x1
jax: 0.10.2.dev20260603
libtpu: 0.0.44.dev20260713+nightly
codegen_flags: <defaults>
</compile_context>

<pallas_src>
import functools

import jax
import jax.numpy as jnp
import numpy as np
from jax import lax
from jax.experimental import pallas as pl
from jax.experimental.pallas import tpu as pltpu
from jax.experimental.pallas import tpu_sc as plsc

N = 10000
E = 320000
D = 128
H = 128
C = 40

HW = 72
W2EXT = 48

NC = 2
NS = 16
NW = NC * NS
K = 128
NCHUNK = 2560
E_PAD = NCHUNK * K
NSLOT = 4
SB = 20
N_PAD = 10112
ROWS_PER_TILE = N_PAD // NS

BLK = 2000

_PAD_SRC = np.arange(E_PAD - E, dtype=np.int32) % N
_PAD_DST = N + np.arange(E_PAD - E, dtype=np.int32) % (N_PAD - N)


def _make_sc_agg(width, feature_split):
    mesh = plsc.VectorSubcoreMesh(
        core_axis_name="c", subcore_axis_name="s", num_cores=NC, num_subcores=NS
    )
    cpt = (NCHUNK // NS) if feature_split else (NCHUNK // NW)

    @functools.partial(
        pl.kernel,
        mesh=mesh,
        compiler_params=pltpu.CompilerParams(use_tc_tiling_on_sc=False),
        out_type=jax.ShapeDtypeStruct((NC, N_PAD, width), jnp.float32),
        scratch_types=(
            [pltpu.VMEM((SB, K), jnp.int32) for _ in range(2)]
            + [pltpu.VMEM((K, width), jnp.float32) for _ in range(NSLOT)]
            + [pltpu.VMEM_SHARED((N_PAD, width), jnp.float32)]
            + [pltpu.SemaphoreType.DMA for _ in range(2 * NSLOT)]
        ),
    )
    def agg(h_hbm, src_hbm, dst_hbm, zeros_hbm, out_hbm, *scr):
        idx_s = scr[0]
        idx_d = scr[1]
        rows = scr[2:2 + NSLOT]
        acc = scr[2 + NSLOT]
        gsem = scr[3 + NSLOT:3 + 2 * NSLOT]
        ssem = scr[3 + 2 * NSLOT:3 + 3 * NSLOT]
        c = lax.axis_index("c")
        s = lax.axis_index("s")
        r0 = s * ROWS_PER_TILE

        pltpu.sync_copy(zeros_hbm.at[pl.ds(r0, ROWS_PER_TILE)],
                        acc.at[pl.ds(r0, ROWS_PER_TILE)])
        plsc.subcore_barrier()

        h_view = h_hbm.at[c] if feature_split else h_hbm
        row0 = (s if feature_split else c * NS + s) * cpt

        @pl.loop(0, cpt // SB)
        def _(b):
            blk = row0 + b * SB
            pltpu.sync_copy(src_hbm.at[pl.ds(blk, SB)], idx_s)
            pltpu.sync_copy(dst_hbm.at[pl.ds(blk, SB)], idx_d)

            for t in range(NSLOT):
                pltpu.async_copy(h_view.at[idx_s.at[t]], rows[t], gsem[t])
            for t in range(NSLOT):
                pltpu.make_async_copy(
                    h_view.at[idx_s.at[t]], rows[t], gsem[t]).wait()
                pltpu.async_copy(rows[t], acc.at[idx_d.at[t]], ssem[t], add=True)

            @pl.loop(NSLOT, SB, step=NSLOT)
            def _(j):
                for t in range(NSLOT):
                    pltpu.make_async_copy(
                        rows[t], acc.at[idx_d.at[j + t - NSLOT]], ssem[t]).wait()
                    pltpu.async_copy(h_view.at[idx_s.at[j + t]], rows[t], gsem[t])
                for t in range(NSLOT):
                    pltpu.make_async_copy(
                        h_view.at[idx_s.at[j + t]], rows[t], gsem[t]).wait()
                    pltpu.async_copy(rows[t], acc.at[idx_d.at[j + t]], ssem[t],
                                     add=True)

            for t in range(NSLOT):
                pltpu.make_async_copy(
                    rows[t], acc.at[idx_d.at[SB + t - NSLOT]], ssem[t]).wait()

        plsc.subcore_barrier()
        pltpu.sync_copy(acc.at[pl.ds(r0, ROWS_PER_TILE)],
                        out_hbm.at[c, pl.ds(r0, ROWS_PER_TILE)])

    return agg


_agg1 = _make_sc_agg(HW, feature_split=True)
_agg2 = _make_sc_agg(W2EXT, feature_split=False)


def _mm1_body(x_ref, w_ref, o_ref):
    h = jnp.dot(x_ref[...], w_ref[...],
                preferred_element_type=jnp.float32,
                precision=lax.Precision.HIGHEST)
    o_ref[0] = h[:, :HW]
    col = lax.broadcasted_iota(jnp.int32, (BLK, 2 * HW - D), 1)
    o_ref[1, :, :D - HW] = h[:, HW:]
    o_ref[1, :, D - HW:] = jnp.where(col == 0, 1.0, 0.0)


def _mm1(x, w1):
    return pl.pallas_call(
        _mm1_body,
        grid=(N // BLK,),
        in_specs=[
            pl.BlockSpec((BLK, D), lambda i: (i, 0)),
            pl.BlockSpec((D, H), lambda i: (0, 0)),
        ],
        out_specs=pl.BlockSpec((NC, BLK, HW), lambda i: (0, i, 0)),
        out_shape=jax.ShapeDtypeStruct((NC, N, HW), jnp.float32),
    )(x, w1)


def _fin1_body(a_ref, b1_ref, w2_ref, h2_ref, rdeg_ref):
    half0 = a_ref[0]
    half1 = a_ref[1]
    su = jnp.concatenate([half0, half1[:, :D - HW]], axis=1)
    deg = jnp.maximum(half1[:, D - HW:D - HW + 1], 1.0)
    rdeg = 1.0 / deg
    h1 = jnp.maximum(su * rdeg + b1_ref[...], 0.0)
    h2_ref[...] = jnp.dot(h1, w2_ref[...],
                          preferred_element_type=jnp.float32,
                          precision=lax.Precision.HIGHEST)
    rdeg_ref[...] = rdeg


def _fin1(acc, b1, w2p):
    return pl.pallas_call(
        _fin1_body,
        grid=(N // BLK,),
        in_specs=[
            pl.BlockSpec((NC, BLK, HW), lambda i: (0, i, 0)),
            pl.BlockSpec((1, H), lambda i: (0, 0)),
            pl.BlockSpec((H, W2EXT), lambda i: (0, 0)),
        ],
        out_specs=[
            pl.BlockSpec((BLK, W2EXT), lambda i: (i, 0)),
            pl.BlockSpec((BLK, 1), lambda i: (i, 0)),
        ],
        out_shape=[
            jax.ShapeDtypeStruct((N, W2EXT), jnp.float32),
            jax.ShapeDtypeStruct((N, 1), jnp.float32),
        ],
    )(acc, b1, w2p)


def _fin2_body(a_ref, rdeg_ref, b2_ref, o_ref):
    o = (a_ref[0] + a_ref[1]) * rdeg_ref[...] + b2_ref[...]
    o_ref[...] = o[:, :C]


def _fin2(acc, rdeg, b2p):
    return pl.pallas_call(
        _fin2_body,
        grid=(N // BLK,),
        in_specs=[
            pl.BlockSpec((NC, BLK, W2EXT), lambda i: (0, i, 0)),
            pl.BlockSpec((BLK, 1), lambda i: (i, 0)),
            pl.BlockSpec((1, W2EXT), lambda i: (0, 0)),
        ],
        out_specs=pl.BlockSpec((BLK, C), lambda i: (i, 0)),
        out_shape=jax.ShapeDtypeStruct((N, C), jnp.float32),
    )(acc, rdeg, b2p)


def kernel(x, edge_index, W1, b1, W2, b2):
    src = jnp.concatenate(
        [edge_index[0], jnp.asarray(_PAD_SRC)]).reshape(NCHUNK, K)
    dst = jnp.concatenate(
        [edge_index[1], jnp.asarray(_PAD_DST)]).reshape(NCHUNK, K)

    hs = _mm1(x, W1)
    zeros1 = jnp.zeros((N_PAD, HW), jnp.float32)
    acc1 = _agg1(hs, src, dst, zeros1)

    w2p = jnp.pad(W2, ((0, 0), (0, W2EXT - C)))
    h2, rdeg = _fin1(acc1, b1.reshape(1, H), w2p)

    zeros2 = jnp.zeros((N_PAD, W2EXT), jnp.float32)
    acc2 = _agg2(h2, src, dst, zeros2)

    b2p = jnp.pad(b2, (0, W2EXT - C)).reshape(1, W2EXT)
    return _fin2(acc2, rdeg, b2p)

# --- scband reference (transcript-rebuilt; emitter-appended) ---
"""Pipeline reference for scband-gnn-42125039239909 (READ-ONLY COPY).

The authoritative reference and input builder live on the scoring server;
editing this copy changes nothing except your own understanding.
"""

import jax, jax.numpy as jnp
import numpy as np

N = 10000
E = 320000
D = 128
H = 128
C = 40


def setup_inputs(seed: int = 0) -> dict:
    key = jax.random.key(seed)
    k1, k2, k3, k4 = jax.random.split(key, 4)
    x = jax.random.normal(k1, (N, D), dtype=jnp.float32)
    edge_index = jax.random.randint(k2, (2, E), 0, N, dtype=jnp.int32)
    # Learned parameters for the two GraphConvolution layers (x @ W + b after aggregation)
    W1 = jax.random.normal(k3, (D, H), dtype=jnp.float32) * (1.0 / np.sqrt(D))
    b1 = jnp.zeros((H,), dtype=jnp.float32)
    W2 = jax.random.normal(k4, (H, C), dtype=jnp.float32) * (1.0 / np.sqrt(H))
    b2 = jnp.zeros((C,), dtype=jnp.float32)
    return {"x": x, "edge_index": edge_index, "W1": W1, "b1": b1, "W2": W2, "b2": b2}


def reference(x, edge_index, W1, b1, W2, b2):
    # adj is a row-normalized sparse adjacency (mean aggregation), materialized
    # from edge_index. GraphConvolution: out = adj @ (h @ W) + b.
    src = edge_index[0]
    dst = edge_index[1]
    ones = jnp.ones((E,), dtype=jnp.float32)
    deg = jax.ops.segment_sum(ones, dst, num_segments=N)
    deg = jnp.maximum(deg, 1.0)

    def gcn_layer(h, W, b):
        h = h @ W
        msg = jnp.take(h, src, axis=0)            # gather over edges
        agg = jax.ops.segment_sum(msg, dst, num_segments=N)  # scatter-add
        return agg / deg[:, None] + b

    # GNN.forward (eval mode -> dropout = identity)
    h = gcn_layer(x, W1, b1)
    h = jax.nn.relu(h)
    out = gcn_layer(h, W2, b2)
    return out

if __name__ == "__main__":
    import jax
    _d = setup_inputs()
    print(jax.jit(kernel)(*tuple(_d.values())))

</pallas_src>

<mosaic_0001>
#map = affine_map<(d0, d1) -> (0, 0, 0)>
#map1 = affine_map<(d0, d1) -> (0, 0)>
module attributes {stable_mosaic.version = 14 : i64} {
  func.func @agg(%arg0: i32, %arg1: i32, %arg2: memref<2x10000x72xf32, #tpu.memory_space<hbm>>, %arg3: memref<2560x128xi32, #tpu.memory_space<hbm>>, %arg4: memref<2560x128xi32, #tpu.memory_space<hbm>>, %arg5: memref<10112x72xf32, #tpu.memory_space<hbm>>, %arg6: memref<2x10112x72xf32, #tpu.memory_space<hbm>>, %arg7: memref<20x128xi32, #tpu.memory_space<vmem>>, %arg8: memref<20x128xi32, #tpu.memory_space<vmem>>, %arg9: memref<128x72xf32, #tpu.memory_space<vmem>>, %arg10: memref<128x72xf32, #tpu.memory_space<vmem>>, %arg11: memref<128x72xf32, #tpu.memory_space<vmem>>, %arg12: memref<128x72xf32, #tpu.memory_space<vmem>>, %arg13: memref<10112x72xf32, #tpu.memory_space<vmem_shared>>, %arg14: memref<!tpu.dma_semaphore, #tpu.memory_space<semaphore_mem>>, %arg15: memref<!tpu.dma_semaphore, #tpu.memory_space<semaphore_mem>>, %arg16: memref<!tpu.dma_semaphore, #tpu.memory_space<semaphore_mem>>, %arg17: memref<!tpu.dma_semaphore, #tpu.memory_space<semaphore_mem>>, %arg18: memref<!tpu.dma_semaphore, #tpu.memory_space<semaphore_mem>>, %arg19: memref<!tpu.dma_semaphore, #tpu.memory_space<semaphore_mem>>, %arg20: memref<!tpu.dma_semaphore, #tpu.memory_space<semaphore_mem>>, %arg21: memref<!tpu.dma_semaphore, #tpu.memory_space<semaphore_mem>>) attributes {dimension_semantics = [#tpu.dimension_semantics<core_parallel>, #tpu.dimension_semantics<subcore_parallel>], iteration_bounds = array<i64: 2, 16>, scalar_prefetch = 0 : i64, scratch_operands = 15 : i64, tpu.core_type = #tpu.core_type<sc_vector_subcore>, window_params = [{transform_indices = #map}, {transform_indices = #map1}, {transform_indices = #map1}, {transform_indices = #map1}, {transform_indices = #map}]} {
    %mul3A = arith.constant 632 : i32
    %mul3A_0 = arith.muli %arg1, %mul3A : i32
    "tpu.region"() ({
      %run_scoped3A = tpu.sem_alloc : memref<!tpu.dma_semaphore, #tpu.memory_space<semaphore_mem>>
      %dma_start3A = arith.constant 0 : i32
      %dma_start3A_8 = tpu.memref_slice %arg13[%mul3A_0, %dma_start3A] : memref<10112x72xf32, #tpu.memory_space<vmem_shared>> -> memref<632x72xf32, #tpu.memory_space<vmem_shared>>
      %dma_start3A_9 = arith.constant 0 : i32
      %dma_start3A_10 = tpu.memref_slice %arg5[%mul3A_0, %dma_start3A_9] : memref<10112x72xf32, #tpu.memory_space<hbm>> -> memref<632x72xf32, #tpu.memory_space<hbm>>
      tpu.enqueue_dma source(%dma_start3A_10 : memref<632x72xf32, #tpu.memory_space<hbm>>) target(%dma_start3A_8 : memref<632x72xf32, #tpu.memory_space<vmem_shared>>) target_semaphore(%run_scoped3A : memref<!tpu.dma_semaphore, #tpu.memory_space<semaphore_mem>>)
      %dma_wait3A = arith.constant 0 : i32
      %dma_wait3A_11 = tpu.memref_slice %arg13[%mul3A_0, %dma_wait3A] : memref<10112x72xf32, #tpu.memory_space<vmem_shared>> -> memref<632x72xf32, #tpu.memory_space<vmem_shared>>
      %dma_wait3A_12 = arith.constant 0 : i32
      %dma_wait3A_13 = tpu.memref_slice %arg5[%mul3A_0, %dma_wait3A_12] : memref<10112x72xf32, #tpu.memory_space<hbm>> -> memref<632x72xf32, #tpu.memory_space<hbm>>
      tpu.wait_dma2 semaphore(%run_scoped3A : memref<!tpu.dma_semaphore, #tpu.memory_space<semaphore_mem>>) src(%dma_wait3A_13 : memref<632x72xf32, #tpu.memory_space<hbm>>) dst(%dma_wait3A_11 : memref<632x72xf32, #tpu.memory_space<vmem_shared>>)
      tpu.yield
    }) : () -> ()
    %barrier3A = arith.constant 0 : index
    tpu.barrier barrier_id(%barrier3A)
    %mul3A_1 = arith.constant 160 : i32
    %mul3A_2 = arith.muli %arg1, %mul3A_1 : i32
    %scan3A = arith.constant 0 : i32
    %scan3A_3 = arith.constant 8 : i32
    %scan3A_4 = arith.addi %scan3A, %scan3A_3 : i32
    %scan3A_5 = arith.constant 1 : i32
    scf.for %scan3A_8 = %scan3A to %scan3A_4 step %scan3A_5  : i32 {
      %mul3A_9 = arith.constant 1 : i32
      %mul3A_10 = arith.muli %scan3A_8, %mul3A_9 : i32
      %add3A = arith.constant 0 : i32
      %add3A_11 = arith.addi %add3A, %mul3A_10 : i32
      %mul3A_12 = arith.constant 20 : i32
      %mul3A_13 = arith.muli %add3A_11, %mul3A_12 : i32
      %add3A_14 = arith.addi %mul3A_2, %mul3A_13 : i32
      "tpu.region"() ({
        %run_scoped3A = tpu.sem_alloc : memref<!tpu.dma_semaphore, #tpu.memory_space<semaphore_mem>>
        %dma_start3A_162 = arith.constant 0 : i32
        %dma_start3A_163 = tpu.memref_slice %arg3[%add3A_14, %dma_start3A_162] : memref<2560x128xi32, #tpu.memory_space<hbm>> -> memref<20x128xi32, #tpu.memory_space<hbm>>
        %dma_start3A_164 = arith.constant 0 : i32
        %dma_start3A_165 = tpu.memref_slice %arg3[%add3A_14, %dma_start3A_164] : memref<2560x128xi32, #tpu.memory_space<hbm>> -> memref<20x128xi32, #tpu.memory_space<hbm>>
        tpu.enqueue_dma source(%dma_start3A_165 : memref<20x128xi32, #tpu.memory_space<hbm>>) target(%arg7 : memref<20x128xi32, #tpu.memory_space<vmem>>) target_semaphore(%run_scoped3A : memref<!tpu.dma_semaphore, #tpu.memory_space<semaphore_mem>>)
        %dma_wait3A_166 = arith.constant 0 : i32
        %dma_wait3A_167 = tpu.memref_slice %arg3[%add3A_14, %dma_wait3A_166] : memref<2560x128xi32, #tpu.memory_space<hbm>> -> memref<20x128xi32, #tpu.memory_space<hbm>>
        %dma_wait3A_168 = arith.constant 0 : i32
        %dma_wait3A_169 = tpu.memref_slice %arg3[%add3A_14, %dma_wait3A_168] : memref<2560x128xi32, #tpu.memory_space<hbm>> -> memref<20x128xi32, #tpu.memory_space<hbm>>
        tpu.wait_dma2 semaphore(%run_scoped3A : memref<!tpu.dma_semaphore, #tpu.memory_space<semaphore_mem>>) src(%dma_wait3A_169 : memref<20x128xi32, #tpu.memory_space<hbm>>) dst(%arg7 : memref<20x128xi32, #tpu.memory_space<vmem>>)
        tpu.yield
      }) : () -> ()
      "tpu.region"() ({
        %run_scoped3A = tpu.sem_alloc : memref<!tpu.dma_semaphore, #tpu.memory_space<semaphore_mem>>
        %dma_start3A_162 = arith.constant 0 : i32
        %dma_start3A_163 = tpu.memref_slice %arg4[%add3A_14, %dma_start3A_162] : memref<2560x128xi32, #tpu.memory_space<hbm>> -> memref<20x128xi32, #tpu.memory_space<hbm>>
        %dma_start3A_164 = arith.constant 0 : i32
        %dma_start3A_165 = tpu.memref_slice %arg4[%add3A_14, %dma_start3A_164] : memref<2560x128xi32, #tpu.memory_space<hbm>> -> memref<20x128xi32, #tpu.memory_space<hbm>>
        tpu.enqueue_dma source(%dma_start3A_165 : memref<20x128xi32, #tpu.memory_space<hbm>>) target(%arg8 : memref<20x128xi32, #tpu.memory_space<vmem>>) target_semaphore(%run_scoped3A : memref<!tpu.dma_semaphore, #tpu.memory_space<semaphore_mem>>)
        %dma_wait3A_166 = arith.constant 0 : i32
        %dma_wait3A_167 = tpu.memref_slice %arg4[%add3A_14, %dma_wait3A_166] : memref<2560x128xi32, #tpu.memory_space<hbm>> -> memref<20x128xi32, #tpu.memory_space<hbm>>
        %dma_wait3A_168 = arith.constant 0 : i32
        %dma_wait3A_169 = tpu.memref_slice %arg4[%add3A_14, %dma_wait3A_168] : memref<2560x128xi32, #tpu.memory_space<hbm>> -> memref<20x128xi32, #tpu.memory_space<hbm>>
        tpu.wait_dma2 semaphore(%run_scoped3A : memref<!tpu.dma_semaphore, #tpu.memory_space<semaphore_mem>>) src(%dma_wait3A_169 : memref<20x128xi32, #tpu.memory_space<hbm>>) dst(%arg8 : memref<20x128xi32, #tpu.memory_space<vmem>>)
        tpu.yield
      }) : () -> ()
      %dma_start3A = arith.constant 0 : i32
      %dma_start3A_15 = arith.constant 0 : i32
      %dma_start3A_16 = tpu.memref_slice %arg7[%dma_start3A, %dma_start3A_15] : memref<20x128xi32, #tpu.memory_space<vmem>> -> memref<1x128xi32, #tpu.memory_space<vmem>>
      %dma_start3A_17 = tpu.memref_squeeze %dma_start3A_16 : memref<1x128xi32, #tpu.memory_space<vmem>> -> memref<128xi32, #tpu.memory_space<vmem>>
      %dma_start3A_18 = arith.constant 0 : i32
      %dma_start3A_19 = arith.constant 0 : i32
      %dma_start3A_20 = tpu.memref_slice %arg2[%arg0, %dma_start3A_18, %dma_start3A_19] : memref<2x10000x72xf32, #tpu.memory_space<hbm>> -> memref<1x10000x72xf32, #tpu.memory_space<hbm>>
      %dma_start3A_21 = tpu.memref_squeeze %dma_start3A_20 : memref<1x10000x72xf32, #tpu.memory_space<hbm>> -> memref<10000x72xf32, #tpu.memory_space<hbm>>
      %dma_start3A_22 = arith.constant 0 : i32
      %dma_start3A_23 = arith.constant 0 : i32
      %dma_start3A_24 = tpu.memref_slice %dma_start3A_21[%dma_start3A_22, %dma_start3A_23] : memref<10000x72xf32, #tpu.memory_space<hbm>> -> memref<10000x72xf32, #tpu.memory_space<hbm>>
      tpu.enqueue_indirect_dma source(%dma_start3A_24 : memref<10000x72xf32, #tpu.memory_space<hbm>>) target(%arg9 : memref<128x72xf32, #tpu.memory_space<vmem>>) offsets(%dma_start3A_17 : memref<128xi32, #tpu.memory_space<vmem>>) semaphore(%arg14 : memref<!tpu.dma_semaphore, #tpu.memory_space<semaphore_mem>>)
      %dma_start3A_25 = arith.constant 1 : i32
      %dma_start3A_26 = arith.constant 0 : i32
      %dma_start3A_27 = tpu.memref_slice %arg7[%dma_start3A_25, %dma_start3A_26] : memref<20x128xi32, #tpu.memory_space<vmem>> -> memref<1x128xi32, #tpu.memory_space<vmem>>
      %dma_start3A_28 = tpu.memref_squeeze %dma_start3A_27 : memref<1x128xi32, #tpu.memory_space<vmem>> -> memref<128xi32, #tpu.memory_space<vmem>>
      %dma_start3A_29 = arith.constant 0 : i32
      %dma_start3A_30 = arith.constant 0 : i32
      %dma_start3A_31 = tpu.memref_slice %arg2[%arg0, %dma_start3A_29, %dma_start3A_30] : memref<2x10000x72xf32, #tpu.memory_space<hbm>> -> memref<1x10000x72xf32, #tpu.memory_space<hbm>>
      %dma_start3A_32 = tpu.memref_squeeze %dma_start3A_31 : memref<1x10000x72xf32, #tpu.memory_space<hbm>> -> memref<10000x72xf32, #tpu.memory_space<hbm>>
      %dma_start3A_33 = arith.constant 0 : i32
      %dma_start3A_34 = arith.constant 0 : i32
      %dma_start3A_35 = tpu.memref_slice %dma_start3A_32[%dma_start3A_33, %dma_start3A_34] : memref<10000x72xf32, #tpu.memory_space<hbm>> -> memref<10000x72xf32, #tpu.memory_space<hbm>>
      tpu.enqueue_indirect_dma source(%dma_start3A_35 : memref<10000x72xf32, #tpu.memory_space<hbm>>) target(%arg10 : memref<128x72xf32, #tpu.memory_space<vmem>>) offsets(%dma_start3A_28 : memref<128xi32, #tpu.memory_space<vmem>>) semaphore(%arg15 : memref<!tpu.dma_semaphore, #tpu.memory_space<semaphore_mem>>)
      %dma_start3A_36 = arith.constant 2 : i32
      %dma_start3A_37 = arith.constant 0 : i32
      %dma_start3A_38 = tpu.memref_slice %arg7[%dma_start3A_36, %dma_start3A_37] : memref<20x128xi32, #tpu.memory_space<vmem>> -> memref<1x128xi32, #tpu.memory_space<vmem>>
      %dma_start3A_39 = tpu.memref_squeeze %dma_start3A_38 : memref<1x128xi32, #tpu.memory_space<vmem>> -> memref<128xi32, #tpu.memory_space<vmem>>
      %dma_start3A_40 = arith.constant 0 : i32
      %dma_start3A_41 = arith.constant 0 : i32
      %dma_start3A_42 = tpu.memref_slice %arg2[%arg0, %dma_start3A_40, %dma_start3A_41] : memref<2x10000x72xf32, #tpu.memory_space<hbm>> -> memref<1x10000x72xf32, #tpu.memory_space<hbm>>
      %dma_start3A_43 = tpu.memref_squeeze %dma_start3A_42 : memref<1x10000x72xf32, #tpu.memory_space<hbm>> -> memref<10000x72xf32, #tpu.memory_space<hbm>>
      %dma_start3A_44 = arith.constant 0 : i32
      %dma_start3A_45 = arith.constant 0 : i32
      %dma_start3A_46 = tpu.memref_slice %dma_start3A_43[%dma_start3A_44, %dma_start3A_45] : memref<10000x72xf32, #tpu.memory_space<hbm>> -> memref<10000x72xf32, #tpu.memory_space<hbm>>
      tpu.enqueue_indirect_dma source(%dma_start3A_46 : memref<10000x72xf32, #tpu.memory_space<hbm>>) target(%arg11 : memref<128x72xf32, #tpu.memory_space<vmem>>) offsets(%dma_start3A_39 : memref<128xi32, #tpu.memory_space<vmem>>) semaphore(%arg16 : memref<!tpu.dma_semaphore, #tpu.memory_space<semaphore_mem>>)
      %dma_start3A_47 = arith.constant 3 : i32
      %dma_start3A_48 = arith.constant 0 : i32
      %dma_start3A_49 = tpu.memref_slice %arg7[%dma_start3A_47, %dma_start3A_48] : memref<20x128xi32, #tpu.memory_space<vmem>> -> memref<1x128xi32, #tpu.memory_space<vmem>>
      %dma_start3A_50 = tpu.memref_squeeze %dma_start3A_49 : memref<1x128xi32, #tpu.memory_space<vmem>> -> memref<128xi32, #tpu.memory_space<vmem>>
      %dma_start3A_51 = arith.constant 0 : i32
      %dma_start3A_52 = arith.constant 0 : i32
      %dma_start3A_53 = tpu.memref_slice %arg2[%arg0, %dma_start3A_51, %dma_start3A_52] : memref<2x10000x72xf32, #tpu.memory_space<hbm>> -> memref<1x10000x72xf32, #tpu.memory_space<hbm>>
      %dma_start3A_54 = tpu.memref_squeeze %dma_start3A_53 : memref<1x10000x72xf32, #tpu.memory_space<hbm>> -> memref<10000x72xf32, #tpu.memory_space<hbm>>
      %dma_start3A_55 = arith.constant 0 : i32
      %dma_start3A_56 = arith.constant 0 : i32
      %dma_start3A_57 = tpu.memref_slice %dma_start3A_54[%dma_start3A_55, %dma_start3A_56] : memref<10000x72xf32, #tpu.memory_space<hbm>> -> memref<10000x72xf32, #tpu.memory_space<hbm>>
      tpu.enqueue_indirect_dma source(%dma_start3A_57 : memref<10000x72xf32, #tpu.memory_space<hbm>>) target(%arg12 : memref<128x72xf32, #tpu.memory_space<vmem>>) offsets(%dma_start3A_50 : memref<128xi32, #tpu.memory_space<vmem>>) semaphore(%arg17 : memref<!tpu.dma_semaphore, #tpu.memory_space<semaphore_mem>>)
      %dma_wait3A = arith.constant 0 : i32
      %dma_wait3A_58 = arith.constant 0 : i32
      %dma_wait3A_59 = tpu.memref_slice %arg7[%dma_wait3A, %dma_wait3A_58] : memref<20x128xi32, #tpu.memory_space<vmem>> -> memref<1x128xi32, #tpu.memory_space<vmem>>
      %dma_wait3A_60 = tpu.memref_squeeze %dma_wait3A_59 : memref<1x128xi32, #tpu.memory_space<vmem>> -> memref<128xi32, #tpu.memory_space<vmem>>
      %dma_wait3A_61 = arith.constant 0 : i32
      %dma_wait3A_62 = arith.constant 0 : i32
      %dma_wait3A_63 = tpu.memref_slice %arg2[%arg0, %dma_wait3A_61, %dma_wait3A_62] : memref<2x10000x72xf32, #tpu.memory_space<hbm>> -> memref<1x10000x72xf32, #tpu.memory_space<hbm>>
      %dma_wait3A_64 = tpu.memref_squeeze %dma_wait3A_63 : memref<1x10000x72xf32, #tpu.memory_space<hbm>> -> memref<10000x72xf32, #tpu.memory_space<hbm>>
      %dma_wait3A_65 = arith.constant 0 : i32
      %dma_wait3A_66 = arith.constant 0 : i32
      %dma_wait3A_67 = tpu.memref_slice %dma_wait3A_64[%dma_wait3A_65, %dma_wait3A_66] : memref<10000x72xf32, #tpu.memory_space<hbm>> -> memref<10000x72xf32, #tpu.memory_space<hbm>>
      tpu.wait_indirect_dma semaphore(%arg14 : memref<!tpu.dma_semaphore, #tpu.memory_space<semaphore_mem>>) src(%dma_wait3A_67 : memref<10000x72xf32, #tpu.memory_space<hbm>>) dst(%arg9 : memref<128x72xf32, #tpu.memory_space<vmem>>)
      %dma_start3A_68 = arith.constant 0 : i32
      %dma_start3A_69 = arith.constant 0 : i32
      %dma_start3A_70 = tpu.memref_slice %arg8[%dma_start3A_68, %dma_start3A_69] : memref<20x128xi32, #tpu.memory_space<vmem>> -> memref<1x128xi32, #tpu.memory_space<vmem>>
      %dma_start3A_71 = tpu.memref_squeeze %dma_start3A_70 : memref<1x128xi32, #tpu.memory_space<vmem>> -> memref<128xi32, #tpu.memory_space<vmem>>
      %dma_start3A_72 = arith.constant 0 : i32
      %dma_start3A_73 = arith.constant 0 : i32
      %dma_start3A_74 = tpu.memref_slice %arg13[%dma_start3A_72, %dma_start3A_73] : memref<10112x72xf32, #tpu.memory_space<vmem_shared>> -> memref<10112x72xf32, #tpu.memory_space<vmem_shared>>
      tpu.enqueue_indirect_dma source(%arg9 : memref<128x72xf32, #tpu.memory_space<vmem>>) target(%dma_start3A_74 : memref<10112x72xf32, #tpu.memory_space<vmem_shared>>) offsets(%dma_start3A_71 : memref<128xi32, #tpu.memory_space<vmem>>) semaphore(%arg18 : memref<!tpu.dma_semaphore, #tpu.memory_space<semaphore_mem>>) {add = true}
      %dma_wait3A_75 = arith.constant 1 : i32
      %dma_wait3A_76 = arith.constant 0 : i32
      %dma_wait3A_77 = tpu.memref_slice %arg7[%dma_wait3A_75, %dma_wait3A_76] : memref<20x128xi32, #tpu.memory_space<vmem>> -> memref<1x128xi32, #tpu.memory_space<vmem>>
      %dma_wait3A_78 = tpu.memref_squeeze %dma_wait3A_77 : memref<1x128xi32, #tpu.memory_space<vmem>> -> memref<128xi32, #tpu.memory_space<vmem>>
      %dma_wait3A_79 = arith.constant 0 : i32
      %dma_wait3A_80 = arith.constant 0 : i32
      %dma_wait3A_81 = tpu.memref_slice %arg2[%arg0, %dma_wait3A_79, %dma_wait3A_80] : memref<2x10000x72xf32, #tpu.memory_space<hbm>> -> memref<1x10000x72xf32, #tpu.memory_space<hbm>>
      %dma_wait3A_82 = tpu.memref_squeeze %dma_wait3A_81 : memref<1x10000x72xf32, #tpu.memory_space<hbm>> -> memref<10000x72xf32, #tpu.memory_space<hbm>>
      %dma_wait3A_83 = arith.constant 0 : i32
      %dma_wait3A_84 = arith.constant 0 : i32
      %dma_wait3A_85 = tpu.memref_slice %dma_wait3A_82[%dma_wait3A_83, %dma_wait3A_84] : memref<10000x72xf32, #tpu.memory_space<hbm>> -> memref<10000x72xf32, #tpu.memory_space<hbm>>
      tpu.wait_indirect_dma semaphore(%arg15 : memref<!tpu.dma_semaphore, #tpu.memory_space<semaphore_mem>>) src(%dma_wait3A_85 : memref<10000x72xf32, #tpu.memory_space<hbm>>) dst(%arg10 : memref<128x72xf32, #tpu.memory_space<vmem>>)
      %dma_start3A_86 = arith.constant 1 : i32
      %dma_start3A_87 = arith.constant 0 : i32
      %dma_start3A_88 = tpu.memref_slice %arg8[%dma_start3A_86, %dma_start3A_87] : memref<20x128xi32, #tpu.memory_space<vmem>> -> memref<1x128xi32, #tpu.memory_space<vmem>>
      %dma_start3A_89 = tpu.memref_squeeze %dma_start3A_88 : memref<1x128xi32, #tpu.memory_space<vmem>> -> memref<128xi32, #tpu.memory_space<vmem>>
      %dma_start3A_90 = arith.constant 0 : i32
      %dma_start3A_91 = arith.constant 0 : i32
      %dma_start3A_92 = tpu.memref_slice %arg13[%dma_start3A_90, %dma_start3A_91] : memref<10112x72xf32, #tpu.memory_space<vmem_shared>> -> memref<10112x72xf32, #tpu.memory_space<vmem_shared>>
      tpu.enqueue_indirect_dma source(%arg10 : memref<128x72xf32, #tpu.memory_space<vmem>>) target(%dma_start3A_92 : memref<10112x72xf32, #tpu.memory_space<vmem_shared>>) offsets(%dma_start3A_89 : memref<128xi32, #tpu.memory_space<vmem>>) semaphore(%arg19 : memref<!tpu.dma_semaphore, #tpu.memory_space<semaphore_mem>>) {add = true}
      %dma_wait3A_93 = arith.constant 2 : i32
      %dma_wait3A_94 = arith.constant 0 : i32
      %dma_wait3A_95 = tpu.memref_slice %arg7[%dma_wait3A_93, %dma_wait3A_94] : memref<20x128xi32, #tpu.memory_space<vmem>> -> memref<1x128xi32, #tpu.memory_space<vmem>>
      %dma_wait3A_96 = tpu.memref_squeeze %dma_wait3A_95 : memref<1x128xi32, #tpu.memory_space<vmem>> -> memref<128xi32, #tpu.memory_space<vmem>>
      %dma_wait3A_97 = arith.constant 0 : i32
      %dma_wait3A_98 = arith.constant 0 : i32
      %dma_wait3A_99 = tpu.memref_slice %arg2[%arg0, %dma_wait3A_97, %dma_wait3A_98] : memref<2x10000x72xf32, #tpu.memory_space<hbm>> -> memref<1x10000x72xf32, #tpu.memory_space<hbm>>
      %dma_wait3A_100 = tpu.memref_squeeze %dma_wait3A_99 : memref<1x10000x72xf32, #tpu.memory_space<hbm>> -> memref<10000x72xf32, #tpu.memory_space<hbm>>
      %dma_wait3A_101 = arith.constant 0 : i32
      %dma_wait3A_102 = arith.constant 0 : i32
      %dma_wait3A_103 = tpu.memref_slice %dma_wait3A_100[%dma_wait3A_101, %dma_wait3A_102] : memref<10000x72xf32, #tpu.memory_space<hbm>> -> memref<10000x72xf32, #tpu.memory_space<hbm>>
      tpu.wait_indirect_dma semaphore(%arg16 : memref<!tpu.dma_semaphore, #tpu.memory_space<semaphore_mem>>) src(%dma_wait3A_103 : memref<10000x72xf32, #tpu.memory_space<hbm>>) dst(%arg11 : memref<128x72xf32, #tpu.memory_space<vmem>>)
      %dma_start3A_104 = arith.constant 2 : i32
      %dma_start3A_105 = arith.constant 0 : i32
      %dma_start3A_106 = tpu.memref_slice %arg8[%dma_start3A_104, %dma_start3A_105] : memref<20x128xi32, #tpu.memory_space<vmem>> -> memref<1x128xi32, #tpu.memory_space<vmem>>
      %dma_start3A_107 = tpu.memref_squeeze %dma_start3A_106 : memref<1x128xi32, #tpu.memory_space<vmem>> -> memref<128xi32, #tpu.memory_space<vmem>>
      %dma_start3A_108 = arith.constant 0 : i32
      %dma_start3A_109 = arith.constant 0 : i32
      %dma_start3A_110 = tpu.memref_slice %arg13[%dma_start3A_108, %dma_start3A_109] : memref<10112x72xf32, #tpu.memory_space<vmem_shared>> -> memref<10112x72xf32, #tpu.memory_space<vmem_shared>>
      tpu.enqueue_indirect_dma source(%arg11 : memref<128x72xf32, #tpu.memory_space<vmem>>) target(%dma_start3A_110 : memref<10112x72xf32, #tpu.memory_space<vmem_shared>>) offsets(%dma_start3A_107 : memref<128xi32, #tpu.memory_space<vmem>>) semaphore(%arg20 : memref<!tpu.dma_semaphore, #tpu.memory_space<semaphore_mem>>) {add = true}
      %dma_wait3A_111 = arith.constant 3 : i32
      %dma_wait3A_112 = arith.constant 0 : i32
      %dma_wait3A_113 = tpu.memref_slice %arg7[%dma_wait3A_111, %dma_wait3A_112] : memref<20x128xi32, #tpu.memory_space<vmem>> -> memref<1x128xi32, #tpu.memory_space<vmem>>
      %dma_wait3A_114 = tpu.memref_squeeze %dma_wait3A_113 : memref<1x128xi32, #tpu.memory_space<vmem>> -> memref<128xi32, #tpu.memory_space<vmem>>
      %dma_wait3A_115 = arith.constant 0 : i32
      %dma_wait3A_116 = arith.constant 0 : i32
      %dma_wait3A_117 = tpu.memref_slice %arg2[%arg0, %dma_wait3A_115, %dma_wait3A_116] : memref<2x10000x72xf32, #tpu.memory_space<hbm>> -> memref<1x10000x72xf32, #tpu.memory_space<hbm>>
      %dma_wait3A_118 = tpu.memref_squeeze %dma_wait3A_117 : memref<1x10000x72xf32, #tpu.memory_space<hbm>> -> memref<10000x72xf32, #tpu.memory_space<hbm>>
      %dma_wait3A_119 = arith.constant 0 : i32
      %dma_wait3A_120 = arith.constant 0 : i32
      %dma_wait3A_121 = tpu.memref_slice %dma_wait3A_118[%dma_wait3A_119, %dma_wait3A_120] : memref<10000x72xf32, #tpu.memory_space<hbm>> -> memref<10000x72xf32, #tpu.memory_space<hbm>>
      tpu.wait_indirect_dma semaphore(%arg17 : memref<!tpu.dma_semaphore, #tpu.memory_space<semaphore_mem>>) src(%dma_wait3A_121 : memref<10000x72xf32, #tpu.memory_space<hbm>>) dst(%arg12 : memref<128x72xf32, #tpu.memory_space<vmem>>)
      %dma_start3A_122 = arith.constant 3 : i32
      %dma_start3A_123 = arith.constant 0 : i32
      %dma_start3A_124 = tpu.memref_slice %arg8[%dma_start3A_122, %dma_start3A_123] : memref<20x128xi32, #tpu.memory_space<vmem>> -> memref<1x128xi32, #tpu.memory_space<vmem>>
      %dma_start3A_125 = tpu.memref_squeeze %dma_start3A_124 : memref<1x128xi32, #tpu.memory_space<vmem>> -> memref<128xi32, #tpu.memory_space<vmem>>
      %dma_start3A_126 = arith.constant 0 : i32
      %dma_start3A_127 = arith.constant 0 : i32
      %dma_start3A_128 = tpu.memref_slice %arg13[%dma_start3A_126, %dma_start3A_127] : memref<10112x72xf32, #tpu.memory_space<vmem_shared>> -> memref<10112x72xf32, #tpu.memory_space<vmem_shared>>
      tpu.enqueue_indirect_dma source(%arg12 : memref<128x72xf32, #tpu.memory_space<vmem>>) target(%dma_start3A_128 : memref<10112x72xf32, #tpu.memory_space<vmem_shared>>) offsets(%dma_start3A_125 : memref<128xi32, #tpu.memory_space<vmem>>) semaphore(%arg21 : memref<!tpu.dma_semaphore, #tpu.memory_space<semaphore_mem>>) {add = true}
      %scan3A_129 = arith.constant 0 : i32
      %scan3A_130 = arith.constant 4 : i32
      %scan3A_131 = arith.addi %scan3A_129, %scan3A_130 : i32
      %scan3A_132 = arith.constant 1 : i32
      scf.for %scan3A_162 = %scan3A_129 to %scan3A_131 step %scan3A_132  : i32 {
        %mul3A_163 = arith.constant 4 : i32
        %mul3A_164 = arith.muli %scan3A_162, %mul3A_163 : i32
        %add3A_165 = arith.constant 4 : i32
        %add3A_166 = arith.addi %add3A_165, %mul3A_164 : i32
        %add3A_167 = arith.constant 0 : i32
        %add3A_168 = arith.addi %add3A_166, %add3A_167 : i32
        %sub3A = arith.constant 4 : i32
        %sub3A_169 = arith.subi %add3A_168, %sub3A : i32
        %dma_wait3A_170 = arith.constant 0 : i32
        %dma_wait3A_171 = tpu.memref_slice %arg8[%sub3A_169, %dma_wait3A_170] : memref<20x128xi32, #tpu.memory_space<vmem>> -> memref<1x128xi32, #tpu.memory_space<vmem>>
        %dma_wait3A_172 = tpu.memref_squeeze %dma_wait3A_171 : memref<1x128xi32, #tpu.memory_space<vmem>> -> memref<128xi32, #tpu.memory_space<vmem>>
        %dma_wait3A_173 = arith.constant 0 : i32
        %dma_wait3A_174 = arith.constant 0 : i32
        %dma_wait3A_175 = tpu.memref_slice %arg13[%dma_wait3A_173, %dma_wait3A_174] : memref<10112x72xf32, #tpu.memory_space<vmem_shared>> -> memref<10112x72xf32, #tpu.memory_space<vmem_shared>>
        tpu.wait_indirect_dma semaphore(%arg18 : memref<!tpu.dma_semaphore, #tpu.memory_space<semaphore_mem>>) src(%arg9 : memref<128x72xf32, #tpu.memory_space<vmem>>) dst(%dma_wait3A_175 : memref<10112x72xf32, #tpu.memory_space<vmem_shared>>)
        %add3A_176 = arith.constant 0 : i32
        %add3A_177 = arith.addi %add3A_166, %add3A_176 : i32
        %dma_start3A_178 = arith.constant 0 : i32
        %dma_start3A_179 = tpu.memref_slice %arg7[%add3A_177, %dma_start3A_178] : memref<20x128xi32, #tpu.memory_space<vmem>> -> memref<1x128xi32, #tpu.memory_space<vmem>>
        %dma_start3A_180 = tpu.memref_squeeze %dma_start3A_179 : memref<1x128xi32, #tpu.memory_space<vmem>> -> memref<128xi32, #tpu.memory_space<vmem>>
        %dma_start3A_181 = arith.constant 0 : i32
        %dma_start3A_182 = arith.constant 0 : i32
        %dma_start3A_183 = tpu.memref_slice %arg2[%arg0, %dma_start3A_181, %dma_start3A_182] : memref<2x10000x72xf32, #tpu.memory_space<hbm>> -> memref<1x10000x72xf32, #tpu.memory_space<hbm>>
        %dma_start3A_184 = tpu.memref_squeeze %dma_start3A_183 : memref<1x10000x72xf32, #tpu.memory_space<hbm>> -> memref<10000x72xf32, #tpu.memory_space<hbm>>
        %dma_start3A_185 = arith.constant 0 : i32
        %dma_start3A_186 = arith.constant 0 : i32
        %dma_start3A_187 = tpu.memref_slice %dma_start3A_184[%dma_start3A_185, %dma_start3A_186] : memref<10000x72xf32, #tpu.memory_space<hbm>> -> memref<10000x72xf32, #tpu.memory_space<hbm>>
        tpu.enqueue_indirect_dma source(%dma_start3A_187 : memref<10000x72xf32, #tpu.memory_space<hbm>>) target(%arg9 : memref<128x72xf32, #tpu.memory_space<vmem>>) offsets(%dma_start3A_180 : memref<128xi32, #tpu.memory_space<vmem>>) semaphore(%arg14 : memref<!tpu.dma_semaphore, #tpu.memory_space<semaphore_mem>>)
        %add3A_188 = arith.constant 1 : i32
        %add3A_189 = arith.addi %add3A_166, %add3A_188 : i32
        %sub3A_190 = arith.constant 4 : i32
        %sub3A_191 = arith.subi %add3A_189, %sub3A_190 : i32
        %dma_wait3A_192 = arith.constant 0 : i32
        %dma_wait3A_193 = tpu.memref_slice %arg8[%sub3A_191, %dma_wait3A_192] : memref<20x128xi32, #tpu.memory_space<vmem>> -> memref<1x128xi32, #tpu.memory_space<vmem>>
        %dma_wait3A_194 = tpu.memref_squeeze %dma_wait3A_193 : memref<1x128xi32, #tpu.memory_space<vmem>> -> memref<128xi32, #tpu.memory_space<vmem>>
        %dma_wait3A_195 = arith.constant 0 : i32
        %dma_wait3A_196 = arith.constant 0 : i32
        %dma_wait3A_197 = tpu.memref_slice %arg13[%dma_wait3A_195, %dma_wait3A_196] : memref<10112x72xf32, #tpu.memory_space<vmem_shared>> -> memref<10112x72xf32, #tpu.memory_space<vmem_shared>>
        tpu.wait_indirect_dma semaphore(%arg19 : memref<!tpu.dma_semaphore, #tpu.memory_space<semaphore_mem>>) src(%arg10 : memref<128x72xf32, #tpu.memory_space<vmem>>) dst(%dma_wait3A_197 : memref<10112x72xf32, #tpu.memory_space<vmem_shared>>)
        %add3A_198 = arith.constant 1 : i32
        %add3A_199 = arith.addi %add3A_166, %add3A_198 : i32
        %dma_start3A_200 = arith.constant 0 : i32
        %dma_start3A_201 = tpu.memref_slice %arg7[%add3A_199, %dma_start3A_200] : memref<20x128xi32, #tpu.memory_space<vmem>> -> memref<1x128xi32, #tpu.memory_space<vmem>>
        %dma_start3A_202 = tpu.memref_squeeze %dma_start3A_201 : memref<1x128xi32, #tpu.memory_space<vmem>> -> memref<128xi32, #tpu.memory_space<vmem>>
        %dma_start3A_203 = arith.constant 0 : i32
        %dma_start3A_204 = arith.constant 0 : i32
        %dma_start3A_205 = tpu.memref_slice %arg2[%arg0, %dma_start3A_203, %dma_start3A_204] : memref<2x10000x72xf32, #tpu.memory_space<hbm>> -> memref<1x10000x72xf32, #tpu.memory_space<hbm>>
        %dma_start3A_206 = tpu.memref_squeeze %dma_start3A_205 : memref<1x10000x72xf32, #tpu.memory_space<hbm>> -> memref<10000x72xf32, #tpu.memory_space<hbm>>
        %dma_start3A_207 = arith.constant 0 : i32
        %dma_start3A_208 = arith.constant 0 : i32
        %dma_start3A_209 = tpu.memref_slice %dma_start3A_206[%dma_start3A_207, %dma_start3A_208] : memref<10000x72xf32, #tpu.memory_space<hbm>> -> memref<10000x72xf32, #tpu.memory_space<hbm>>
        tpu.enqueue_indirect_dma source(%dma_start3A_209 : memref<10000x72xf32, #tpu.memory_space<hbm>>) target(%arg10 : memref<128x72xf32, #tpu.memory_space<vmem>>) offsets(%dma_start3A_202 : memref<128xi32, #tpu.memory_space<vmem>>) semaphore(%arg15 : memref<!tpu.dma_semaphore, #tpu.memory_space<semaphore_mem>>)
        %add3A_210 = arith.constant 2 : i32
        %add3A_211 = arith.addi %add3A_166, %add3A_210 : i32
        %sub3A_212 = arith.constant 4 : i32
        %sub3A_213 = arith.subi %add3A_211, %sub3A_212 : i32
        %dma_wait3A_214 = arith.constant 0 : i32
        %dma_wait3A_215 = tpu.memref_slice %arg8[%sub3A_213, %dma_wait3A_214] : memref<20x128xi32, #tpu.memory_space<vmem>> -> memref<1x128xi32, #tpu.memory_space<vmem>>
        %dma_wait3A_216 = tpu.memref_squeeze %dma_wait3A_215 : memref<1x128xi32, #tpu.memory_space<vmem>> -> memref<128xi32, #tpu.memory_space<vmem>>
        %dma_wait3A_217 = arith.constant 0 : i32
        %dma_wait3A_218 = arith.constant 0 : i32
        %dma_wait3A_219 = tpu.memref_slice %arg13[%dma_wait3A_217, %dma_wait3A_218] : memref<10112x72xf32, #tpu.memory_space<vmem_shared>> -> memref<10112x72xf32, #tpu.memory_space<vmem_shared>>
        tpu.wait_indirect_dma semaphore(%arg20 : memref<!tpu.dma_semaphore, #tpu.memory_space<semaphore_mem>>) src(%arg11 : memref<128x72xf32, #tpu.memory_space<vmem>>) dst(%dma_wait3A_219 : memref<10112x72xf32, #tpu.memory_space<vmem_shared>>)
        %add3A_220 = arith.constant 2 : i32
        %add3A_221 = arith.addi %add3A_166, %add3A_220 : i32
        %dma_start3A_222 = arith.constant 0 : i32
        %dma_start3A_223 = tpu.memref_slice %arg7[%add3A_221, %dma_start3A_222] : memref<20x128xi32, #tpu.memory_space<vmem>> -> memref<1x128xi32, #tpu.memory_space<vmem>>
        %dma_start3A_224 = tpu.memref_squeeze %dma_start3A_223 : memref<1x128xi32, #tpu.memory_space<vmem>> -> memref<128xi32, #tpu.memory_space<vmem>>
        %dma_start3A_225 = arith.constant 0 : i32
        %dma_start3A_226 = arith.constant 0 : i32
        %dma_start3A_227 = tpu.memref_slice %arg2[%arg0, %dma_start3A_225, %dma_start3A_226] : memref<2x10000x72xf32, #tpu.memory_space<hbm>> -> memref<1x10000x72xf32, #tpu.memory_space<hbm>>
        %dma_start3A_228 = tpu.memref_squeeze %dma_start3A_227 : memref<1x10000x72xf32, #tpu.memory_space<hbm>> -> memref<10000x72xf32, #tpu.memory_space<hbm>>
        %dma_start3A_229 = arith.constant 0 : i32
        %dma_start3A_230 = arith.constant 0 : i32
        %dma_start3A_231 = tpu.memref_slice %dma_start3A_228[%dma_start3A_229, %dma_start3A_230] : memref<10000x72xf32, #tpu.memory_space<hbm>> -> memref<10000x72xf32, #tpu.memory_space<hbm>>
        tpu.enqueue_indirect_dma source(%dma_start3A_231 : memref<10000x72xf32, #tpu.memory_space<hbm>>) target(%arg11 : memref<128x72xf32, #tpu.memory_space<vmem>>) offsets(%dma_start3A_224 : memref<128xi32, #tpu.memory_space<vmem>>) semaphore(%arg16 : memref<!tpu.dma_semaphore, #tpu.memory_space<semaphore_mem>>)
        %add3A_232 = arith.constant 3 : i32
        %add3A_233 = arith.addi %add3A_166, %add3A_232 : i32
        %sub3A_234 = arith.constant 4 : i32
        %sub3A_235 = arith.subi %add3A_233, %sub3A_234 : i32
        %dma_wait3A_236 = arith.constant 0 : i32
        %dma_wait3A_237 = tpu.memref_slice %arg8[%sub3A_235, %dma_wait3A_236] : memref<20x128xi32, #tpu.memory_space<vmem>> -> memref<1x128xi32, #tpu.memory_space<vmem>>
        %dma_wait3A_238 = tpu.memref_squeeze %dma_wait3A_237 : memref<1x128xi32, #tpu.memory_space<vmem>> -> memref<128xi32, #tpu.memory_space<vmem>>
        %dma_wait3A_239 = arith.constant 0 : i32
        %dma_wait3A_240 = arith.constant 0 : i32
        %dma_wait3A_241 = tpu.memref_slice %arg13[%dma_wait3A_239, %dma_wait3A_240] : memref<10112x72xf32, #tpu.memory_space<vmem_shared>> -> memref<10112x72xf32, #tpu.memory_space<vmem_shared>>
        tpu.wait_indirect_dma semaphore(%arg21 : memref<!tpu.dma_semaphore, #tpu.memory_space<semaphore_mem>>) src(%arg12 : memref<128x72xf32, #tpu.memory_space<vmem>>) dst(%dma_wait3A_241 : memref<10112x72xf32, #tpu.memory_space<vmem_shared>>)
        %add3A_242 = arith.constant 3 : i32
        %add3A_243 = arith.addi %add3A_166, %add3A_242 : i32
        %dma_start3A_244 = arith.constant 0 : i32
        %dma_start3A_245 = tpu.memref_slice %arg7[%add3A_243, %dma_start3A_244] : memref<20x128xi32, #tpu.memory_space<vmem>> -> memref<1x128xi32, #tpu.memory_space<vmem>>
        %dma_start3A_246 = tpu.memref_squeeze %dma_start3A_245 : memref<1x128xi32, #tpu.memory_space<vmem>> -> memref<128xi32, #tpu.memory_space<vmem>>
        %dma_start3A_247 = arith.constant 0 : i32
        %dma_start3A_248 = arith.constant 0 : i32
        %dma_start3A_249 = tpu.memref_slice %arg2[%arg0, %dma_start3A_247, %dma_start3A_248] : memref<2x10000x72xf32, #tpu.memory_space<hbm>> -> memref<1x10000x72xf32, #tpu.memory_space<hbm>>
        %dma_start3A_250 = tpu.memref_squeeze %dma_start3A_249 : memref<1x10000x72xf32, #tpu.memory_space<hbm>> -> memref<10000x72xf32, #tpu.memory_space<hbm>>
        %dma_start3A_251 = arith.constant 0 : i32
        %dma_start3A_252 = arith.constant 0 : i32
        %dma_start3A_253 = tpu.memref_slice %dma_start3A_250[%dma_start3A_251, %dma_start3A_252] : memref<10000x72xf32, #tpu.memory_space<hbm>> -> memref<10000x72xf32, #tpu.memory_space<hbm>>
        tpu.enqueue_indirect_dma source(%dma_start3A_253 : memref<10000x72xf32, #tpu.memory_space<hbm>>) target(%arg12 : memref<128x72xf32, #tpu.memory_space<vmem>>) offsets(%dma_start3A_246 : memref<128xi32, #tpu.memory_space<vmem>>) semaphore(%arg17 : memref<!tpu.dma_semaphore, #tpu.memory_space<semaphore_mem>>)
        %add3A_254 = arith.constant 0 : i32
        %add3A_255 = arith.addi %add3A_166, %add3A_254 : i32
        %dma_wait3A_256 = arith.constant 0 : i32
        %dma_wait3A_257 = tpu.memref_slice %arg7[%add3A_255, %dma_wait3A_256] : memref<20x128xi32, #tpu.memory_space<vmem>> -> memref<1x128xi32, #tpu.memory_space<vmem>>
        %dma_wait3A_258 = tpu.memref_squeeze %dma_wait3A_257 : memref<1x128xi32, #tpu.memory_space<vmem>> -> memref<128xi32, #tpu.memory_space<vmem>>
        %dma_wait3A_259 = arith.constant 0 : i32
        %dma_wait3A_260 = arith.constant 0 : i32
        %dma_wait3A_261 = tpu.memref_slice %arg2[%arg0, %dma_wait3A_259, %dma_wait3A_260] : memref<2x10000x72xf32, #tpu.memory_space<hbm>> -> memref<1x10000x72xf32, #tpu.memory_space<hbm>>
        %dma_wait3A_262 = tpu.memref_squeeze %dma_wait3A_261 : memref<1x10000x72xf32, #tpu.memory_space<hbm>> -> memref<10000x72xf32, #tpu.memory_space<hbm>>
        %dma_wait3A_263 = arith.constant 0 : i32
        %dma_wait3A_264 = arith.constant 0 : i32
        %dma_wait3A_265 = tpu.memref_slice %dma_wait3A_262[%dma_wait3A_263, %dma_wait3A_264] : memref<10000x72xf32, #tpu.memory_space<hbm>> -> memref<10000x72xf32, #tpu.memory_space<hbm>>
        tpu.wait_indirect_dma semaphore(%arg14 : memref<!tpu.dma_semaphore, #tpu.memory_space<semaphore_mem>>) src(%dma_wait3A_265 : memref<10000x72xf32, #tpu.memory_space<hbm>>) dst(%arg9 : memref<128x72xf32, #tpu.memory_space<vmem>>)
        %add3A_266 = arith.constant 0 : i32
        %add3A_267 = arith.addi %add3A_166, %add3A_266 : i32
        %dma_start3A_268 = arith.constant 0 : i32
        %dma_start3A_269 = tpu.memref_slice %arg8[%add3A_267, %dma_start3A_268] : memref<20x128xi32, #tpu.memory_space<vmem>> -> memref<1x128xi32, #tpu.memory_space<vmem>>
        %dma_start3A_270 = tpu.memref_squeeze %dma_start3A_269 : memref<1x128xi32, #tpu.memory_space<vmem>> -> memref<128xi32, #tpu.memory_space<vmem>>
        %dma_start3A_271 = arith.constant 0 : i32
        %dma_start3A_272 = arith.constant 0 : i32
        %dma_start3A_273 = tpu.memref_slice %arg13[%dma_start3A_271, %dma_start3A_272] : memref<10112x72xf32, #tpu.memory_space<vmem_shared>> -> memref<10112x72xf32, #tpu.memory_space<vmem_shared>>
        tpu.enqueue_indirect_dma source(%arg9 : memref<128x72xf32, #tpu.memory_space<vmem>>) target(%dma_start3A_273 : memref<10112x72xf32, #tpu.memory_space<vmem_shared>>) offsets(%dma_start3A_270 : memref<128xi32, #tpu.memory_space<vmem>>) semaphore(%arg18 : memref<!tpu.dma_semaphore, #tpu.memory_space<semaphore_mem>>) {add = true}
        %add3A_274 = arith.constant 1 : i32
        %add3A_275 = arith.addi %add3A_166, %add3A_274 : i32
        %dma_wait3A_276 = arith.constant 0 : i32
        %dma_wait3A_277 = tpu.memref_slice %arg7[%add3A_275, %dma_wait3A_276] : memref<20x128xi32, #tpu.memory_space<vmem>> -> memref<1x128xi32, #tpu.memory_space<vmem>>
        %dma_wait3A_278 = tpu.memref_squeeze %dma_wait3A_277 : memref<1x128xi32, #tpu.memory_space<vmem>> -> memref<128xi32, #tpu.memory_space<vmem>>
        %dma_wait3A_279 = arith.constant 0 : i32
        %dma_wait3A_280 = arith.constant 0 : i32
        %dma_wait3A_281 = tpu.memref_slice %arg2[%arg0, %dma_wait3A_279, %dma_wait3A_280] : memref<2x10000x72xf32, #tpu.memory_space<hbm>> -> memref<1x10000x72xf32, #tpu.memory_space<hbm>>
        %dma_wait3A_282 = tpu.memref_squeeze %dma_wait3A_281 : memref<1x10000x72xf32, #tpu.memory_space<hbm>> -> memref<10000x72xf32, #tpu.memory_space<hbm>>
        %dma_wait3A_283 = arith.constant 0 : i32
        %dma_wait3A_284 = arith.constant 0 : i32
        %dma_wait3A_285 = tpu.memref_slice %dma_wait3A_282[%dma_wait3A_283, %dma_wait3A_284] : memref<10000x72xf32, #tpu.memory_space<hbm>> -> memref<10000x72xf32, #tpu.memory_space<hbm>>
        tpu.wait_indirect_dma semaphore(%arg15 : memref<!tpu.dma_semaphore, #tpu.memory_space<semaphore_mem>>) src(%dma_wait3A_285 : memref<10000x72xf32, #tpu.memory_space<hbm>>) dst(%arg10 : memref<128x72xf32, #tpu.memory_space<vmem>>)
        %add3A_286 = arith.constant 1 : i32
        %add3A_287 = arith.addi %add3A_166, %add3A_286 : i32
        %dma_start3A_288 = arith.constant 0 : i32
        %dma_start3A_289 = tpu.memref_slice %arg8[%add3A_287, %dma_start3A_288] : memref<20x128xi32, #tpu.memory_space<vmem>> -> memref<1x128xi32, #tpu.memory_space<vmem>>
        %dma_start3A_290 = tpu.memref_squeeze %dma_start3A_289 : memref<1x128xi32, #tpu.memory_space<vmem>> -> memref<128xi32, #tpu.memory_space<vmem>>
        %dma_start3A_291 = arith.constant 0 : i32
        %dma_start3A_292 = arith.constant 0 : i32
        %dma_start3A_293 = tpu.memref_slice %arg13[%dma_start3A_291, %dma_start3A_292] : memref<10112x72xf32, #tpu.memory_space<vmem_shared>> -> memref<10112x72xf32, #tpu.memory_space<vmem_shared>>
        tpu.enqueue_indirect_dma source(%arg10 : memref<128x72xf32, #tpu.memory_space<vmem>>) target(%dma_start3A_293 : memref<10112x72xf32, #tpu.memory_space<vmem_shared>>) offsets(%dma_start3A_290 : memref<128xi32, #tpu.memory_space<vmem>>) semaphore(%arg19 : memref<!tpu.dma_semaphore, #tpu.memory_space<semaphore_mem>>) {add = true}
        %add3A_294 = arith.constant 2 : i32
        %add3A_295 = arith.addi %add3A_166, %add3A_294 : i32
        %dma_wait3A_296 = arith.constant 0 : i32
        %dma_wait3A_297 = tpu.memref_slice %arg7[%add3A_295, %dma_wait3A_296] : memref<20x128xi32, #tpu.memory_space<vmem>> -> memref<1x128xi32, #tpu.memory_space<vmem>>
        %dma_wait3A_298 = tpu.memref_squeeze %dma_wait3A_297 : memref<1x128xi32, #tpu.memory_space<vmem>> -> memref<128xi32, #tpu.memory_space<vmem>>
        %dma_wait3A_299 = arith.constant 0 : i32
        %dma_wait3A_300 = arith.constant 0 : i32
        %dma_wait3A_301 = tpu.memref_slice %arg2[%arg0, %dma_wait3A_299, %dma_wait3A_300] : memref<2x10000x72xf32, #tpu.memory_space<hbm>> -> memref<1x10000x72xf32, #tpu.memory_space<hbm>>
        %dma_wait3A_302 = tpu.memref_squeeze %dma_wait3A_301 : memref<1x10000x72xf32, #tpu.memory_space<hbm>> -> memref<10000x72xf32, #tpu.memory_space<hbm>>
        %dma_wait3A_303 = arith.constant 0 : i32
        %dma_wait3A_304 = arith.constant 0 : i32
        %dma_wait3A_305 = tpu.memref_slice %dma_wait3A_302[%dma_wait3A_303, %dma_wait3A_304] : memref<10000x72xf32, #tpu.memory_space<hbm>> -> memref<10000x72xf32, #tpu.memory_space<hbm>>
        tpu.wait_indirect_dma semaphore(%arg16 : memref<!tpu.dma_semaphore, #tpu.memory_space<semaphore_mem>>) src(%dma_wait3A_305 : memref<10000x72xf32, #tpu.memory_space<hbm>>) dst(%arg11 : memref<128x72xf32, #tpu.memory_space<vmem>>)
        %add3A_306 = arith.constant 2 : i32
        %add3A_307 = arith.addi %add3A_166, %add3A_306 : i32
        %dma_start3A_308 = arith.constant 0 : i32
        %dma_start3A_309 = tpu.memref_slice %arg8[%add3A_307, %dma_start3A_308] : memref<20x128xi32, #tpu.memory_space<vmem>> -> memref<1x128xi32, #tpu.memory_space<vmem>>
        %dma_start3A_310 = tpu.memref_squeeze %dma_start3A_309 : memref<1x128xi32, #tpu.memory_space<vmem>> -> memref<128xi32, #tpu.memory_space<vmem>>
        %dma_start3A_311 = arith.constant 0 : i32
        %dma_start3A_312 = arith.constant 0 : i32
        %dma_start3A_313 = tpu.memref_slice %arg13[%dma_start3A_311, %dma_start3A_312] : memref<10112x72xf32, #tpu.memory_space<vmem_shared>> -> memref<10112x72xf32, #tpu.memory_space<vmem_shared>>
        tpu.enqueue_indirect_dma source(%arg11 : memref<128x72xf32, #tpu.memory_space<vmem>>) target(%dma_start3A_313 : memref<10112x72xf32, #tpu.memory_space<vmem_shared>>) offsets(%dma_start3A_310 : memref<128xi32, #tpu.memory_space<vmem>>) semaphore(%arg20 : memref<!tpu.dma_semaphore, #tpu.memory_space<semaphore_mem>>) {add = true}
        %add3A_314 = arith.constant 3 : i32
        %add3A_315 = arith.addi %add3A_166, %add3A_314 : i32
        %dma_wait3A_316 = arith.constant 0 : i32
        %dma_wait3A_317 = tpu.memref_slice %arg7[%add3A_315, %dma_wait3A_316] : memref<20x128xi32, #tpu.memory_space<vmem>> -> memref<1x128xi32, #tpu.memory_space<vmem>>
        %dma_wait3A_318 = tpu.memref_squeeze %dma_wait3A_317 : memref<1x128xi32, #tpu.memory_space<vmem>> -> memref<128xi32, #tpu.memory_space<vmem>>
        %dma_wait3A_319 = arith.constant 0 : i32
        %dma_wait3A_320 = arith.constant 0 : i32
        %dma_wait3A_321 = tpu.memref_slice %arg2[%arg0, %dma_wait3A_319, %dma_wait3A_320] : memref<2x10000x72xf32, #tpu.memory_space<hbm>> -> memref<1x10000x72xf32, #tpu.memory_space<hbm>>
        %dma_wait3A_322 = tpu.memref_squeeze %dma_wait3A_321 : memref<1x10000x72xf32, #tpu.memory_space<hbm>> -> memref<10000x72xf32, #tpu.memory_space<hbm>>
        %dma_wait3A_323 = arith.constant 0 : i32
        %dma_wait3A_324 = arith.constant 0 : i32
        %dma_wait3A_325 = tpu.memref_slice %dma_wait3A_322[%dma_wait3A_323, %dma_wait3A_324] : memref<10000x72xf32, #tpu.memory_space<hbm>> -> memref<10000x72xf32, #tpu.memory_space<hbm>>
        tpu.wait_indirect_dma semaphore(%arg17 : memref<!tpu.dma_semaphore, #tpu.memory_space<semaphore_mem>>) src(%dma_wait3A_325 : memref<10000x72xf32, #tpu.memory_space<hbm>>) dst(%arg12 : memref<128x72xf32, #tpu.memory_space<vmem>>)
        %add3A_326 = arith.constant 3 : i32
        %add3A_327 = arith.addi %add3A_166, %add3A_326 : i32
        %dma_start3A_328 = arith.constant 0 : i32
        %dma_start3A_329 = tpu.memref_slice %arg8[%add3A_327, %dma_start3A_328] : memref<20x128xi32, #tpu.memory_space<vmem>> -> memref<1x128xi32, #tpu.memory_space<vmem>>
        %dma_start3A_330 = tpu.memref_squeeze %dma_start3A_329 : memref<1x128xi32, #tpu.memory_space<vmem>> -> memref<128xi32, #tpu.memory_space<vmem>>
        %dma_start3A_331 = arith.constant 0 : i32
        %dma_start3A_332 = arith.constant 0 : i32
        %dma_start3A_333 = tpu.memref_slice %arg13[%dma_start3A_331, %dma_start3A_332] : memref<10112x72xf32, #tpu.memory_space<vmem_shared>> -> memref<10112x72xf32, #tpu.memory_space<vmem_shared>>
        tpu.enqueue_indirect_dma source(%arg12 : memref<128x72xf32, #tpu.memory_space<vmem>>) target(%dma_start3A_333 : memref<10112x72xf32, #tpu.memory_space<vmem_shared>>) offsets(%dma_start3A_330 : memref<128xi32, #tpu.memory_space<vmem>>) semaphore(%arg21 : memref<!tpu.dma_semaphore, #tpu.memory_space<semaphore_mem>>) {add = true}
      }
      %scan3A_133 = arith.constant 4 : i32
      %dma_wait3A_134 = arith.constant 16 : i32
      %dma_wait3A_135 = arith.constant 0 : i32
      %dma_wait3A_136 = tpu.memref_slice %arg8[%dma_wait3A_134, %dma_wait3A_135] : memref<20x128xi32, #tpu.memory_space<vmem>> -> memref<1x128xi32, #tpu.memory_space<vmem>>
      %dma_wait3A_137 = tpu.memref_squeeze %dma_wait3A_136 : memref<1x128xi32, #tpu.memory_space<vmem>> -> memref<128xi32, #tpu.memory_space<vmem>>
      %dma_wait3A_138 = arith.constant 0 : i32
      %dma_wait3A_139 = arith.constant 0 : i32
      %dma_wait3A_140 = tpu.memref_slice %arg13[%dma_wait3A_138, %dma_wait3A_139] : memref<10112x72xf32, #tpu.memory_space<vmem_shared>> -> memref<10112x72xf32, #tpu.memory_space<vmem_shared>>
      tpu.wait_indirect_dma semaphore(%arg18 : memref<!tpu.dma_semaphore, #tpu.memory_space<semaphore_mem>>) src(%arg9 : memref<128x72xf32, #tpu.memory_space<vmem>>) dst(%dma_wait3A_140 : memref<10112x72xf32, #tpu.memory_space<vmem_shared>>)
      %dma_wait3A_141 = arith.constant 17 : i32
      %dma_wait3A_142 = arith.constant 0 : i32
      %dma_wait3A_143 = tpu.memref_slice %arg8[%dma_wait3A_141, %dma_wait3A_142] : memref<20x128xi32, #tpu.memory_space<vmem>> -> memref<1x128xi32, #tpu.memory_space<vmem>>
      %dma_wait3A_144 = tpu.memref_squeeze %dma_wait3A_143 : memref<1x128xi32, #tpu.memory_space<vmem>> -> memref<128xi32, #tpu.memory_space<vmem>>
      %dma_wait3A_145 = arith.constant 0 : i32
      %dma_wait3A_146 = arith.constant 0 : i32
      %dma_wait3A_147 = tpu.memref_slice %arg13[%dma_wait3A_145, %dma_wait3A_146] : memref<10112x72xf32, #tpu.memory_space<vmem_shared>> -> memref<10112x72xf32, #tpu.memory_space<vmem_shared>>
      tpu.wait_indirect_dma semaphore(%arg19 : memref<!tpu.dma_semaphore, #tpu.memory_space<semaphore_mem>>) src(%arg10 : memref<128x72xf32, #tpu.memory_space<vmem>>) dst(%dma_wait3A_147 : memref<10112x72xf32, #tpu.memory_space<vmem_shared>>)
      %dma_wait3A_148 = arith.constant 18 : i32
      %dma_wait3A_149 = arith.constant 0 : i32
      %dma_wait3A_150 = tpu.memref_slice %arg8[%dma_wait3A_148, %dma_wait3A_149] : memref<20x128xi32, #tpu.memory_space<vmem>> -> memref<1x128xi32, #tpu.memory_space<vmem>>
      %dma_wait3A_151 = tpu.memref_squeeze %dma_wait3A_150 : memref<1x128xi32, #tpu.memory_space<vmem>> -> memref<128xi32, #tpu.memory_space<vmem>>
      %dma_wait3A_152 = arith.constant 0 : i32
      %dma_wait3A_153 = arith.constant 0 : i32
      %dma_wait3A_154 = tpu.memref_slice %arg13[%dma_wait3A_152, %dma_wait3A_153] : memref<10112x72xf32, #tpu.memory_space<vmem_shared>> -> memref<10112x72xf32, #tpu.memory_space<vmem_shared>>
      tpu.wait_indirect_dma semaphore(%arg20 : memref<!tpu.dma_semaphore, #tpu.memory_space<semaphore_mem>>) src(%arg11 : memref<128x72xf32, #tpu.memory_space<vmem>>) dst(%dma_wait3A_154 : memref<10112x72xf32, #tpu.memory_space<vmem_shared>>)
      %dma_wait3A_155 = arith.constant 19 : i32
      %dma_wait3A_156 = arith.constant 0 : i32
      %dma_wait3A_157 = tpu.memref_slice %arg8[%dma_wait3A_155, %dma_wait3A_156] : memref<20x128xi32, #tpu.memory_space<vmem>> -> memref<1x128xi32, #tpu.memory_space<vmem>>
      %dma_wait3A_158 = tpu.memref_squeeze %dma_wait3A_157 : memref<1x128xi32, #tpu.memory_space<vmem>> -> memref<128xi32, #tpu.memory_space<vmem>>
      %dma_wait3A_159 = arith.constant 0 : i32
      %dma_wait3A_160 = arith.constant 0 : i32
      %dma_wait3A_161 = tpu.memref_slice %arg13[%dma_wait3A_159, %dma_wait3A_160] : memref<10112x72xf32, #tpu.memory_space<vmem_shared>> -> memref<10112x72xf32, #tpu.memory_space<vmem_shared>>
      tpu.wait_indirect_dma semaphore(%arg21 : memref<!tpu.dma_semaphore, #tpu.memory_space<semaphore_mem>>) src(%arg12 : memref<128x72xf32, #tpu.memory_space<vmem>>) dst(%dma_wait3A_161 : memref<10112x72xf32, #tpu.memory_space<vmem_shared>>)
    }
    %scan3A_6 = arith.constant 8 : i32
    %barrier3A_7 = arith.constant 0 : index
    tpu.barrier barrier_id(%barrier3A_7)
    "tpu.region"() ({
      %run_scoped3A = tpu.sem_alloc : memref<!tpu.dma_semaphore, #tpu.memory_space<semaphore_mem>>
      %dma_start3A = arith.constant 0 : i32
      %dma_start3A_8 = tpu.memref_slice %arg6[%arg0, %mul3A_0, %dma_start3A] : memref<2x10112x72xf32, #tpu.memory_space<hbm>> -> memref<1x632x72xf32, #tpu.memory_space<hbm>>
      %dma_start3A_9 = tpu.memref_squeeze %dma_start3A_8 : memref<1x632x72xf32, #tpu.memory_space<hbm>> -> memref<632x72xf32, #tpu.memory_space<hbm>>
      %dma_start3A_10 = arith.constant 0 : i32
      %dma_start3A_11 = tpu.memref_slice %arg13[%mul3A_0, %dma_start3A_10] : memref<10112x72xf32, #tpu.memory_space<vmem_shared>> -> memref<632x72xf32, #tpu.memory_space<vmem_shared>>
      tpu.enqueue_dma source(%dma_start3A_11 : memref<632x72xf32, #tpu.memory_space<vmem_shared>>) target(%dma_start3A_9 : memref<632x72xf32, #tpu.memory_space<hbm>>) target_semaphore(%run_scoped3A : memref<!tpu.dma_semaphore, #tpu.memory_space<semaphore_mem>>)
      %dma_wait3A = arith.constant 0 : i32
      %dma_wait3A_12 = tpu.memref_slice %arg6[%arg0, %mul3A_0, %dma_wait3A] : memref<2x10112x72xf32, #tpu.memory_space<hbm>> -> memref<1x632x72xf32, #tpu.memory_space<hbm>>
      %dma_wait3A_13 = tpu.memref_squeeze %dma_wait3A_12 : memref<1x632x72xf32, #tpu.memory_space<hbm>> -> memref<632x72xf32, #tpu.memory_space<hbm>>
      %dma_wait3A_14 = arith.constant 0 : i32
      %dma_wait3A_15 = tpu.memref_slice %arg13[%mul3A_0, %dma_wait3A_14] : memref<10112x72xf32, #tpu.memory_space<vmem_shared>> -> memref<632x72xf32, #tpu.memory_space<vmem_shared>>
      tpu.wait_dma2 semaphore(%run_scoped3A : memref<!tpu.dma_semaphore, #tpu.memory_space<semaphore_mem>>) src(%dma_wait3A_15 : memref<632x72xf32, #tpu.memory_space<vmem_shared>>) dst(%dma_wait3A_13 : memref<632x72xf32, #tpu.memory_space<hbm>>)
      tpu.yield
    }) : () -> ()
    return
  }
}

#map = affine_map<(d0, d1) -> (0, 0)>
#map1 = affine_map<(d0, d1) -> (0, 0, 0)>
module attributes {stable_mosaic.version = 14 : i64} {
  func.func @agg(%arg0: i32, %arg1: i32, %arg2: memref<10000x48xf32, #tpu.memory_space<hbm>>, %arg3: memref<2560x128xi32, #tpu.memory_space<hbm>>, %arg4: memref<2560x128xi32, #tpu.memory_space<hbm>>, %arg5: memref<10112x48xf32, #tpu.memory_space<hbm>>, %arg6: memref<2x10112x48xf32, #tpu.memory_space<hbm>>, %arg7: memref<20x128xi32, #tpu.memory_space<vmem>>, %arg8: memref<20x128xi32, #tpu.memory_space<vmem>>, %arg9: memref<128x48xf32, #tpu.memory_space<vmem>>, %arg10: memref<128x48xf32, #tpu.memory_space<vmem>>, %arg11: memref<128x48xf32, #tpu.memory_space<vmem>>, %arg12: memref<128x48xf32, #tpu.memory_space<vmem>>, %arg13: memref<10112x48xf32, #tpu.memory_space<vmem_shared>>, %arg14: memref<!tpu.dma_semaphore, #tpu.memory_space<semaphore_mem>>, %arg15: memref<!tpu.dma_semaphore, #tpu.memory_space<semaphore_mem>>, %arg16: memref<!tpu.dma_semaphore, #tpu.memory_space<semaphore_mem>>, %arg17: memref<!tpu.dma_semaphore, #tpu.memory_space<semaphore_mem>>, %arg18: memref<!tpu.dma_semaphore, #tpu.memory_space<semaphore_mem>>, %arg19: memref<!tpu.dma_semaphore, #tpu.memory_space<semaphore_mem>>, %arg20: memref<!tpu.dma_semaphore, #tpu.memory_space<semaphore_mem>>, %arg21: memref<!tpu.dma_semaphore, #tpu.memory_space<semaphore_mem>>) attributes {dimension_semantics = [#tpu.dimension_semantics<core_parallel>, #tpu.dimension_semantics<subcore_parallel>], iteration_bounds = array<i64: 2, 16>, scalar_prefetch = 0 : i64, scratch_operands = 15 : i64, tpu.core_type = #tpu.core_type<sc_vector_subcore>, window_params = [{transform_indices = #map}, {transform_indices = #map}, {transform_indices = #map}, {transform_indices = #map}, {transform_indices = #map1}]} {
    %mul3A = arith.constant 632 : i32
    %mul3A_0 = arith.muli %arg1, %mul3A : i32
    "tpu.region"() ({
      %run_scoped3A = tpu.sem_alloc : memref<!tpu.dma_semaphore, #tpu.memory_space<semaphore_mem>>
      %dma_start3A = arith.constant 0 : i32
      %dma_start3A_10 = tpu.memref_slice %arg13[%mul3A_0, %dma_start3A] : memref<10112x48xf32, #tpu.memory_space<vmem_shared>> -> memref<632x48xf32, #tpu.memory_space<vmem_shared>>
      %dma_start3A_11 = arith.constant 0 : i32
      %dma_start3A_12 = tpu.memref_slice %arg5[%mul3A_0, %dma_start3A_11] : memref<10112x48xf32, #tpu.memory_space<hbm>> -> memref<632x48xf32, #tpu.memory_space<hbm>>
      tpu.enqueue_dma source(%dma_start3A_12 : memref<632x48xf32, #tpu.memory_space<hbm>>) target(%dma_start3A_10 : memref<632x48xf32, #tpu.memory_space<vmem_shared>>) target_semaphore(%run_scoped3A : memref<!tpu.dma_semaphore, #tpu.memory_space<semaphore_mem>>)
      %dma_wait3A = arith.constant 0 : i32
      %dma_wait3A_13 = tpu.memref_slice %arg13[%mul3A_0, %dma_wait3A] : memref<10112x48xf32, #tpu.memory_space<vmem_shared>> -> memref<632x48xf32, #tpu.memory_space<vmem_shared>>
      %dma_wait3A_14 = arith.constant 0 : i32
      %dma_wait3A_15 = tpu.memref_slice %arg5[%mul3A_0, %dma_wait3A_14] : memref<10112x48xf32, #tpu.memory_space<hbm>> -> memref<632x48xf32, #tpu.memory_space<hbm>>
      tpu.wait_dma2 semaphore(%run_scoped3A : memref<!tpu.dma_semaphore, #tpu.memory_space<semaphore_mem>>) src(%dma_wait3A_15 : memref<632x48xf32, #tpu.memory_space<hbm>>) dst(%dma_wait3A_13 : memref<632x48xf32, #tpu.memory_space<vmem_shared>>)
      tpu.yield
    }) : () -> ()
    %barrier3A = arith.constant 0 : index
    tpu.barrier barrier_id(%barrier3A)
    %mul3A_1 = arith.constant 16 : i32
    %mul3A_2 = arith.muli %arg0, %mul3A_1 : i32
    %add3A = arith.addi %mul3A_2, %arg1 : i32
    %mul3A_3 = arith.constant 80 : i32
    %mul3A_4 = arith.muli %add3A, %mul3A_3 : i32
    %scan3A = arith.constant 0 : i32
    %scan3A_5 = arith.constant 4 : i32
    %scan3A_6 = arith.addi %scan3A, %scan3A_5 : i32
    %scan3A_7 = arith.constant 1 : i32
    scf.for %scan3A_10 = %scan3A to %scan3A_6 step %scan3A_7  : i32 {
      %mul3A_11 = arith.constant 1 : i32
      %mul3A_12 = arith.muli %scan3A_10, %mul3A_11 : i32
      %add3A_13 = arith.constant 0 : i32
      %add3A_14 = arith.addi %add3A_13, %mul3A_12 : i32
      %mul3A_15 = arith.constant 20 : i32
      %mul3A_16 = arith.muli %add3A_14, %mul3A_15 : i32
      %add3A_17 = arith.addi %mul3A_4, %mul3A_16 : i32
      "tpu.region"() ({
        %run_scoped3A = tpu.sem_alloc : memref<!tpu.dma_semaphore, #tpu.memory_space<semaphore_mem>>
        %dma_start3A_133 = arith.constant 0 : i32
        %dma_start3A_134 = tpu.memref_slice %arg3[%add3A_17, %dma_start3A_133] : memref<2560x128xi32, #tpu.memory_space<hbm>> -> memref<20x128xi32, #tpu.memory_space<hbm>>
        %dma_start3A_135 = arith.constant 0 : i32
        %dma_start3A_136 = tpu.memref_slice %arg3[%add3A_17, %dma_start3A_135] : memref<2560x128xi32, #tpu.memory_space<hbm>> -> memref<20x128xi32, #tpu.memory_space<hbm>>
        tpu.enqueue_dma source(%dma_start3A_136 : memref<20x128xi32, #tpu.memory_space<hbm>>) target(%arg7 : memref<20x128xi32, #tpu.memory_space<vmem>>) target_semaphore(%run_scoped3A : memref<!tpu.dma_semaphore, #tpu.memory_space<semaphore_mem>>)
        %dma_wait3A_137 = arith.constant 0 : i32
        %dma_wait3A_138 = tpu.memref_slice %arg3[%add3A_17, %dma_wait3A_137] : memref<2560x128xi32, #tpu.memory_space<hbm>> -> memref<20x128xi32, #tpu.memory_space<hbm>>
        %dma_wait3A_139 = arith.constant 0 : i32
        %dma_wait3A_140 = tpu.memref_slice %arg3[%add3A_17, %dma_wait3A_139] : memref<2560x128xi32, #tpu.memory_space<hbm>> -> memref<20x128xi32, #tpu.memory_space<hbm>>
        tpu.wait_dma2 semaphore(%run_scoped3A : memref<!tpu.dma_semaphore, #tpu.memory_space<semaphore_mem>>) src(%dma_wait3A_140 : memref<20x128xi32, #tpu.memory_space<hbm>>) dst(%arg7 : memref<20x128xi32, #tpu.memory_space<vmem>>)
        tpu.yield
      }) : () -> ()
      "tpu.region"() ({
        %run_scoped3A = tpu.sem_alloc : memref<!tpu.dma_semaphore, #tpu.memory_space<semaphore_mem>>
        %dma_start3A_133 = arith.constant 0 : i32
        %dma_start3A_134 = tpu.memref_slice %arg4[%add3A_17, %dma_start3A_133] : memref<2560x128xi32, #tpu.memory_space<hbm>> -> memref<20x128xi32, #tpu.memory_space<hbm>>
        %dma_start3A_135 = arith.constant 0 : i32
        %dma_start3A_136 = tpu.memref_slice %arg4[%add3A_17, %dma_start3A_135] : memref<2560x128xi32, #tpu.memory_space<hbm>> -> memref<20x128xi32, #tpu.memory_space<hbm>>
        tpu.enqueue_dma source(%dma_start3A_136 : memref<20x128xi32, #tpu.memory_space<hbm>>) target(%arg8 : memref<20x128xi32, #tpu.memory_space<vmem>>) target_semaphore(%run_scoped3A : memref<!tpu.dma_semaphore, #tpu.memory_space<semaphore_mem>>)
        %dma_wait3A_137 = arith.constant 0 : i32
        %dma_wait3A_138 = tpu.memref_slice %arg4[%add3A_17, %dma_wait3A_137] : memref<2560x128xi32, #tpu.memory_space<hbm>> -> memref<20x128xi32, #tpu.memory_space<hbm>>
        %dma_wait3A_139 = arith.constant 0 : i32
        %dma_wait3A_140 = tpu.memref_slice %arg4[%add3A_17, %dma_wait3A_139] : memref<2560x128xi32, #tpu.memory_space<hbm>> -> memref<20x128xi32, #tpu.memory_space<hbm>>
        tpu.wait_dma2 semaphore(%run_scoped3A : memref<!tpu.dma_semaphore, #tpu.memory_space<semaphore_mem>>) src(%dma_wait3A_140 : memref<20x128xi32, #tpu.memory_space<hbm>>) dst(%arg8 : memref<20x128xi32, #tpu.memory_space<vmem>>)
        tpu.yield
      }) : () -> ()
      %dma_start3A = arith.constant 0 : i32
      %dma_start3A_18 = arith.constant 0 : i32
      %dma_start3A_19 = tpu.memref_slice %arg7[%dma_start3A, %dma_start3A_18] : memref<20x128xi32, #tpu.memory_space<vmem>> -> memref<1x128xi32, #tpu.memory_space<vmem>>
      %dma_start3A_20 = tpu.memref_squeeze %dma_start3A_19 : memref<1x128xi32, #tpu.memory_space<vmem>> -> memref<128xi32, #tpu.memory_space<vmem>>
      %dma_start3A_21 = arith.constant 0 : i32
      %dma_start3A_22 = arith.constant 0 : i32
      %dma_start3A_23 = tpu.memref_slice %arg2[%dma_start3A_21, %dma_start3A_22] : memref<10000x48xf32, #tpu.memory_space<hbm>> -> memref<10000x48xf32, #tpu.memory_space<hbm>>
      tpu.enqueue_indirect_dma source(%dma_start3A_23 : memref<10000x48xf32, #tpu.memory_space<hbm>>) target(%arg9 : memref<128x48xf32, #tpu.memory_space<vmem>>) offsets(%dma_start3A_20 : memref<128xi32, #tpu.memory_space<vmem>>) semaphore(%arg14 : memref<!tpu.dma_semaphore, #tpu.memory_space<semaphore_mem>>)
      %dma_start3A_24 = arith.constant 1 : i32
      %dma_start3A_25 = arith.constant 0 : i32
      %dma_start3A_26 = tpu.memref_slice %arg7[%dma_start3A_24, %dma_start3A_25] : memref<20x128xi32, #tpu.memory_space<vmem>> -> memref<1x128xi32, #tpu.memory_space<vmem>>
      %dma_start3A_27 = tpu.memref_squeeze %dma_start3A_26 : memref<1x128xi32, #tpu.memory_space<vmem>> -> memref<128xi32, #tpu.memory_space<vmem>>
      %dma_start3A_28 = arith.constant 0 : i32
      %dma_start3A_29 = arith.constant 0 : i32
      %dma_start3A_30 = tpu.memref_slice %arg2[%dma_start3A_28, %dma_start3A_29] : memref<10000x48xf32, #tpu.memory_space<hbm>> -> memref<10000x48xf32, #tpu.memory_space<hbm>>
      tpu.enqueue_indirect_dma source(%dma_start3A_30 : memref<10000x48xf32, #tpu.memory_space<hbm>>) target(%arg10 : memref<128x48xf32, #tpu.memory_space<vmem>>) offsets(%dma_start3A_27 : memref<128xi32, #tpu.memory_space<vmem>>) semaphore(%arg15 : memref<!tpu.dma_semaphore, #tpu.memory_space<semaphore_mem>>)
      %dma_start3A_31 = arith.constant 2 : i32
      %dma_start3A_32 = arith.constant 0 : i32
      %dma_start3A_33 = tpu.memref_slice %arg7[%dma_start3A_31, %dma_start3A_32] : memref<20x128xi32, #tpu.memory_space<vmem>> -> memref<1x128xi32, #tpu.memory_space<vmem>>
      %dma_start3A_34 = tpu.memref_squeeze %dma_start3A_33 : memref<1x128xi32, #tpu.memory_space<vmem>> -> memref<128xi32, #tpu.memory_space<vmem>>
      %dma_start3A_35 = arith.constant 0 : i32
      %dma_start3A_36 = arith.constant 0 : i32
      %dma_start3A_37 = tpu.memref_slice %arg2[%dma_start3A_35, %dma_start3A_36] : memref<10000x48xf32, #tpu.memory_space<hbm>> -> memref<10000x48xf32, #tpu.memory_space<hbm>>
      tpu.enqueue_indirect_dma source(%dma_start3A_37 : memref<10000x48xf32, #tpu.memory_space<hbm>>) target(%arg11 : memref<128x48xf32, #tpu.memory_space<vmem>>) offsets(%dma_start3A_34 : memref<128xi32, #tpu.memory_space<vmem>>) semaphore(%arg16 : memref<!tpu.dma_semaphore, #tpu.memory_space<semaphore_mem>>)
      %dma_start3A_38 = arith.constant 3 : i32
      %dma_start3A_39 = arith.constant 0 : i32
      %dma_start3A_40 = tpu.memref_slice %arg7[%dma_start3A_38, %dma_start3A_39] : memref<20x128xi32, #tpu.memory_space<vmem>> -> memref<1x128xi32, #tpu.memory_space<vmem>>
      %dma_start3A_41 = tpu.memref_squeeze %dma_start3A_40 : memref<1x128xi32, #tpu.memory_space<vmem>> -> memref<128xi32, #tpu.memory_space<vmem>>
      %dma_start3A_42 = arith.constant 0 : i32
      %dma_start3A_43 = arith.constant 0 : i32
      %dma_start3A_44 = tpu.memref_slice %arg2[%dma_start3A_42, %dma_start3A_43] : memref<10000x48xf32, #tpu.memory_space<hbm>> -> memref<10000x48xf32, #tpu.memory_space<hbm>>
      tpu.enqueue_indirect_dma source(%dma_start3A_44 : memref<10000x48xf32, #tpu.memory_space<hbm>>) target(%arg12 : memref<128x48xf32, #tpu.memory_space<vmem>>) offsets(%dma_start3A_41 : memref<128xi32, #tpu.memory_space<vmem>>) semaphore(%arg17 : memref<!tpu.dma_semaphore, #tpu.memory_space<semaphore_mem>>)
      %dma_wait3A = arith.constant 0 : i32
      %dma_wait3A_45 = arith.constant 0 : i32
      %dma_wait3A_46 = tpu.memref_slice %arg7[%dma_wait3A, %dma_wait3A_45] : memref<20x128xi32, #tpu.memory_space<vmem>> -> memref<1x128xi32, #tpu.memory_space<vmem>>
      %dma_wait3A_47 = tpu.memref_squeeze %dma_wait3A_46 : memref<1x128xi32, #tpu.memory_space<vmem>> -> memref<128xi32, #tpu.memory_space<vmem>>
      %dma_wait3A_48 = arith.constant 0 : i32
      %dma_wait3A_49 = arith.constant 0 : i32
      %dma_wait3A_50 = tpu.memref_slice %arg2[%dma_wait3A_48, %dma_wait3A_49] : memref<10000x48xf32, #tpu.memory_space<hbm>> -> memref<10000x48xf32, #tpu.memory_space<hbm>>
      tpu.wait_indirect_dma semaphore(%arg14 : memref<!tpu.dma_semaphore, #tpu.memory_space<semaphore_mem>>) src(%dma_wait3A_50 : memref<10000x48xf32, #tpu.memory_space<hbm>>) dst(%arg9 : memref<128x48xf32, #tpu.memory_space<vmem>>)
      %dma_start3A_51 = arith.constant 0 : i32
      %dma_start3A_52 = arith.constant 0 : i32
      %dma_start3A_53 = tpu.memref_slice %arg8[%dma_start3A_51, %dma_start3A_52] : memref<20x128xi32, #tpu.memory_space<vmem>> -> memref<1x128xi32, #tpu.memory_space<vmem>>
      %dma_start3A_54 = tpu.memref_squeeze %dma_start3A_53 : memref<1x128xi32, #tpu.memory_space<vmem>> -> memref<128xi32, #tpu.memory_space<vmem>>
      %dma_start3A_55 = arith.constant 0 : i32
      %dma_start3A_56 = arith.constant 0 : i32
      %dma_start3A_57 = tpu.memref_slice %arg13[%dma_start3A_55, %dma_start3A_56] : memref<10112x48xf32, #tpu.memory_space<vmem_shared>> -> memref<10112x48xf32, #tpu.memory_space<vmem_shared>>
      tpu.enqueue_indirect_dma source(%arg9 : memref<128x48xf32, #tpu.memory_space<vmem>>) target(%dma_start3A_57 : memref<10112x48xf32, #tpu.memory_space<vmem_shared>>) offsets(%dma_start3A_54 : memref<128xi32, #tpu.memory_space<vmem>>) semaphore(%arg18 : memref<!tpu.dma_semaphore, #tpu.memory_space<semaphore_mem>>) {add = true}
      %dma_wait3A_58 = arith.constant 1 : i32
      %dma_wait3A_59 = arith.constant 0 : i32
      %dma_wait3A_60 = tpu.memref_slice %arg7[%dma_wait3A_58, %dma_wait3A_59] : memref<20x128xi32, #tpu.memory_space<vmem>> -> memref<1x128xi32, #tpu.memory_space<vmem>>
      %dma_wait3A_61 = tpu.memref_squeeze %dma_wait3A_60 : memref<1x128xi32, #tpu.memory_space<vmem>> -> memref<128xi32, #tpu.memory_space<vmem>>
      %dma_wait3A_62 = arith.constant 0 : i32
      %dma_wait3A_63 = arith.constant 0 : i32
      %dma_wait3A_64 = tpu.memref_slice %arg2[%dma_wait3A_62, %dma_wait3A_63] : memref<10000x48xf32, #tpu.memory_space<hbm>> -> memref<10000x48xf32, #tpu.memory_space<hbm>>
      tpu.wait_indirect_dma semaphore(%arg15 : memref<!tpu.dma_semaphore, #tpu.memory_space<semaphore_mem>>) src(%dma_wait3A_64 : memref<10000x48xf32, #tpu.memory_space<hbm>>) dst(%arg10 : memref<128x48xf32, #tpu.memory_space<vmem>>)
      %dma_start3A_65 = arith.constant 1 : i32
      %dma_start3A_66 = arith.constant 0 : i32
      %dma_start3A_67 = tpu.memref_slice %arg8[%dma_start3A_65, %dma_start3A_66] : memref<20x128xi32, #tpu.memory_space<vmem>> -> memref<1x128xi32, #tpu.memory_space<vmem>>
      %dma_start3A_68 = tpu.memref_squeeze %dma_start3A_67 : memref<1x128xi32, #tpu.memory_space<vmem>> -> memref<128xi32, #tpu.memory_space<vmem>>
      %dma_start3A_69 = arith.constant 0 : i32
      %dma_start3A_70 = arith.constant 0 : i32
      %dma_start3A_71 = tpu.memref_slice %arg13[%dma_start3A_69, %dma_start3A_70] : memref<10112x48xf32, #tpu.memory_space<vmem_shared>> -> memref<10112x48xf32, #tpu.memory_space<vmem_shared>>
      tpu.enqueue_indirect_dma source(%arg10 : memref<128x48xf32, #tpu.memory_space<vmem>>) target(%dma_start3A_71 : memref<10112x48xf32, #tpu.memory_space<vmem_shared>>) offsets(%dma_start3A_68 : memref<128xi32, #tpu.memory_space<vmem>>) semaphore(%arg19 : memref<!tpu.dma_semaphore, #tpu.memory_space<semaphore_mem>>) {add = true}
      %dma_wait3A_72 = arith.constant 2 : i32
      %dma_wait3A_73 = arith.constant 0 : i32
      %dma_wait3A_74 = tpu.memref_slice %arg7[%dma_wait3A_72, %dma_wait3A_73] : memref<20x128xi32, #tpu.memory_space<vmem>> -> memref<1x128xi32, #tpu.memory_space<vmem>>
      %dma_wait3A_75 = tpu.memref_squeeze %dma_wait3A_74 : memref<1x128xi32, #tpu.memory_space<vmem>> -> memref<128xi32, #tpu.memory_space<vmem>>
      %dma_wait3A_76 = arith.constant 0 : i32
      %dma_wait3A_77 = arith.constant 0 : i32
      %dma_wait3A_78 = tpu.memref_slice %arg2[%dma_wait3A_76, %dma_wait3A_77] : memref<10000x48xf32, #tpu.memory_space<hbm>> -> memref<10000x48xf32, #tpu.memory_space<hbm>>
      tpu.wait_indirect_dma semaphore(%arg16 : memref<!tpu.dma_semaphore, #tpu.memory_space<semaphore_mem>>) src(%dma_wait3A_78 : memref<10000x48xf32, #tpu.memory_space<hbm>>) dst(%arg11 : memref<128x48xf32, #tpu.memory_space<vmem>>)
      %dma_start3A_79 = arith.constant 2 : i32
      %dma_start3A_80 = arith.constant 0 : i32
      %dma_start3A_81 = tpu.memref_slice %arg8[%dma_start3A_79, %dma_start3A_80] : memref<20x128xi32, #tpu.memory_space<vmem>> -> memref<1x128xi32, #tpu.memory_space<vmem>>
      %dma_start3A_82 = tpu.memref_squeeze %dma_start3A_81 : memref<1x128xi32, #tpu.memory_space<vmem>> -> memref<128xi32, #tpu.memory_space<vmem>>
      %dma_start3A_83 = arith.constant 0 : i32
      %dma_start3A_84 = arith.constant 0 : i32
      %dma_start3A_85 = tpu.memref_slice %arg13[%dma_start3A_83, %dma_start3A_84] : memref<10112x48xf32, #tpu.memory_space<vmem_shared>> -> memref<10112x48xf32, #tpu.memory_space<vmem_shared>>
      tpu.enqueue_indirect_dma source(%arg11 : memref<128x48xf32, #tpu.memory_space<vmem>>) target(%dma_start3A_85 : memref<10112x48xf32, #tpu.memory_space<vmem_shared>>) offsets(%dma_start3A_82 : memref<128xi32, #tpu.memory_space<vmem>>) semaphore(%arg20 : memref<!tpu.dma_semaphore, #tpu.memory_space<semaphore_mem>>) {add = true}
      %dma_wait3A_86 = arith.constant 3 : i32
      %dma_wait3A_87 = arith.constant 0 : i32
      %dma_wait3A_88 = tpu.memref_slice %arg7[%dma_wait3A_86, %dma_wait3A_87] : memref<20x128xi32, #tpu.memory_space<vmem>> -> memref<1x128xi32, #tpu.memory_space<vmem>>
      %dma_wait3A_89 = tpu.memref_squeeze %dma_wait3A_88 : memref<1x128xi32, #tpu.memory_space<vmem>> -> memref<128xi32, #tpu.memory_space<vmem>>
      %dma_wait3A_90 = arith.constant 0 : i32
      %dma_wait3A_91 = arith.constant 0 : i32
      %dma_wait3A_92 = tpu.memref_slice %arg2[%dma_wait3A_90, %dma_wait3A_91] : memref<10000x48xf32, #tpu.memory_space<hbm>> -> memref<10000x48xf32, #tpu.memory_space<hbm>>
      tpu.wait_indirect_dma semaphore(%arg17 : memref<!tpu.dma_semaphore, #tpu.memory_space<semaphore_mem>>) src(%dma_wait3A_92 : memref<10000x48xf32, #tpu.memory_space<hbm>>) dst(%arg12 : memref<128x48xf32, #tpu.memory_space<vmem>>)
      %dma_start3A_93 = arith.constant 3 : i32
      %dma_start3A_94 = arith.constant 0 : i32
      %dma_start3A_95 = tpu.memref_slice %arg8[%dma_start3A_93, %dma_start3A_94] : memref<20x128xi32, #tpu.memory_space<vmem>> -> memref<1x128xi32, #tpu.memory_space<vmem>>
      %dma_start3A_96 = tpu.memref_squeeze %dma_start3A_95 : memref<1x128xi32, #tpu.memory_space<vmem>> -> memref<128xi32, #tpu.memory_space<vmem>>
      %dma_start3A_97 = arith.constant 0 : i32
      %dma_start3A_98 = arith.constant 0 : i32
      %dma_start3A_99 = tpu.memref_slice %arg13[%dma_start3A_97, %dma_start3A_98] : memref<10112x48xf32, #tpu.memory_space<vmem_shared>> -> memref<10112x48xf32, #tpu.memory_space<vmem_shared>>
      tpu.enqueue_indirect_dma source(%arg12 : memref<128x48xf32, #tpu.memory_space<vmem>>) target(%dma_start3A_99 : memref<10112x48xf32, #tpu.memory_space<vmem_shared>>) offsets(%dma_start3A_96 : memref<128xi32, #tpu.memory_space<vmem>>) semaphore(%arg21 : memref<!tpu.dma_semaphore, #tpu.memory_space<semaphore_mem>>) {add = true}
      %scan3A_100 = arith.constant 0 : i32
      %scan3A_101 = arith.constant 4 : i32
      %scan3A_102 = arith.addi %scan3A_100, %scan3A_101 : i32
      %scan3A_103 = arith.constant 1 : i32
      scf.for %scan3A_133 = %scan3A_100 to %scan3A_102 step %scan3A_103  : i32 {
        %mul3A_134 = arith.constant 4 : i32
        %mul3A_135 = arith.muli %scan3A_133, %mul3A_134 : i32
        %add3A_136 = arith.constant 4 : i32
        %add3A_137 = arith.addi %add3A_136, %mul3A_135 : i32
        %add3A_138 = arith.constant 0 : i32
        %add3A_139 = arith.addi %add3A_137, %add3A_138 : i32
        %sub3A = arith.constant 4 : i32
        %sub3A_140 = arith.subi %add3A_139, %sub3A : i32
        %dma_wait3A_141 = arith.constant 0 : i32
        %dma_wait3A_142 = tpu.memref_slice %arg8[%sub3A_140, %dma_wait3A_141] : memref<20x128xi32, #tpu.memory_space<vmem>> -> memref<1x128xi32, #tpu.memory_space<vmem>>
        %dma_wait3A_143 = tpu.memref_squeeze %dma_wait3A_142 : memref<1x128xi32, #tpu.memory_space<vmem>> -> memref<128xi32, #tpu.memory_space<vmem>>
        %dma_wait3A_144 = arith.constant 0 : i32
        %dma_wait3A_145 = arith.constant 0 : i32
        %dma_wait3A_146 = tpu.memref_slice %arg13[%dma_wait3A_144, %dma_wait3A_145] : memref<10112x48xf32, #tpu.memory_space<vmem_shared>> -> memref<10112x48xf32, #tpu.memory_space<vmem_shared>>
        tpu.wait_indirect_dma semaphore(%arg18 : memref<!tpu.dma_semaphore, #tpu.memory_space<semaphore_mem>>) src(%arg9 : memref<128x48xf32, #tpu.memory_space<vmem>>) dst(%dma_wait3A_146 : memref<10112x48xf32, #tpu.memory_space<vmem_shared>>)
        %add3A_147 = arith.constant 0 : i32
        %add3A_148 = arith.addi %add3A_137, %add3A_147 : i32
        %dma_start3A_149 = arith.constant 0 : i32
        %dma_start3A_150 = tpu.memref_slice %arg7[%add3A_148, %dma_start3A_149] : memref<20x128xi32, #tpu.memory_space<vmem>> -> memref<1x128xi32, #tpu.memory_space<vmem>>
        %dma_start3A_151 = tpu.memref_squeeze %dma_start3A_150 : memref<1x128xi32, #tpu.memory_space<vmem>> -> memref<128xi32, #tpu.memory_space<vmem>>
        %dma_start3A_152 = arith.constant 0 : i32
        %dma_start3A_153 = arith.constant 0 : i32
        %dma_start3A_154 = tpu.memref_slice %arg2[%dma_start3A_152, %dma_start3A_153] : memref<10000x48xf32, #tpu.memory_space<hbm>> -> memref<10000x48xf32, #tpu.memory_space<hbm>>
        tpu.enqueue_indirect_dma source(%dma_start3A_154 : memref<10000x48xf32, #tpu.memory_space<hbm>>) target(%arg9 : memref<128x48xf32, #tpu.memory_space<vmem>>) offsets(%dma_start3A_151 : memref<128xi32, #tpu.memory_space<vmem>>) semaphore(%arg14 : memref<!tpu.dma_semaphore, #tpu.memory_space<semaphore_mem>>)
        %add3A_155 = arith.constant 1 : i32
        %add3A_156 = arith.addi %add3A_137, %add3A_155 : i32
        %sub3A_157 = arith.constant 4 : i32
        %sub3A_158 = arith.subi %add3A_156, %sub3A_157 : i32
        %dma_wait3A_159 = arith.constant 0 : i32
        %dma_wait3A_160 = tpu.memref_slice %arg8[%sub3A_158, %dma_wait3A_159] : memref<20x128xi32, #tpu.memory_space<vmem>> -> memref<1x128xi32, #tpu.memory_space<vmem>>
        %dma_wait3A_161 = tpu.memref_squeeze %dma_wait3A_160 : memref<1x128xi32, #tpu.memory_space<vmem>> -> memref<128xi32, #tpu.memory_space<vmem>>
        %dma_wait3A_162 = arith.constant 0 : i32
        %dma_wait3A_163 = arith.constant 0 : i32
        %dma_wait3A_164 = tpu.memref_slice %arg13[%dma_wait3A_162, %dma_wait3A_163] : memref<10112x48xf32, #tpu.memory_space<vmem_shared>> -> memref<10112x48xf32, #tpu.memory_space<vmem_shared>>
        tpu.wait_indirect_dma semaphore(%arg19 : memref<!tpu.dma_semaphore, #tpu.memory_space<semaphore_mem>>) src(%arg10 : memref<128x48xf32, #tpu.memory_space<vmem>>) dst(%dma_wait3A_164 : memref<10112x48xf32, #tpu.memory_space<vmem_shared>>)
        %add3A_165 = arith.constant 1 : i32
        %add3A_166 = arith.addi %add3A_137, %add3A_165 : i32
        %dma_start3A_167 = arith.constant 0 : i32
        %dma_start3A_168 = tpu.memref_slice %arg7[%add3A_166, %dma_start3A_167] : memref<20x128xi32, #tpu.memory_space<vmem>> -> memref<1x128xi32, #tpu.memory_space<vmem>>
        %dma_start3A_169 = tpu.memref_squeeze %dma_start3A_168 : memref<1x128xi32, #tpu.memory_space<vmem>> -> memref<128xi32, #tpu.memory_space<vmem>>
        %dma_start3A_170 = arith.constant 0 : i32
        %dma_start3A_171 = arith.constant 0 : i32
        %dma_start3A_172 = tpu.memref_slice %arg2[%dma_start3A_170, %dma_start3A_171] : memref<10000x48xf32, #tpu.memory_space<hbm>> -> memref<10000x48xf32, #tpu.memory_space<hbm>>
        tpu.enqueue_indirect_dma source(%dma_start3A_172 : memref<10000x48xf32, #tpu.memory_space<hbm>>) target(%arg10 : memref<128x48xf32, #tpu.memory_space<vmem>>) offsets(%dma_start3A_169 : memref<128xi32, #tpu.memory_space<vmem>>) semaphore(%arg15 : memref<!tpu.dma_semaphore, #tpu.memory_space<semaphore_mem>>)
        %add3A_173 = arith.constant 2 : i32
        %add3A_174 = arith.addi %add3A_137, %add3A_173 : i32
        %sub3A_175 = arith.constant 4 : i32
        %sub3A_176 = arith.subi %add3A_174, %sub3A_175 : i32
        %dma_wait3A_177 = arith.constant 0 : i32
        %dma_wait3A_178 = tpu.memref_slice %arg8[%sub3A_176, %dma_wait3A_177] : memref<20x128xi32, #tpu.memory_space<vmem>> -> memref<1x128xi32, #tpu.memory_space<vmem>>
        %dma_wait3A_179 = tpu.memref_squeeze %dma_wait3A_178 : memref<1x128xi32, #tpu.memory_space<vmem>> -> memref<128xi32, #tpu.memory_space<vmem>>
        %dma_wait3A_180 = arith.constant 0 : i32
        %dma_wait3A_181 = arith.constant 0 : i32
        %dma_wait3A_182 = tpu.memref_slice %arg13[%dma_wait3A_180, %dma_wait3A_181] : memref<10112x48xf32, #tpu.memory_space<vmem_shared>> -> memref<10112x48xf32, #tpu.memory_space<vmem_shared>>
        tpu.wait_indirect_dma semaphore(%arg20 : memref<!tpu.dma_semaphore, #tpu.memory_space<semaphore_mem>>) src(%arg11 : memref<128x48xf32, #tpu.memory_space<vmem>>) dst(%dma_wait3A_182 : memref<10112x48xf32, #tpu.memory_space<vmem_shared>>)
        %add3A_183 = arith.constant 2 : i32
        %add3A_184 = arith.addi %add3A_137, %add3A_183 : i32
        %dma_start3A_185 = arith.constant 0 : i32
        %dma_start3A_186 = tpu.memref_slice %arg7[%add3A_184, %dma_start3A_185] : memref<20x128xi32, #tpu.memory_space<vmem>> -> memref<1x128xi32, #tpu.memory_space<vmem>>
        %dma_start3A_187 = tpu.memref_squeeze %dma_start3A_186 : memref<1x128xi32, #tpu.memory_space<vmem>> -> memref<128xi32, #tpu.memory_space<vmem>>
        %dma_start3A_188 = arith.constant 0 : i32
        %dma_start3A_189 = arith.constant 0 : i32
        %dma_start3A_190 = tpu.memref_slice %arg2[%dma_start3A_188, %dma_start3A_189] : memref<10000x48xf32, #tpu.memory_space<hbm>> -> memref<10000x48xf32, #tpu.memory_space<hbm>>
        tpu.enqueue_indirect_dma source(%dma_start3A_190 : memref<10000x48xf32, #tpu.memory_space<hbm>>) target(%arg11 : memref<128x48xf32, #tpu.memory_space<vmem>>) offsets(%dma_start3A_187 : memref<128xi32, #tpu.memory_space<vmem>>) semaphore(%arg16 : memref<!tpu.dma_semaphore, #tpu.memory_space<semaphore_mem>>)
        %add3A_191 = arith.constant 3 : i32
        %add3A_192 = arith.addi %add3A_137, %add3A_191 : i32
        %sub3A_193 = arith.constant 4 : i32
        %sub3A_194 = arith.subi %add3A_192, %sub3A_193 : i32
        %dma_wait3A_195 = arith.constant 0 : i32
        %dma_wait3A_196 = tpu.memref_slice %arg8[%sub3A_194, %dma_wait3A_195] : memref<20x128xi32, #tpu.memory_space<vmem>> -> memref<1x128xi32, #tpu.memory_space<vmem>>
        %dma_wait3A_197 = tpu.memref_squeeze %dma_wait3A_196 : memref<1x128xi32, #tpu.memory_space<vmem>> -> memref<128xi32, #tpu.memory_space<vmem>>
        %dma_wait3A_198 = arith.constant 0 : i32
        %dma_wait3A_199 = arith.constant 0 : i32
        %dma_wait3A_200 = tpu.memref_slice %arg13[%dma_wait3A_198, %dma_wait3A_199] : memref<10112x48xf32, #tpu.memory_space<vmem_shared>> -> memref<10112x48xf32, #tpu.memory_space<vmem_shared>>
        tpu.wait_indirect_dma semaphore(%arg21 : memref<!tpu.dma_semaphore, #tpu.memory_space<semaphore_mem>>) src(%arg12 : memref<128x48xf32, #tpu.memory_space<vmem>>) dst(%dma_wait3A_200 : memref<10112x48xf32, #tpu.memory_space<vmem_shared>>)
        %add3A_201 = arith.constant 3 : i32
        %add3A_202 = arith.addi %add3A_137, %add3A_201 : i32
        %dma_start3A_203 = arith.constant 0 : i32
        %dma_start3A_204 = tpu.memref_slice %arg7[%add3A_202, %dma_start3A_203] : memref<20x128xi32, #tpu.memory_space<vmem>> -> memref<1x128xi32, #tpu.memory_space<vmem>>
        %dma_start3A_205 = tpu.memref_squeeze %dma_start3A_204 : memref<1x128xi32, #tpu.memory_space<vmem>> -> memref<128xi32, #tpu.memory_space<vmem>>
        %dma_start3A_206 = arith.constant 0 : i32
        %dma_start3A_207 = arith.constant 0 : i32
        %dma_start3A_208 = tpu.memref_slice %arg2[%dma_start3A_206, %dma_start3A_207] : memref<10000x48xf32, #tpu.memory_space<hbm>> -> memref<10000x48xf32, #tpu.memory_space<hbm>>
        tpu.enqueue_indirect_dma source(%dma_start3A_208 : memref<10000x48xf32, #tpu.memory_space<hbm>>) target(%arg12 : memref<128x48xf32, #tpu.memory_space<vmem>>) offsets(%dma_start3A_205 : memref<128xi32, #tpu.memory_space<vmem>>) semaphore(%arg17 : memref<!tpu.dma_semaphore, #tpu.memory_space<semaphore_mem>>)
        %add3A_209 = arith.constant 0 : i32
        %add3A_210 = arith.addi %add3A_137, %add3A_209 : i32
        %dma_wait3A_211 = arith.constant 0 : i32
        %dma_wait3A_212 = tpu.memref_slice %arg7[%add3A_210, %dma_wait3A_211] : memref<20x128xi32, #tpu.memory_space<vmem>> -> memref<1x128xi32, #tpu.memory_space<vmem>>
        %dma_wait3A_213 = tpu.memref_squeeze %dma_wait3A_212 : memref<1x128xi32, #tpu.memory_space<vmem>> -> memref<128xi32, #tpu.memory_space<vmem>>
        %dma_wait3A_214 = arith.constant 0 : i32
        %dma_wait3A_215 = arith.constant 0 : i32
        %dma_wait3A_216 = tpu.memref_slice %arg2[%dma_wait3A_214, %dma_wait3A_215] : memref<10000x48xf32, #tpu.memory_space<hbm>> -> memref<10000x48xf32, #tpu.memory_space<hbm>>
        tpu.wait_indirect_dma semaphore(%arg14 : memref<!tpu.dma_semaphore, #tpu.memory_space<semaphore_mem>>) src(%dma_wait3A_216 : memref<10000x48xf32, #tpu.memory_space<hbm>>) dst(%arg9 : memref<128x48xf32, #tpu.memory_space<vmem>>)
        %add3A_217 = arith.constant 0 : i32
        %add3A_218 = arith.addi %add3A_137, %add3A_217 : i32
        %dma_start3A_219 = arith.constant 0 : i32
        %dma_start3A_220 = tpu.memref_slice %arg8[%add3A_218, %dma_start3A_219] : memref<20x128xi32, #tpu.memory_space<vmem>> -> memref<1x128xi32, #tpu.memory_space<vmem>>
        %dma_start3A_221 = tpu.memref_squeeze %dma_start3A_220 : memref<1x128xi32, #tpu.memory_space<vmem>> -> memref<128xi32, #tpu.memory_space<vmem>>
        %dma_start3A_222 = arith.constant 0 : i32
        %dma_start3A_223 = arith.constant 0 : i32
        %dma_start3A_224 = tpu.memref_slice %arg13[%dma_start3A_222, %dma_start3A_223] : memref<10112x48xf32, #tpu.memory_space<vmem_shared>> -> memref<10112x48xf32, #tpu.memory_space<vmem_shared>>
        tpu.enqueue_indirect_dma source(%arg9 : memref<128x48xf32, #tpu.memory_space<vmem>>) target(%dma_start3A_224 : memref<10112x48xf32, #tpu.memory_space<vmem_shared>>) offsets(%dma_start3A_221 : memref<128xi32, #tpu.memory_space<vmem>>) semaphore(%arg18 : memref<!tpu.dma_semaphore, #tpu.memory_space<semaphore_mem>>) {add = true}
        %add3A_225 = arith.constant 1 : i32
        %add3A_226 = arith.addi %add3A_137, %add3A_225 : i32
        %dma_wait3A_227 = arith.constant 0 : i32
        %dma_wait3A_228 = tpu.memref_slice %arg7[%add3A_226, %dma_wait3A_227] : memref<20x128xi32, #tpu.memory_space<vmem>> -> memref<1x128xi32, #tpu.memory_space<vmem>>
        %dma_wait3A_229 = tpu.memref_squeeze %dma_wait3A_228 : memref<1x128xi32, #tpu.memory_space<vmem>> -> memref<128xi32, #tpu.memory_space<vmem>>
        %dma_wait3A_230 = arith.constant 0 : i32
        %dma_wait3A_231 = arith.constant 0 : i32
        %dma_wait3A_232 = tpu.memref_slice %arg2[%dma_wait3A_230, %dma_wait3A_231] : memref<10000x48xf32, #tpu.memory_space<hbm>> -> memref<10000x48xf32, #tpu.memory_space<hbm>>
        tpu.wait_indirect_dma semaphore(%arg15 : memref<!tpu.dma_semaphore, #tpu.memory_space<semaphore_mem>>) src(%dma_wait3A_232 : memref<10000x48xf32, #tpu.memory_space<hbm>>) dst(%arg10 : memref<128x48xf32, #tpu.memory_space<vmem>>)
        %add3A_233 = arith.constant 1 : i32
        %add3A_234 = arith.addi %add3A_137, %add3A_233 : i32
        %dma_start3A_235 = arith.constant 0 : i32
        %dma_start3A_236 = tpu.memref_slice %arg8[%add3A_234, %dma_start3A_235] : memref<20x128xi32, #tpu.memory_space<vmem>> -> memref<1x128xi32, #tpu.memory_space<vmem>>
        %dma_start3A_237 = tpu.memref_squeeze %dma_start3A_236 : memref<1x128xi32, #tpu.memory_space<vmem>> -> memref<128xi32, #tpu.memory_space<vmem>>
        %dma_start3A_238 = arith.constant 0 : i32
        %dma_start3A_239 = arith.constant 0 : i32
        %dma_start3A_240 = tpu.memref_slice %arg13[%dma_start3A_238, %dma_start3A_239] : memref<10112x48xf32, #tpu.memory_space<vmem_shared>> -> memref<10112x48xf32, #tpu.memory_space<vmem_shared>>
        tpu.enqueue_indirect_dma source(%arg10 : memref<128x48xf32, #tpu.memory_space<vmem>>) target(%dma_start3A_240 : memref<10112x48xf32, #tpu.memory_space<vmem_shared>>) offsets(%dma_start3A_237 : memref<128xi32, #tpu.memory_space<vmem>>) semaphore(%arg19 : memref<!tpu.dma_semaphore, #tpu.memory_space<semaphore_mem>>) {add = true}
        %add3A_241 = arith.constant 2 : i32
        %add3A_242 = arith.addi %add3A_137, %add3A_241 : i32
        %dma_wait3A_243 = arith.constant 0 : i32
        %dma_wait3A_244 = tpu.memref_slice %arg7[%add3A_242, %dma_wait3A_243] : memref<20x128xi32, #tpu.memory_space<vmem>> -> memref<1x128xi32, #tpu.memory_space<vmem>>
        %dma_wait3A_245 = tpu.memref_squeeze %dma_wait3A_244 : memref<1x128xi32, #tpu.memory_space<vmem>> -> memref<128xi32, #tpu.memory_space<vmem>>
        %dma_wait3A_246 = arith.constant 0 : i32
        %dma_wait3A_247 = arith.constant 0 : i32
        %dma_wait3A_248 = tpu.memref_slice %arg2[%dma_wait3A_246, %dma_wait3A_247] : memref<10000x48xf32, #tpu.memory_space<hbm>> -> memref<10000x48xf32, #tpu.memory_space<hbm>>
        tpu.wait_indirect_dma semaphore(%arg16 : memref<!tpu.dma_semaphore, #tpu.memory_space<semaphore_mem>>) src(%dma_wait3A_248 : memref<10000x48xf32, #tpu.memory_space<hbm>>) dst(%arg11 : memref<128x48xf32, #tpu.memory_space<vmem>>)
        %add3A_249 = arith.constant 2 : i32
        %add3A_250 = arith.addi %add3A_137, %add3A_249 : i32
        %dma_start3A_251 = arith.constant 0 : i32
        %dma_start3A_252 = tpu.memref_slice %arg8[%add3A_250, %dma_start3A_251] : memref<20x128xi32, #tpu.memory_space<vmem>> -> memref<1x128xi32, #tpu.memory_space<vmem>>
        %dma_start3A_253 = tpu.memref_squeeze %dma_start3A_252 : memref<1x128xi32, #tpu.memory_space<vmem>> -> memref<128xi32, #tpu.memory_space<vmem>>
        %dma_start3A_254 = arith.constant 0 : i32
        %dma_start3A_255 = arith.constant 0 : i32
        %dma_start3A_256 = tpu.memref_slice %arg13[%dma_start3A_254, %dma_start3A_255] : memref<10112x48xf32, #tpu.memory_space<vmem_shared>> -> memref<10112x48xf32, #tpu.memory_space<vmem_shared>>
        tpu.enqueue_indirect_dma source(%arg11 : memref<128x48xf32, #tpu.memory_space<vmem>>) target(%dma_start3A_256 : memref<10112x48xf32, #tpu.memory_space<vmem_shared>>) offsets(%dma_start3A_253 : memref<128xi32, #tpu.memory_space<vmem>>) semaphore(%arg20 : memref<!tpu.dma_semaphore, #tpu.memory_space<semaphore_mem>>) {add = true}
        %add3A_257 = arith.constant 3 : i32
        %add3A_258 = arith.addi %add3A_137, %add3A_257 : i32
        %dma_wait3A_259 = arith.constant 0 : i32
        %dma_wait3A_260 = tpu.memref_slice %arg7[%add3A_258, %dma_wait3A_259] : memref<20x128xi32, #tpu.memory_space<vmem>> -> memref<1x128xi32, #tpu.memory_space<vmem>>
        %dma_wait3A_261 = tpu.memref_squeeze %dma_wait3A_260 : memref<1x128xi32, #tpu.memory_space<vmem>> -> memref<128xi32, #tpu.memory_space<vmem>>
        %dma_wait3A_262 = arith.constant 0 : i32
        %dma_wait3A_263 = arith.constant 0 : i32
        %dma_wait3A_264 = tpu.memref_slice %arg2[%dma_wait3A_262, %dma_wait3A_263] : memref<10000x48xf32, #tpu.memory_space<hbm>> -> memref<10000x48xf32, #tpu.memory_space<hbm>>
        tpu.wait_indirect_dma semaphore(%arg17 : memref<!tpu.dma_semaphore, #tpu.memory_space<semaphore_mem>>) src(%dma_wait3A_264 : memref<10000x48xf32, #tpu.memory_space<hbm>>) dst(%arg12 : memref<128x48xf32, #tpu.memory_space<vmem>>)
        %add3A_265 = arith.constant 3 : i32
        %add3A_266 = arith.addi %add3A_137, %add3A_265 : i32
        %dma_start3A_267 = arith.constant 0 : i32
        %dma_start3A_268 = tpu.memref_slice %arg8[%add3A_266, %dma_start3A_267] : memref<20x128xi32, #tpu.memory_space<vmem>> -> memref<1x128xi32, #tpu.memory_space<vmem>>
        %dma_start3A_269 = tpu.memref_squeeze %dma_start3A_268 : memref<1x128xi32, #tpu.memory_space<vmem>> -> memref<128xi32, #tpu.memory_space<vmem>>
        %dma_start3A_270 = arith.constant 0 : i32
        %dma_start3A_271 = arith.constant 0 : i32
        %dma_start3A_272 = tpu.memref_slice %arg13[%dma_start3A_270, %dma_start3A_271] : memref<10112x48xf32, #tpu.memory_space<vmem_shared>> -> memref<10112x48xf32, #tpu.memory_space<vmem_shared>>
        tpu.enqueue_indirect_dma source(%arg12 : memref<128x48xf32, #tpu.memory_space<vmem>>) target(%dma_start3A_272 : memref<10112x48xf32, #tpu.memory_space<vmem_shared>>) offsets(%dma_start3A_269 : memref<128xi32, #tpu.memory_space<vmem>>) semaphore(%arg21 : memref<!tpu.dma_semaphore, #tpu.memory_space<semaphore_mem>>) {add = true}
      }
      %scan3A_104 = arith.constant 4 : i32
      %dma_wait3A_105 = arith.constant 16 : i32
      %dma_wait3A_106 = arith.constant 0 : i32
      %dma_wait3A_107 = tpu.memref_slice %arg8[%dma_wait3A_105, %dma_wait3A_106] : memref<20x128xi32, #tpu.memory_space<vmem>> -> memref<1x128xi32, #tpu.memory_space<vmem>>
      %dma_wait3A_108 = tpu.memref_squeeze %dma_wait3A_107 : memref<1x128xi32, #tpu.memory_space<vmem>> -> memref<128xi32, #tpu.memory_space<vmem>>
      %dma_wait3A_109 = arith.constant 0 : i32
      %dma_wait3A_110 = arith.constant 0 : i32
      %dma_wait3A_111 = tpu.memref_slice %arg13[%dma_wait3A_109, %dma_wait3A_110] : memref<10112x48xf32, #tpu.memory_space<vmem_shared>> -> memref<10112x48xf32, #tpu.memory_space<vmem_shared>>
      tpu.wait_indirect_dma semaphore(%arg18 : memref<!tpu.dma_semaphore, #tpu.memory_space<semaphore_mem>>) src(%arg9 : memref<128x48xf32, #tpu.memory_space<vmem>>) dst(%dma_wait3A_111 : memref<10112x48xf32, #tpu.memory_space<vmem_shared>>)
      %dma_wait3A_112 = arith.constant 17 : i32
      %dma_wait3A_113 = arith.constant 0 : i32
      %dma_wait3A_114 = tpu.memref_slice %arg8[%dma_wait3A_112, %dma_wait3A_113] : memref<20x128xi32, #tpu.memory_space<vmem>> -> memref<1x128xi32, #tpu.memory_space<vmem>>
      %dma_wait3A_115 = tpu.memref_squeeze %dma_wait3A_114 : memref<1x128xi32, #tpu.memory_space<vmem>> -> memref<128xi32, #tpu.memory_space<vmem>>
      %dma_wait3A_116 = arith.constant 0 : i32
      %dma_wait3A_117 = arith.constant 0 : i32
      %dma_wait3A_118 = tpu.memref_slice %arg13[%dma_wait3A_116, %dma_wait3A_117] : memref<10112x48xf32, #tpu.memory_space<vmem_shared>> -> memref<10112x48xf32, #tpu.memory_space<vmem_shared>>
      tpu.wait_indirect_dma semaphore(%arg19 : memref<!tpu.dma_semaphore, #tpu.memory_space<semaphore_mem>>) src(%arg10 : memref<128x48xf32, #tpu.memory_space<vmem>>) dst(%dma_wait3A_118 : memref<10112x48xf32, #tpu.memory_space<vmem_shared>>)
      %dma_wait3A_119 = arith.constant 18 : i32
      %dma_wait3A_120 = arith.constant 0 : i32
      %dma_wait3A_121 = tpu.memref_slice %arg8[%dma_wait3A_119, %dma_wait3A_120] : memref<20x128xi32, #tpu.memory_space<vmem>> -> memref<1x128xi32, #tpu.memory_space<vmem>>
      %dma_wait3A_122 = tpu.memref_squeeze %dma_wait3A_121 : memref<1x128xi32, #tpu.memory_space<vmem>> -> memref<128xi32, #tpu.memory_space<vmem>>
      %dma_wait3A_123 = arith.constant 0 : i32
      %dma_wait3A_124 = arith.constant 0 : i32
      %dma_wait3A_125 = tpu.memref_slice %arg13[%dma_wait3A_123, %dma_wait3A_124] : memref<10112x48xf32, #tpu.memory_space<vmem_shared>> -> memref<10112x48xf32, #tpu.memory_space<vmem_shared>>
      tpu.wait_indirect_dma semaphore(%arg20 : memref<!tpu.dma_semaphore, #tpu.memory_space<semaphore_mem>>) src(%arg11 : memref<128x48xf32, #tpu.memory_space<vmem>>) dst(%dma_wait3A_125 : memref<10112x48xf32, #tpu.memory_space<vmem_shared>>)
      %dma_wait3A_126 = arith.constant 19 : i32
      %dma_wait3A_127 = arith.constant 0 : i32
      %dma_wait3A_128 = tpu.memref_slice %arg8[%dma_wait3A_126, %dma_wait3A_127] : memref<20x128xi32, #tpu.memory_space<vmem>> -> memref<1x128xi32, #tpu.memory_space<vmem>>
      %dma_wait3A_129 = tpu.memref_squeeze %dma_wait3A_128 : memref<1x128xi32, #tpu.memory_space<vmem>> -> memref<128xi32, #tpu.memory_space<vmem>>
      %dma_wait3A_130 = arith.constant 0 : i32
      %dma_wait3A_131 = arith.constant 0 : i32
      %dma_wait3A_132 = tpu.memref_slice %arg13[%dma_wait3A_130, %dma_wait3A_131] : memref<10112x48xf32, #tpu.memory_space<vmem_shared>> -> memref<10112x48xf32, #tpu.memory_space<vmem_shared>>
      tpu.wait_indirect_dma semaphore(%arg21 : memref<!tpu.dma_semaphore, #tpu.memory_space<semaphore_mem>>) src(%arg12 : memref<128x48xf32, #tpu.memory_space<vmem>>) dst(%dma_wait3A_132 : memref<10112x48xf32, #tpu.memory_space<vmem_shared>>)
    }
    %scan3A_8 = arith.constant 4 : i32
    %barrier3A_9 = arith.constant 0 : index
    tpu.barrier barrier_id(%barrier3A_9)
    "tpu.region"() ({
      %run_scoped3A = tpu.sem_alloc : memref<!tpu.dma_semaphore, #tpu.memory_space<semaphore_mem>>
      %dma_start3A = arith.constant 0 : i32
      %dma_start3A_10 = tpu.memref_slice %arg6[%arg0, %mul3A_0, %dma_start3A] : memref<2x10112x48xf32, #tpu.memory_space<hbm>> -> memref<1x632x48xf32, #tpu.memory_space<hbm>>
      %dma_start3A_11 = tpu.memref_squeeze %dma_start3A_10 : memref<1x632x48xf32, #tpu.memory_space<hbm>> -> memref<632x48xf32, #tpu.memory_space<hbm>>
      %dma_start3A_12 = arith.constant 0 : i32
      %dma_start3A_13 = tpu.memref_slice %arg13[%mul3A_0, %dma_start3A_12] : memref<10112x48xf32, #tpu.memory_space<vmem_shared>> -> memref<632x48xf32, #tpu.memory_space<vmem_shared>>
      tpu.enqueue_dma source(%dma_start3A_13 : memref<632x48xf32, #tpu.memory_space<vmem_shared>>) target(%dma_start3A_11 : memref<632x48xf32, #tpu.memory_space<hbm>>) target_semaphore(%run_scoped3A : memref<!tpu.dma_semaphore, #tpu.memory_space<semaphore_mem>>)
      %dma_wait3A = arith.constant 0 : i32
      %dma_wait3A_14 = tpu.memref_slice %arg6[%arg0, %mul3A_0, %dma_wait3A] : memref<2x10112x48xf32, #tpu.memory_space<hbm>> -> memref<1x632x48xf32, #tpu.memory_space<hbm>>
      %dma_wait3A_15 = tpu.memref_squeeze %dma_wait3A_14 : memref<1x632x48xf32, #tpu.memory_space<hbm>> -> memref<632x48xf32, #tpu.memory_space<hbm>>
      %dma_wait3A_16 = arith.constant 0 : i32
      %dma_wait3A_17 = tpu.memref_slice %arg13[%mul3A_0, %dma_wait3A_16] : memref<10112x48xf32, #tpu.memory_space<vmem_shared>> -> memref<632x48xf32, #tpu.memory_space<vmem_shared>>
      tpu.wait_dma2 semaphore(%run_scoped3A : memref<!tpu.dma_semaphore, #tpu.memory_space<semaphore_mem>>) src(%dma_wait3A_17 : memref<632x48xf32, #tpu.memory_space<vmem_shared>>) dst(%dma_wait3A_15 : memref<632x48xf32, #tpu.memory_space<hbm>>)
      tpu.yield
    }) : () -> ()
    return
  }
}

module attributes {stable_mosaic.version = 14 : i64} {
  func.func @_mm1_body(%arg0: i32, %arg1: memref<2000x128xf32, #tpu.memory_space<vmem>>, %arg2: memref<128x128xf32, #tpu.memory_space<vmem>>, %arg3: memref<2x2000x72xf32, #tpu.memory_space<vmem>>) attributes {dimension_semantics = [#tpu.dimension_semantics<arbitrary>], iteration_bounds = array<i64: 5>, scalar_prefetch = 0 : i64, scratch_operands = 0 : i64, tpu.core_type = #tpu.core_type<tc>, window_params = [{transform_indices = @transform_0, window_bounds = array<i64: 2000, 128>}, {pipeline_mode = #tpu.pipeline_mode<synchronous>, transform_indices = @transform_1, window_bounds = array<i64: 128, 128>}, {transform_indices = @transform_2, window_bounds = array<i64: 2, 2000, 72>}]} {
    %get3A = arith.constant 0 : index
    %get3A_0 = arith.constant 0 : index
    %get3A_1 = vector.load %arg1[%get3A, %get3A_0] : memref<2000x128xf32, #tpu.memory_space<vmem>>, vector<2000x128xf32>
    %get3A_2 = arith.constant 0 : index
    %get3A_3 = arith.constant 0 : index
    %get3A_4 = vector.load %arg2[%get3A_2, %get3A_3] : memref<128x128xf32, #tpu.memory_space<vmem>>, vector<128x128xf32>
    %dot_general3A = arith.constant dense<0.000000e+00> : vector<2000x128xf32>
    %dot_general3A_5 = tpu.matmul %get3A_1, %get3A_4, %dot_general3A {dimension_numbers = #tpu.dot_dimension_numbers<[1], [0], [0], [1], [0, 0, 1, 1], [], []>, precision = #tpu.contract_precision<fp32>, transpose_lhs_hint = false} : vector<2000x128xf32>, vector<128x128xf32>, vector<2000x128xf32> -> vector<2000x128xf32>
    %slice3A = vector.extract_strided_slice %dot_general3A_5 {offsets = [0, 0], sizes = [2000, 72], strides = [1, 1]} : vector<2000x128xf32> to vector<2000x72xf32>
    %swap3A = arith.constant 0 : index
    %swap3A_6 = arith.constant 0 : index
    %swap3A_7 = arith.constant 0 : index
    %swap3A_8 = vector.load %arg3[%swap3A, %swap3A_6, %swap3A_7] : memref<2x2000x72xf32, #tpu.memory_space<vmem>>, vector<1x2000x72xf32>
    %swap3A_9 = vector.shape_cast %swap3A_8 : vector<1x2000x72xf32> to vector<2000x72xf32>
    %swap3A_10 = vector.shape_cast %slice3A : vector<2000x72xf32> to vector<1x2000x72xf32>
    tpu.vector_store %arg3[%swap3A, %swap3A_6, %swap3A_7], %swap3A_10 {strides = array<i32>} : memref<2x2000x72xf32, #tpu.memory_space<vmem>>, vector<1x2000x72xf32>,
    %iota3A = tpu.iota {dimensions = array<i32: 1>} : vector<2000x16xi32>
    %slice3A_11 = vector.extract_strided_slice %dot_general3A_5 {offsets = [0, 72], sizes = [2000, 56], strides = [1, 1]} : vector<2000x128xf32> to vector<2000x56xf32>
    %swap3A_12 = arith.constant 1 : index
    %swap3A_13 = arith.constant 0 : index
    %swap3A_14 = arith.constant 0 : index
    %swap3A_15 = vector.load %arg3[%swap3A_12, %swap3A_13, %swap3A_14] : memref<2x2000x72xf32, #tpu.memory_space<vmem>>, vector<1x2000x56xf32>
    %swap3A_16 = vector.shape_cast %swap3A_15 : vector<1x2000x56xf32> to vector<2000x56xf32>
    %swap3A_17 = vector.shape_cast %slice3A_11 : vector<2000x56xf32> to vector<1x2000x56xf32>
    tpu.vector_store %arg3[%swap3A_12, %swap3A_13, %swap3A_14], %swap3A_17 {strides = array<i32>} : memref<2x2000x72xf32, #tpu.memory_space<vmem>>, vector<1x2000x56xf32>,
    %eq3A = arith.constant 0 : i32
    %eq3A_18 = vector.broadcast %eq3A : i32 to vector<2000x16xi32>
    %eq3A_19 = arith.cmpi eq, %iota3A, %eq3A_18 : vector<2000x16xi32>
    %jit3A = arith.constant 1.000000e+00 : f32
    %jit3A_20 = arith.constant 0.000000e+00 : f32
    %broadcast_in_dim3A = vector.broadcast %jit3A : f32 to vector<2000x16xf32>
    %broadcast_in_dim3A_21 = vector.broadcast %jit3A_20 : f32 to vector<2000x16xf32>
    %select_n3A = arith.select %eq3A_19, %broadcast_in_dim3A, %broadcast_in_dim3A_21 : vector<2000x16xi1>, vector<2000x16xf32>
    %swap3A_22 = arith.constant 1 : index
    %swap3A_23 = arith.constant 0 : index
    %swap3A_24 = arith.constant 56 : index
    %swap3A_25 = vector.load %arg3[%swap3A_22, %swap3A_23, %swap3A_24] : memref<2x2000x72xf32, #tpu.memory_space<vmem>>, vector<1x2000x16xf32>
    %swap3A_26 = vector.shape_cast %swap3A_25 : vector<1x2000x16xf32> to vector<2000x16xf32>
    %swap3A_27 = vector.shape_cast %select_n3A : vector<2000x16xf32> to vector<1x2000x16xf32>
    tpu.vector_store %arg3[%swap3A_22, %swap3A_23, %swap3A_24], %swap3A_27 {strides = array<i32>} : memref<2x2000x72xf32, #tpu.memory_space<vmem>>, vector<1x2000x16xf32>,
    return
  }
  func.func @transform_0(%arg0: i32) -> (i32, i32) {
    %c0_i32 = arith.constant 0 : i32
    %c0_i32_0 = arith.constant 0 : i32
    return %arg0, %c0_i32 : i32, i32
  }
  func.func @transform_1(%arg0: i32) -> (i32, i32) {
    %c0_i32 = arith.constant 0 : i32
    %c0_i32_0 = arith.constant 0 : i32
    %c0_i32_1 = arith.constant 0 : i32
    return %c0_i32, %c0_i32_0 : i32, i32
  }
  func.func @transform_2(%arg0: i32) -> (i32, i32, i32) {
    %c0_i32 = arith.constant 0 : i32
    %c0_i32_0 = arith.constant 0 : i32
    %c0_i32_1 = arith.constant 0 : i32
    return %c0_i32, %arg0, %c0_i32_0 : i32, i32, i32
  }
}

module attributes {stable_mosaic.version = 14 : i64} {
  func.func @_fin1_body(%arg0: i32, %arg1: memref<2x2000x72xf32, #tpu.memory_space<vmem>>, %arg2: memref<1x128xf32, #tpu.memory_space<vmem>>, %arg3: memref<128x48xf32, #tpu.memory_space<vmem>>, %arg4: memref<2000x48xf32, #tpu.memory_space<vmem>>, %arg5: memref<2000x1xf32, #tpu.memory_space<vmem>>) attributes {dimension_semantics = [#tpu.dimension_semantics<arbitrary>], iteration_bounds = array<i64: 5>, scalar_prefetch = 0 : i64, scratch_operands = 0 : i64, tpu.core_type = #tpu.core_type<tc>, window_params = [{transform_indices = @transform_0, window_bounds = array<i64: 2, 2000, 72>}, {pipeline_mode = #tpu.pipeline_mode<synchronous>, transform_indices = @transform_1, window_bounds = array<i64: 1, 128>}, {pipeline_mode = #tpu.pipeline_mode<synchronous>, transform_indices = @transform_2, window_bounds = array<i64: 128, 48>}, {transform_indices = @transform_3, window_bounds = array<i64: 2000, 48>}, {transform_indices = @transform_4, window_bounds = array<i64: 2000, 1>}]} {
    %get3A = arith.constant 0 : index
    %get3A_0 = arith.constant 0 : index
    %get3A_1 = arith.constant 0 : index
    %get3A_2 = vector.load %arg1[%get3A, %get3A_0, %get3A_1] : memref<2x2000x72xf32, #tpu.memory_space<vmem>>, vector<1x2000x72xf32>
    %get3A_3 = vector.shape_cast %get3A_2 : vector<1x2000x72xf32> to vector<2000x72xf32>
    %get3A_4 = arith.constant 1 : index
    %get3A_5 = arith.constant 0 : index
    %get3A_6 = arith.constant 0 : index
    %get3A_7 = vector.load %arg1[%get3A_4, %get3A_5, %get3A_6] : memref<2x2000x72xf32, #tpu.memory_space<vmem>>, vector<1x2000x72xf32>
    %get3A_8 = vector.shape_cast %get3A_7 : vector<1x2000x72xf32> to vector<2000x72xf32>
    %slice3A = vector.extract_strided_slice %get3A_8 {offsets = [0, 0], sizes = [2000, 56], strides = [1, 1]} : vector<2000x72xf32> to vector<2000x56xf32>
    %concatenate3A = tpu.concatenate %get3A_3, %slice3A in 1 : vector<2000x72xf32>, vector<2000x56xf32> -> vector<2000x128xf32>
    %slice3A_9 = vector.extract_strided_slice %get3A_8 {offsets = [0, 56], sizes = [2000, 1], strides = [1, 1]} : vector<2000x72xf32> to vector<2000x1xf32>
    %max3A = arith.constant 1.000000e+00 : f32
    %max3A_10 = vector.broadcast %max3A : f32 to vector<2000x1xf32>
    %max3A_11 = arith.maximumf %slice3A_9, %max3A_10 : vector<2000x1xf32>
    %div3A = arith.constant 1.000000e+00 : f32
    %div3A_12 = vector.broadcast %div3A : f32 to vector<2000x1xf32>
    %div3A_13 = arith.divf %div3A_12, %max3A_11 : vector<2000x1xf32>
    %mul3A = vector.broadcast %div3A_13 : vector<2000x1xf32> to vector<2000x128xf32>
    %mul3A_14 = arith.mulf %concatenate3A, %mul3A : vector<2000x128xf32>
    %get3A_15 = arith.constant 0 : index
    %get3A_16 = arith.constant 0 : index
    %get3A_17 = vector.load %arg2[%get3A_15, %get3A_16] : memref<1x128xf32, #tpu.memory_space<vmem>>, vector<1x128xf32>
    %add3A = vector.broadcast %get3A_17 : vector<1x128xf32> to vector<2000x128xf32>
    %add3A_18 = arith.addf %mul3A_14, %add3A : vector<2000x128xf32>
    %max3A_19 = arith.constant 0.000000e+00 : f32
    %max3A_20 = vector.broadcast %max3A_19 : f32 to vector<2000x128xf32>
    %max3A_21 = arith.maximumf %add3A_18, %max3A_20 : vector<2000x128xf32>
    %get3A_22 = arith.constant 0 : index
    %get3A_23 = arith.constant 0 : index
    %get3A_24 = vector.load %arg3[%get3A_22, %get3A_23] : memref<128x48xf32, #tpu.memory_space<vmem>>, vector<128x48xf32>
    %dot_general3A = arith.constant dense<0.000000e+00> : vector<2000x48xf32>
    %dot_general3A_25 = tpu.matmul %max3A_21, %get3A_24, %dot_general3A {dimension_numbers = #tpu.dot_dimension_numbers<[1], [0], [0], [1], [0, 0, 1, 1], [], []>, precision = #tpu.contract_precision<fp32>, transpose_lhs_hint = false} : vector<2000x128xf32>, vector<128x48xf32>, vector<2000x48xf32> -> vector<2000x48xf32>
    %swap3A = arith.constant 0 : index
    %swap3A_26 = arith.constant 0 : index
    %swap3A_27 = vector.load %arg4[%swap3A, %swap3A_26] : memref<2000x48xf32, #tpu.memory_space<vmem>>, vector<2000x48xf32>
    tpu.vector_store %arg4[%swap3A, %swap3A_26], %dot_general3A_25 {strides = array<i32>} : memref<2000x48xf32, #tpu.memory_space<vmem>>, vector<2000x48xf32>,
    %swap3A_28 = arith.constant 0 : index
    %swap3A_29 = arith.constant 0 : index
    %swap3A_30 = vector.load %arg5[%swap3A_28, %swap3A_29] : memref<2000x1xf32, #tpu.memory_space<vmem>>, vector<2000x1xf32>
    tpu.vector_store %arg5[%swap3A_28, %swap3A_29], %div3A_13 {strides = array<i32>} : memref<2000x1xf32, #tpu.memory_space<vmem>>, vector<2000x1xf32>,
    return
  }
  func.func @transform_0(%arg0: i32) -> (i32, i32, i32) {
    %c0_i32 = arith.constant 0 : i32
    %c0_i32_0 = arith.constant 0 : i32
    %c0_i32_1 = arith.constant 0 : i32
    return %c0_i32, %arg0, %c0_i32_0 : i32, i32, i32
  }
  func.func @transform_1(%arg0: i32) -> (i32, i32) {
    %c0_i32 = arith.constant 0 : i32
    %c0_i32_0 = arith.constant 0 : i32
    %c0_i32_1 = arith.constant 0 : i32
    return %c0_i32, %c0_i32_0 : i32, i32
  }
  func.func @transform_2(%arg0: i32) -> (i32, i32) {
    %c0_i32 = arith.constant 0 : i32
    %c0_i32_0 = arith.constant 0 : i32
    %c0_i32_1 = arith.constant 0 : i32
    return %c0_i32, %c0_i32_0 : i32, i32
  }
  func.func @transform_3(%arg0: i32) -> (i32, i32) {
    %c0_i32 = arith.constant 0 : i32
    %c0_i32_0 = arith.constant 0 : i32
    return %arg0, %c0_i32 : i32, i32
  }
  func.func @transform_4(%arg0: i32) -> (i32, i32) {
    %c0_i32 = arith.constant 0 : i32
    %c0_i32_0 = arith.constant 0 : i32
    return %arg0, %c0_i32 : i32, i32
  }
}

module attributes {stable_mosaic.version = 14 : i64} {
  func.func @_fin2_body(%arg0: i32, %arg1: memref<2x2000x48xf32, #tpu.memory_space<vmem>>, %arg2: memref<2000x1xf32, #tpu.memory_space<vmem>>, %arg3: memref<1x48xf32, #tpu.memory_space<vmem>>, %arg4: memref<2000x40xf32, #tpu.memory_space<vmem>>) attributes {dimension_semantics = [#tpu.dimension_semantics<arbitrary>], iteration_bounds = array<i64: 5>, scalar_prefetch = 0 : i64, scratch_operands = 0 : i64, tpu.core_type = #tpu.core_type<tc>, window_params = [{transform_indices = @transform_0, window_bounds = array<i64: 2, 2000, 48>}, {transform_indices = @transform_1, window_bounds = array<i64: 2000, 1>}, {pipeline_mode = #tpu.pipeline_mode<synchronous>, transform_indices = @transform_2, window_bounds = array<i64: 1, 48>}, {transform_indices = @transform_3, window_bounds = array<i64: 2000, 40>}]} {
    %get3A = arith.constant 0 : index
    %get3A_0 = arith.constant 0 : index
    %get3A_1 = arith.constant 0 : index
    %get3A_2 = vector.load %arg1[%get3A, %get3A_0, %get3A_1] : memref<2x2000x48xf32, #tpu.memory_space<vmem>>, vector<1x2000x48xf32>
    %get3A_3 = vector.shape_cast %get3A_2 : vector<1x2000x48xf32> to vector<2000x48xf32>
    %get3A_4 = arith.constant 1 : index
    %get3A_5 = arith.constant 0 : index
    %get3A_6 = arith.constant 0 : index
    %get3A_7 = vector.load %arg1[%get3A_4, %get3A_5, %get3A_6] : memref<2x2000x48xf32, #tpu.memory_space<vmem>>, vector<1x2000x48xf32>
    %get3A_8 = vector.shape_cast %get3A_7 : vector<1x2000x48xf32> to vector<2000x48xf32>
    %add3A = arith.addf %get3A_3, %get3A_8 : vector<2000x48xf32>
    %get3A_9 = arith.constant 0 : index
    %get3A_10 = arith.constant 0 : index
    %get3A_11 = vector.load %arg2[%get3A_9, %get3A_10] : memref<2000x1xf32, #tpu.memory_space<vmem>>, vector<2000x1xf32>
    %mul3A = vector.broadcast %get3A_11 : vector<2000x1xf32> to vector<2000x48xf32>
    %mul3A_12 = arith.mulf %add3A, %mul3A : vector<2000x48xf32>
    %get3A_13 = arith.constant 0 : index
    %get3A_14 = arith.constant 0 : index
    %get3A_15 = vector.load %arg3[%get3A_13, %get3A_14] : memref<1x48xf32, #tpu.memory_space<vmem>>, vector<1x48xf32>
    %add3A_16 = vector.broadcast %get3A_15 : vector<1x48xf32> to vector<2000x48xf32>
    %add3A_17 = arith.addf %mul3A_12, %add3A_16 : vector<2000x48xf32>
    %slice3A = vector.extract_strided_slice %add3A_17 {offsets = [0, 0], sizes = [2000, 40], strides = [1, 1]} : vector<2000x48xf32> to vector<2000x40xf32>
    %swap3A = arith.constant 0 : index
    %swap3A_18 = arith.constant 0 : index
    %swap3A_19 = vector.load %arg4[%swap3A, %swap3A_18] : memref<2000x40xf32, #tpu.memory_space<vmem>>, vector<2000x40xf32>
    tpu.vector_store %arg4[%swap3A, %swap3A_18], %slice3A {strides = array<i32>} : memref<2000x40xf32, #tpu.memory_space<vmem>>, vector<2000x40xf32>,
    return
  }
  func.func @transform_0(%arg0: i32) -> (i32, i32, i32) {
    %c0_i32 = arith.constant 0 : i32
    %c0_i32_0 = arith.constant 0 : i32
    %c0_i32_1 = arith.constant 0 : i32
    return %c0_i32, %arg0, %c0_i32_0 : i32, i32, i32
  }
  func.func @transform_1(%arg0: i32) -> (i32, i32) {
    %c0_i32 = arith.constant 0 : i32
    %c0_i32_0 = arith.constant 0 : i32
    return %arg0, %c0_i32 : i32, i32
  }
  func.func @transform_2(%arg0: i32) -> (i32, i32) {
    %c0_i32 = arith.constant 0 : i32
    %c0_i32_0 = arith.constant 0 : i32
    %c0_i32_1 = arith.constant 0 : i32
    return %c0_i32, %c0_i32_0 : i32, i32
  }
  func.func @transform_3(%arg0: i32) -> (i32, i32) {
    %c0_i32 = arith.constant 0 : i32
    %c0_i32_0 = arith.constant 0 : i32
    return %arg0, %c0_i32 : i32, i32
  }
}

</mosaic_0001>

<sc_bundles>
// kernel: kernel.10.cloned.1.call-start
scs
__scs_entry_jumppad:
0x0: {  	(pc) =	sbr.rel $0x88, $3  }
0x1: {  	(tag) =	ssettag $0x0;
	lr =	simm.s32 $0x1  }
0x2: {  	[smem:$0x3F9B] =	sst lr;
	_ =	strace $0xD0000000  }
0x3: {  	_ = 	snop  }
0x4: {  	_ = 	snop  }
0x5: {  	_ = 	snop  }
0x6: {  	_ = 	snop  }
0x7: {  	_ = 	snop  }
__scs_overlays_trampoline_lowered:
0x8: {  	[smem:$0x3FAA] =	sst s0  }
0x9: {  	[smem:$0x3FAB] =	sst s1  }
0xa: {  	[smem:$0x3FAC] =	sst s2  }
0xb: {  	[smem:$0x3FAD] =	sst s3  }
0xc: {  	[smem:$0x3FAE] =	sst s4  }
0xd: {  	[smem:$0x3FAF] =	sst s5  }
0xe: {  	[smem:$0x3FB0] =	sst s6  }
0xf: {  	[smem:$0x3FB1] =	sst s7  }
0x10: {  	[smem:$0x3FB2] =	sst s8  }
0x11: {  	[smem:$0x3FB3] =	sst s9;
	s0 =	simm.s32 @!p0 $0x0  }
0x12: {  	s1 =	sld [smem:$0x3F99];
	s0 =	simm.s32 @p0 $0x1  }
0x13: {  	[smem:$0x3FB4] =	sst s0;
	s0 =	simm.s32 @!p1 $0x0  }
0x14: {  	s2 =	sld [smem:$0x3F98];
	s0 =	simm.s32 @p1 $0x1  }
0x15: {  	[smem:$0x3FB5] =	sst s0;
	s0 =	simm.s32 @!p2 $0x0  }
0x16: {  	s3 =	sld [smem:$0x3FDB];
	s0 =	simm.s32 @p2 $0x1  }
0x17: {  	s4 =	simm.s32 $0x1BF5;
	[smem:$0x3FB7] =	sst s0  }
0x18: {  	s0 =	sld [smem:$0x3F9A];
	_ =	swait.ge [sflag:s4], $0x0  }
0x19: {  	s7 =	sld [smem:$0x3F9B]  }
0x1a: {  	s8 =	sadd.s32 $0xFFFFE003, lr  }
0x1b: {  	s9 =	sadd.s32 $0xFFFFFEF7, lr;
	s5 =	simm.s32 $0xFFFFFFFF;
	p2 =	slt.u32 s8, $0xFFFFF086  }
0x1c: {  	p1 =	slt.u32 s9, $0xF7A;
	s5 =	simm.s32 @!p2 $0x0  }
0x1d: {  	s5 =	simm.s32 @p1 $0x1;
	p0 =	seq.s32 s7, s2  }
0x1e: {  	s7 =	smul.u32 @!p0 $0xF7A, s2;
	p2 =	seq.s32 @!p0 s5, $0x0  }
0x1f: {  	s9 =	smul.u32 $0xF7A, s1;
	s8 =	simm.s32 @!p0 $0x1BF5;
	p2 =	por !p2, p0  }
0x20: {  	[sflag:s8] =	ssyncset.s32 @!p0 $0xFFFFF086;
	s6 =	sadd.s32 @!p0 s3, s7;
	s7 =	simm.s32 @!p0 $0x108  }
0x21: {  	s3 =	sadd.s32 s3, s9;
	s6 =	sadd.s32 @!p0 $0x88, s6;
	s7 =	simm.s32 @p2 $0x1082  }
0x22: {  	[simem:s7], [sflag:s8] =	dma.local @!p0 [hbm:s6], $0xF7A  }
0x23: {  	s9 =	sor.u32 $0xD0000000, s2;
	s6 =	simm.s32 $0x108;
	_ =	swait.ge @!p0 [sflag:s8], $0x0  }
0x24: {  	s3 =	sadd.s32 $0x88, s3;
	s6 =	simm.s32 @!p1 $0x1082;
	[sflag:s4] =	ssyncset.s32 $0xFFFFF086  }
0x25: {  	[simem:s6], [sflag:s4] =	dma.local [hbm:s3], $0xF7A  }
0x26: {  	[smem:$0x3F9B] =	sst s1;
	(tag) =	ssettag s2;
	_ =	strace s9  }
0x27: {  	s1 =	sld [smem:$0x3FAB]  }
0x28: {  	s2 =	sld [smem:$0x3FAC]  }
0x29: {  	s4 =	sld [smem:$0x3FAE]  }
0x2a: {  	p0 =	seq.s32 s5, $0x0;
	s5 =	sld [smem:$0x3FAF]  }
0x2b: {  	s6 =	sld [smem:$0x3FB0]  }
0x2c: {  	s7 =	sld [smem:$0x3FB1]  }
0x2d: {  	s3 =	simm.s32 $0x108;
	s8 =	sld [smem:$0x3FB2]  }
0x2e: {  	s3 =	simm.s32 @!p0 $0x1082;
	s9 =	sld [smem:$0x3FB3]  }
0x2f: {  	lr =	sadd.s32 s0, s3;
	s0 =	sld [smem:$0x3FAA]  }
0x30: {  	s3 =	sld [smem:$0x3FAD]  }
0x31: {  	[smem:$0x3FB6] =	sst s10  }
0x32: {  	s10 =	sld [smem:$0x3FB4];
	_ =	sdelay $0x3  }
0x33: {  	p0 =	seq.s32 s10, $0x1;
	s10 =	sld [smem:$0x3FB6];
	_ =	sdelay $0x3  }
0x34: {  	[smem:$0x3FB6] =	sst s10  }
0x35: {  	s10 =	sld [smem:$0x3FB5];
	_ =	sdelay $0x3  }
0x36: {  	p1 =	seq.s32 s10, $0x1;
	s10 =	sld [smem:$0x3FB6];
	_ =	sdelay $0x3  }
0x37: {  	[smem:$0x3FB6] =	sst s10  }
0x38: {  	s10 =	sld [smem:$0x3FB7]  }
0x39: {  	_ = 	snop;
	(pc) =	sbr.ind lr, $3  }
0x3a: {  	_ = 	snop  }
0x3b: {  	_ = 	snop  }
0x3c: {  	p2 =	seq.s32 s10, $0x1;
	s10 =	sld [smem:$0x3FB6]  }
0x3d: {  	_ =	shalt  }
0x3e: {  	_ =	shalt  }
0x3f: {  	_ =	shalt  }
0x40: {  	_ =	shalt  }
0x41: {  	_ =	shalt  }
0x42: {  	_ =	shalt  }
0x43: {  	_ =	shalt  }
0x44: {  	_ =	shalt  }
0x45: {  	_ =	shalt  }
0x46: {  	_ =	shalt  }
0x47: {  	_ =	shalt  }
0x48: {  	_ =	shalt  }
0x49: {  	_ =	shalt  }
0x4a: {  	_ =	shalt  }
0x4b: {  	_ =	shalt  }
0x4c: {  	_ =	shalt  }
0x4d: {  	_ =	shalt  }
0x4e: {  	_ =	shalt  }
0x4f: {  	_ =	shalt  }
0x50: {  	_ =	shalt  }
0x51: {  	_ =	shalt  }
0x52: {  	_ =	shalt  }
0x53: {  	_ =	shalt  }
0x54: {  	_ =	shalt  }
0x55: {  	_ =	shalt  }
0x56: {  	_ =	shalt  }
0x57: {  	_ =	shalt  }
0x58: {  	_ =	shalt  }
0x59: {  	_ =	shalt  }
0x5a: {  	_ =	shalt  }
0x5b: {  	_ =	shalt  }
0x5c: {  	_ =	shalt  }
0x5d: {  	_ =	shalt  }
0x5e: {  	_ =	shalt  }
0x5f: {  	_ =	shalt  }
0x60: {  	_ =	shalt  }
0x61: {  	_ =	shalt  }
0x62: {  	_ =	shalt  }
0x63: {  	_ =	shalt  }
0x64: {  	_ =	shalt  }
0x65: {  	_ =	shalt  }
0x66: {  	_ =	shalt  }
0x67: {  	_ =	shalt  }
0x68: {  	_ =	shalt  }
0x69: {  	_ =	shalt  }
0x6a: {  	_ =	shalt  }
0x6b: {  	_ =	shalt  }
0x6c: {  	_ =	shalt  }
0x6d: {  	_ =	shalt  }
0x6e: {  	_ =	shalt  }
0x6f: {  	_ =	shalt  }
0x70: {  	_ =	shalt  }
0x71: {  	_ =	shalt  }
0x72: {  	_ =	shalt  }
0x73: {  	_ =	shalt  }
0x74: {  	_ =	shalt  }
0x75: {  	_ =	shalt  }
0x76: {  	_ =	shalt  }
0x77: {  	_ =	shalt  }
0x78: {  	_ =	shalt  }
0x79: {  	_ =	shalt  }
0x7a: {  	_ =	shalt  }
0x7b: {  	_ =	shalt  }
0x7c: {  	_ =	shalt  }
0x7d: {  	_ =	shalt  }
0x7e: {  	_ =	shalt  }
0x7f: {  	_ =	shalt  }
0x80: {  	_ =	shalt  }
0x81: {  	_ =	shalt  }
0x82: {  	_ =	shalt  }
0x83: {  	_ =	shalt  }
0x84: {  	_ =	shalt  }
0x85: {  	_ =	shalt  }
0x86: {  	_ =	shalt  }
0x87: {  	_ =	shalt  }
.Lfunc_end0:
.L_simem_size_0:
called_computation.1_lowered:
.L_overlay_start_0:
0x88: {  	s2 =	sld [smem:$0x3FD9]  }
0x89: {  	s3 =	sld [smem:$0x3FFE];
	_ =	sdelay $0x1  }
0x8a: {  	s1 =	srdreg.scid  }
0x8b: {  	s0 =	sand.u32 $0x1, s1  }
0x8c: {  	s17 =	sshll.u32 s0, $0xA;
	s2 =	sadd.s32 s3, s2  }
0x8d: {  	s2 =	sadd.s32 s2, s17  }
0x8e: {  	[smem:$0x3FC2] =	sst s2  }
0x8f: {  	_ = 	snop  }
0x90: {  	s2 =	sld [smem:$0x3FD0];
	(tm) =	ssettm $0x1  }
0x91: {  	s18 =	sld [smem:$0x3FFB];
	_ =	sdelay $0x3  }
0x92: {  	_ =	strace s18  }
0x93: {  	s3 =	sld [smem:$0x3FFC];
	_ =	sdelay $0x3  }
0x94: {  	_ =	strace s3  }
0x95: {  	s3 =	sld [smem:$0x3FFD];
	_ =	sdelay $0x3  }
0x96: {  	_ =	strace s3  }
0x97: {  	_ =	strace $0x8FFFFFFF  }
0x98: {  	s19 =	sld [smem:$0x3FDB];
	_ =	sdelay $0x1  }
0x99: {  	s4 =	simm.s32 $_scs_section_size  }
0x9a: {  	s5 =	simm.s32 $_size__tile_overlayer_lowered;
	s6 =	simm.s32 $_tile_overlayer_lowered  }
0x9b: {  	s22 =	simm.s32 $0x1BFF;
	s21 =	sshll.u32 s6, $0x1;
	s3 =	sadd.s32 s4, s19  }
0x9c: {  	s7 =	simm.s32 $0x0;
	s20 =	sshll.u32 s5, $0x1;
	s5 =	sadd.s32 s21, s3  }
0x9d: {  	[timem:s7], [sflag:s22] =	dma.local [hbm:s5], s20  }
0x9e: {  	_ =	swait.ge [sflag:s22], s20  }
0x9f: {  	s4 =	ssub.s32 $0x0, s20;
	[sflag:s22] =	ssyncset.done $0x0  }
0xa0: {  	[sflag:s22] =	ssyncadd.s32 s4;
	_ =	sdelay $0x1  }
0xa1: {  	s23 =	simm.s32 $0x1B8B  }
0xa2: {  	_ =	swait.ge [sflag:s23], $0x1  }
0xa3: {  	[sflag:s23] =	ssyncset.done $0x0  }
0xa4: {  	s25 =	simm.s32 $0x1B8E;
	s24 =	sld [smem:$0x3FFE];
	[sflag:s23] =	ssyncadd.s32 $0xFFFFFFFF  }
0xa5: {  	s26 =	simm.s32 $execute0_lowered;
	[smem:$0x3FD2] =	sst s25  }
0xa6: {  	s5 =	sshll.u32 s26, $0x1;
	_ =	strace $0x80000049;
	[dreg:$0x1] =	wrdreg $0xFFFFFFFF  }
0xa7: {  	s28 =	simm.s32 $_size_execute0_lowered;
	s3 =	sadd.s32 s3, s5;
	[dreg:$0x0] =	wrdreg $0x0  }
0xa8: {  	s5 =	sshll.u32 s28, $0x1;
	[dreg:$0x2] =	wrdreg s3  }
0xa9: {  	[dreg:$0x3] =	wrdreg s5  }
0xaa: {  	[dreg:$0x4] =	wrdreg $0xC0  }
0xab: {  	_ =	task [dreg:s7], $0x5FFFF  }
0xac: {  	[dreg:$0x1] =	wrdreg $0xFFFFFFFF  }
0xad: {  	[dreg:$0x0] =	wrdreg $0x60  }
0xae: {  	[dreg:$0x2] =	wrdreg s24  }
0xaf: {  	[dreg:$0x3] =	wrdreg s2  }
0xb0: {  	[dreg:$0x4] =	wrdreg $0x74000  }
0xb1: {  	[dreg:$0x5] =	wrdreg $0x9  }
0xb2: {  	_ =	task.clear_ibuf [dreg:s7], $0x6FFFF;
	_ =	strace $0x90000049  }
0xb3: {  	s29 =	simm.s32 $0x9;
	_ =	strace $0x8000004B  }
0xb4: {  	_ =	swait.ge [sflag:s29], $0x1  }
0xb5: {  	[sflag:s29] =	ssyncadd.s32 $0xFFFFFFFF  }
0xb6: {  	_ =	strace $0x9000004B  }
0xb7: {  	_ =	sfence  }
0xb8: {  	s30 =	sld [smem:$0x0];
	_ =	sdelay $0x2  }
0xb9: {  	s31 =	sshll.u32 s1, $0xD;
	s1 =	sshrl.u32 s1, $0x2  }
0xba: {  	s3 =	sand.u32 $0x4000, s31;
	s1 =	sadd.s32 s1, s30  }
0xbb: {  	s0 =	sor.u32 s3, s0;
	s1 =	sshll.u32 s1, $0x11  }
0xbc: {  	s0 =	sor.u32 s1, s0  }
0xbd: {  	s0 =	sadd.s32 $0x8F2B, s0  }
0xbe: {  	[sflag:s0] =	ssyncadd.remote.s32 $0x1  }
0xbf: {  	_ =	sfence.sel $0xFFFF  }
0xc0: {  	[dreg:$0x0] =	wrdreg $0xFFFFFFFF;
	(pc) =	sbr.abs _section_cstart, $3  }
0xc1: {  	[dreg:$0x1] =	wrdreg $0xFFFFFFFF  }
0xc2: {  	_ =	task.clear_ibuf [dreg:s7], $0x2FFFF;
	_ =	strace $0x9FFFFFFF  }
0xc3: {  	(tm) =	ssettm $0x7FFFFFFF  }
tec
execute0_lowered:
.L_overlay_start_1:
0x0: {  	(tag) =	ssettag $0x1  }
0x1: {  	s0 =	rddreg [dreg:$0x0]  }
0x2: {  	s1 =	rddreg [dreg:$0x1];
	s3 =	srdreg.scid  }
0x3: {  	s2 =	rddreg [dreg:$0x2];
	s11 =	stileid.u32  }
0x4: {  	s14 =	simm.s32 $0x100;
	s15 =	simm.s32 $0x180;
	s16 =	simm.s32 $0xA80  }
0x5: {  	s17 =	simm.s32 $0xB00;
	s5 =	sand.u32 $0x1, s3;
	s3 =	simm.s32 $0x0  }
0x6: {  	s18 =	simm.s32 $0xB80;
	s20 =	simm.s32 $0x200;
	[smem:$0x7FF] =	sst s3  }
0x7: {  	s21 =	simm.s32 $0x280;
	_ =	strace $0x8000004A;
	[dreg:$0x6] =	wrdreg s14  }
0x8: {  	s23 =	simm.s32 $0x300;
	s24 =	simm.s32 $0x380;
	[dreg:$0x7] =	wrdreg s15  }
0x9: {  	s26 =	simm.s32 $0xC00;
	s28 =	simm.s32 $0x880;
	[dreg:$0x8] =	wrdreg s16  }
0xa: {  	s29 =	simm.s32 $0x900;
	s30 =	simm.s32 $0x980;
	[dreg:$0x9] =	wrdreg s17  }
0xb: {  	s31 =	simm.s32 $0x1200;
	s7 =	smul.u32 $0x500, s11;
	[dreg:$0xa] =	wrdreg s18  }
0xc: {  	s9 =	smul.u32 $0x7680, s11;
	s4 =	sadd.s32 $0x1000, s0;
	[dreg:$0xb] =	wrdreg s20  }
0xd: {  	s25 =	sshll.u32 s11, $0x6;
	s6 =	smul.u32 $0x5000, s5;
	[dreg:$0xc] =	wrdreg s21  }
0xe: {  	s11 =	simm.s32 $0xD80;
	s12 =	smul.u32 $0x76800, s5;
	[dreg:$0xd] =	wrdreg s23  }
0xf: {  	s5 =	ssub.s32 $0x2, s5;
	s10 =	sshrl.u32 s9, $0x3;
	[dreg:$0xe] =	wrdreg s24  }
0x10: {  	s19 =	sshrl.u32 s5, $0x1;
	s22 =	sadd.s32 s9, s2;
	[dreg:$0xf] =	wrdreg s26  }
0x11: {  	[dreg:$0x12] =	wrdreg s11;
	s11 =	simm.s32 $0xA00;
	s14 =	simm.s32 $0x500  }
0x12: {  	s15 =	simm.s32 $0x580;
	s16 =	simm.s32 $0xE00;
	s17 =	simm.s32 $0xE80  }
0x13: {  	s18 =	simm.s32 $0xF00;
	s20 =	simm.s32 $0x600;
	[dreg:$0x15] =	wrdreg s14  }
0x14: {  	s21 =	simm.s32 $0x680;
	s23 =	simm.s32 $0x780;
	[dreg:$0x16] =	wrdreg s15  }
0x15: {  	s24 =	simm.s32 $0x1000;
	s26 =	simm.s32 $0x1100;
	[dreg:$0x17] =	wrdreg s16  }
0x16: {  	s8 =	sadd.s32 s6, s0;
	s1 =	sadd.s32 s6, s1;
	[dreg:$0x18] =	wrdreg s17  }
0x17: {  	s13 =	sadd.s32 s10, s0;
	s6 =	sadd.s32 s9, s12;
	[dreg:$0x19] =	wrdreg s18  }
0x18: {  	s5 =	ssub.s32 s5, s19;
	s9 =	simm.s32 $0xD00;
	[dreg:$0x1b] =	wrdreg s20  }
0x19: {  	s12 =	simm.s32 $0x400;
	s14 =	simm.s32 $0x2C00;
	[dreg:$0x1c] =	wrdreg s21  }
0x1a: {  	s15 =	simm.s32 $0x4400;
	s16 =	simm.s32 $0x5C00;
	[dreg:$0x1e] =	wrdreg s23  }
0x1b: {  	s19 =	simm.s32 $0xF80;
	s17 =	simm.s32 $0x1;
	[dreg:$0x1f] =	wrdreg s24  }
0x1c: {  	s18 =	simm.s32 $0x2;
	s20 =	simm.s32 $0x4;
	[smem:$0x7FB] =	sst s26  }
0x1d: {  	s21 =	simm.s32 $0x5;
	s23 =	simm.s32 $0x7;
	[dreg:$0x11] =	wrdreg s9  }
0x1e: {  	s24 =	simm.s32 $0x8;
	s26 =	simm.s32 $0x800;
	[dreg:$0x13] =	wrdreg s12  }
0x1f: {  	s8 =	sadd.s32 s7, s8;
	s1 =	sadd.s32 s7, s1;
	[dreg:$0x1a] =	wrdreg s19  }
0x20: {  	s6 =	sshrl.u32 s6, $0x3;
	s7 =	sadd.s32 $0xFC00, s13;
	[dreg:$0x5] =	wrdreg s1  }
0x21: {  	s10 =	smax.u32 s5, $0x1;
	s13 =	simm.s32 $0x480;
	[smem:$0x7F7] =	sst s7  }
0x22: {  	s12 =	simm.s32 $0x80;
	s19 =	simm.s32 $0x3;
	[smem:$0x7F9] =	sst s10  }
0x23: {  	s5 =	simm.s32 $0x1380;
	s8 =	sadd.s32 $0x2D000, s8;
	[dreg:$0x14] =	wrdreg s13  }
0x24: {  	s7 =	sor.u32 $0x1C09, s25;
	s25 =	simm.s32 $0x1080;
	[dreg:$0x4] =	wrdreg s8  }
0x25: {  	s9 =	simm.s32 $0x0;
	s0 =	sadd.s32 s6, s0;
	[smem:$0x7FA] =	sst s25  }
0x26: {  	s10 =	simm.s32 $0x9;
	s0 =	sadd.s32 $0x37000, s0;
	[smem:$0x7FC] =	sst s7  }
0x27: {  	s13 =	simm.s32 $0x1400;
	s8 =	simm.s32 $0xC80;
	[smem:$0x7F8] =	sst s0  }
0x28: {  	[dreg:$0x10] =	wrdreg s8;
	s8 =	sshrl.u32 s22, $0x3;
	s22 =	simm.s32 $0x700  }
0x29: {  	s1 =	simm.s32 $0x1300;
	s25 =	simm.s32 $0x1180;
	[dreg:$0x1d] =	wrdreg s22  }
0x2a: {  	s0 =	simm.s32 $0x1280;
	s22 =	simm.s32 $0x6;
	[smem:$0x7FD] =	sst s8  }
.LBB2_1:
0x2b: {  	s6 =	sld [smem:$0x7F7];
	_ =	sdelay $0x1  }
0x2c: {  	[smem:$0x7F6] =	sst s9  }
0x2d: {  	[spmem:s8], [sflag:s7] =	dma.local [hbm:s6], $0xED0  }
0x2e: {  	_ =	swait.ge [sflag:s10], $0xED0  }
0x2f: {  	[sflag:s10] =	ssyncset.done $0x0  }
0x30: {  	[sflag:s10] =	ssyncadd.s32 $0xFFFFF130  }
0x31: {  	[bflag:$0x0] =	sbarrier.arrive $0xFFFF  }
0x32: {  	s7 =	rddreg [dreg:$0x5]  }
0x33: {  	s6 =	sadd.s32 $0x0, s7  }
0x34: {  	[tilespmem:s3], [sflag:$0x9] =	stream.linear.gather [hbm4b:s6+s3], $0xA00, $0x38;
	[tilespmem:$0xEA80] =	vst v63  }
0x35: {  	_ =	swait.ge [sflag:s10], $0xA00  }
0x36: {  	s8 =	rddreg [dreg:$0x4];
	[sflag:s10] =	ssyncset.done $0x0  }
0x37: {  	[sflag:s10] =	ssyncadd.s32 $0xFFFFF600;
	s6 =	sadd.s32 $0x0, s8  }
0x38: {  	[tilespmem:s11], [sflag:$0x9] =	stream.linear.gather [hbm4b:s6+s3], $0xA00, $0x38;
	[tilespmem:$0xEA80] =	vst v63  }
0x39: {  	_ =	swait.ge [sflag:s10], $0xA00  }
0x3a: {  	[sflag:s10] =	ssyncset.done $0x0  }
0x3b: {  	[sflag:s10] =	ssyncadd.s32 $0xFFFFF600  }
0x3c: {  	[tilespmem:s13], [sflag:$0x1] =	stream.indirect.gather [hbm4b:s4+s12], $0x30, s3, s12, $0xb8;
	[tilespmem:$0xEA80] =	vst v63  }
0x3d: {  	_ = 	snop  }
0x3e: {  	[tilespmem:s14], [sflag:$0x2] =	stream.indirect.gather [hbm4b:s4+s12], $0x30, s12, s12, $0xb8;
	[tilespmem:$0xEA80] =	vst v63  }
0x3f: {  	s9 =	rddreg [dreg:$0x6]  }
0x40: {  	[tilespmem:s15], [sflag:$0x3] =	stream.indirect.gather [hbm4b:s4+s12], $0x30, s9, s12, $0xb8;
	[tilespmem:$0xEA80] =	vst v63  }
0x41: {  	s7 =	rddreg [dreg:$0x7]  }
0x42: {  	[tilespmem:s16], [sflag:$0x4] =	stream.indirect.gather [hbm4b:s4+s12], $0x30, s7, s12, $0xb8;
	[tilespmem:$0xEA80] =	vst v63  }
0x43: {  	_ =	swait.ge [sflag:s17], $0x1800  }
0x44: {  	[sflag:s17] =	ssyncset.done $0x0  }
0x45: {  	[sflag:s17] =	ssyncadd.s32 $0xFFFFE800  }
0x46: {  	[spmem:s2] =	stream.indirect.scatter.add.f32 [tilespmem:s13], [sflag:$0x5], $0x30, s11, s12, $0xb8;
	[tilespmem:$0xEA80] =	vst v63  }
0x47: {  	_ =	swait.ge [sflag:s18], $0x1800  }
0x48: {  	[sflag:s18] =	ssyncset.done $0x0  }
0x49: {  	s8 =	rddreg [dreg:$0x8];
	[sflag:s18] =	ssyncadd.s32 $0xFFFFE800  }
0x4a: {  	[spmem:s2] =	stream.indirect.scatter.add.f32 [tilespmem:s14], [sflag:$0x6], $0x30, s8, s12, $0xb8;
	[tilespmem:$0xEA80] =	vst v63  }
0x4b: {  	_ =	swait.ge [sflag:s19], $0x1800  }
0x4c: {  	[sflag:s19] =	ssyncset.done $0x0  }
0x4d: {  	s9 =	rddreg [dreg:$0x9];
	[sflag:s19] =	ssyncadd.s32 $0xFFFFE800  }
0x4e: {  	[spmem:s2] =	stream.indirect.scatter.add.f32 [tilespmem:s15], [sflag:$0x7], $0x30, s9, s12, $0xb8;
	[tilespmem:$0xEA80] =	vst v63  }
0x4f: {  	_ =	swait.ge [sflag:s20], $0x1800  }
0x50: {  	[sflag:s20] =	ssyncset.done $0x0  }
0x51: {  	s7 =	rddreg [dreg:$0xa];
	[sflag:s20] =	ssyncadd.s32 $0xFFFFE800  }
0x52: {  	[spmem:s2] =	stream.indirect.scatter.add.f32 [tilespmem:s16], [sflag:$0x8], $0x30, s7, s12, $0xb8;
	[tilespmem:$0xEA80] =	vst v63  }
0x53: {  	_ =	swait.ge [sflag:s21], $0x1800  }
0x54: {  	[sflag:s21] =	ssyncset.done $0x0  }
0x55: {  	s8 =	rddreg [dreg:$0xb];
	[sflag:s21] =	ssyncadd.s32 $0xFFFFE800  }
0x56: {  	[tilespmem:s13], [sflag:$0x1] =	stream.indirect.gather [hbm4b:s4+s12], $0x30, s8, s12, $0xb8;
	[tilespmem:$0xEA80] =	vst v63  }
0x57: {  	_ =	swait.ge [sflag:s22], $0x1800  }
0x58: {  	[sflag:s22] =	ssyncset.done $0x0  }
0x59: {  	s9 =	rddreg [dreg:$0xc];
	[sflag:s22] =	ssyncadd.s32 $0xFFFFE800  }
0x5a: {  	[tilespmem:s14], [sflag:$0x2] =	stream.indirect.gather [hbm4b:s4+s12], $0x30, s9, s12, $0xb8;
	[tilespmem:$0xEA80] =	vst v63  }
0x5b: {  	_ =	swait.ge [sflag:s23], $0x1800  }
0x5c: {  	[sflag:s23] =	ssyncset.done $0x0  }
0x5d: {  	s7 =	rddreg [dreg:$0xd];
	[sflag:s23] =	ssyncadd.s32 $0xFFFFE800  }
0x5e: {  	[tilespmem:s15], [sflag:$0x3] =	stream.indirect.gather [hbm4b:s4+s12], $0x30, s7, s12, $0xb8;
	[tilespmem:$0xEA80] =	vst v63  }
0x5f: {  	_ =	swait.ge [sflag:s24], $0x1800  }
0x60: {  	[sflag:s24] =	ssyncset.done $0x0  }
0x61: {  	s8 =	rddreg [dreg:$0xe];
	[sflag:s24] =	ssyncadd.s32 $0xFFFFE800  }
0x62: {  	[tilespmem:s16], [sflag:$0x4] =	stream.indirect.gather [hbm4b:s4+s12], $0x30, s8, s12, $0xb8;
	[tilespmem:$0xEA80] =	vst v63  }
0x63: {  	_ =	swait.ge [sflag:s17], $0x1800  }
0x64: {  	[sflag:s17] =	ssyncset.done $0x0  }
0x65: {  	s9 =	rddreg [dreg:$0xf];
	[sflag:s17] =	ssyncadd.s32 $0xFFFFE800  }
0x66: {  	[spmem:s2] =	stream.indirect.scatter.add.f32 [tilespmem:s13], [sflag:$0x5], $0x30, s9, s12, $0xb8;
	[tilespmem:$0xEA80] =	vst v63  }
0x67: {  	_ =	swait.ge [sflag:s18], $0x1800  }
0x68: {  	[sflag:s18] =	ssyncset.done $0x0  }
0x69: {  	s7 =	rddreg [dreg:$0x10];
	[sflag:s18] =	ssyncadd.s32 $0xFFFFE800  }
0x6a: {  	[spmem:s2] =	stream.indirect.scatter.add.f32 [tilespmem:s14], [sflag:$0x6], $0x30, s7, s12, $0xb8;
	[tilespmem:$0xEA80] =	vst v63  }
0x6b: {  	_ =	swait.ge [sflag:s19], $0x1800  }
0x6c: {  	[sflag:s19] =	ssyncset.done $0x0  }
0x6d: {  	s8 =	rddreg [dreg:$0x11];
	[sflag:s19] =	ssyncadd.s32 $0xFFFFE800  }
0x6e: {  	[spmem:s2] =	stream.indirect.scatter.add.f32 [tilespmem:s15], [sflag:$0x7], $0x30, s8, s12, $0xb8;
	[tilespmem:$0xEA80] =	vst v63  }
0x6f: {  	_ =	swait.ge [sflag:s20], $0x1800  }
0x70: {  	[sflag:s20] =	ssyncset.done $0x0  }
0x71: {  	s9 =	rddreg [dreg:$0x12];
	[sflag:s20] =	ssyncadd.s32 $0xFFFFE800  }
0x72: {  	[spmem:s2] =	stream.indirect.scatter.add.f32 [tilespmem:s16], [sflag:$0x8], $0x30, s9, s12, $0xb8;
	[tilespmem:$0xEA80] =	vst v63  }
0x73: {  	_ =	swait.ge [sflag:s21], $0x1800  }
0x74: {  	[sflag:s21] =	ssyncset.done $0x0  }
0x75: {  	s7 =	rddreg [dreg:$0x13];
	[sflag:s21] =	ssyncadd.s32 $0xFFFFE800  }
0x76: {  	[tilespmem:s13], [sflag:$0x1] =	stream.indirect.gather [hbm4b:s4+s12], $0x30, s7, s12, $0xb8;
	[tilespmem:$0xEA80] =	vst v63  }
0x77: {  	_ =	swait.ge [sflag:s22], $0x1800  }
0x78: {  	[sflag:s22] =	ssyncset.done $0x0  }
0x79: {  	s8 =	rddreg [dreg:$0x14];
	[sflag:s22] =	ssyncadd.s32 $0xFFFFE800  }
0x7a: {  	[tilespmem:s14], [sflag:$0x2] =	stream.indirect.gather [hbm4b:s4+s12], $0x30, s8, s12, $0xb8;
	[tilespmem:$0xEA80] =	vst v63  }
0x7b: {  	_ =	swait.ge [sflag:s23], $0x1800  }
0x7c: {  	[sflag:s23] =	ssyncset.done $0x0  }
0x7d: {  	s9 =	rddreg [dreg:$0x15];
	[sflag:s23] =	ssyncadd.s32 $0xFFFFE800  }
0x7e: {  	[tilespmem:s15], [sflag:$0x3] =	stream.indirect.gather [hbm4b:s4+s12], $0x30, s9, s12, $0xb8;
	[tilespmem:$0xEA80] =	vst v63  }
0x7f: {  	_ =	swait.ge [sflag:s24], $0x1800  }
0x80: {  	[sflag:s24] =	ssyncset.done $0x0  }
0x81: {  	s7 =	rddreg [dreg:$0x16];
	[sflag:s24] =	ssyncadd.s32 $0xFFFFE800  }
0x82: {  	[tilespmem:s16], [sflag:$0x4] =	stream.indirect.gather [hbm4b:s4+s12], $0x30, s7, s12, $0xb8;
	[tilespmem:$0xEA80] =	vst v63  }
0x83: {  	_ =	swait.ge [sflag:s17], $0x1800  }
0x84: {  	[sflag:s17] =	ssyncset.done $0x0  }
0x85: {  	s8 =	rddreg [dreg:$0x17];
	[sflag:s17] =	ssyncadd.s32 $0xFFFFE800  }
0x86: {  	[spmem:s2] =	stream.indirect.scatter.add.f32 [tilespmem:s13], [sflag:$0x5], $0x30, s8, s12, $0xb8;
	[tilespmem:$0xEA80] =	vst v63  }
0x87: {  	_ =	swait.ge [sflag:s18], $0x1800  }
0x88: {  	[sflag:s18] =	ssyncset.done $0x0  }
0x89: {  	s9 =	rddreg [dreg:$0x18];
	[sflag:s18] =	ssyncadd.s32 $0xFFFFE800  }
0x8a: {  	[spmem:s2] =	stream.indirect.scatter.add.f32 [tilespmem:s14], [sflag:$0x6], $0x30, s9, s12, $0xb8;
	[tilespmem:$0xEA80] =	vst v63  }
0x8b: {  	_ =	swait.ge [sflag:s19], $0x1800  }
0x8c: {  	[sflag:s19] =	ssyncset.done $0x0  }
0x8d: {  	s7 =	rddreg [dreg:$0x19];
	[sflag:s19] =	ssyncadd.s32 $0xFFFFE800  }
0x8e: {  	[spmem:s2] =	stream.indirect.scatter.add.f32 [tilespmem:s15], [sflag:$0x7], $0x30, s7, s12, $0xb8;
	[tilespmem:$0xEA80] =	vst v63  }
0x8f: {  	_ =	swait.ge [sflag:s20], $0x1800  }
0x90: {  	[sflag:s20] =	ssyncset.done $0x0  }
0x91: {  	s8 =	rddreg [dreg:$0x1a];
	[sflag:s20] =	ssyncadd.s32 $0xFFFFE800  }
0x92: {  	[spmem:s2] =	stream.indirect.scatter.add.f32 [tilespmem:s16], [sflag:$0x8], $0x30, s8, s12, $0xb8;
	[tilespmem:$0xEA80] =	vst v63  }
0x93: {  	_ =	swait.ge [sflag:s21], $0x1800  }
0x94: {  	[sflag:s21] =	ssyncset.done $0x0  }
0x95: {  	s9 =	rddreg [dreg:$0x1b];
	[sflag:s21] =	ssyncadd.s32 $0xFFFFE800  }
0x96: {  	[tilespmem:s13], [sflag:$0x1] =	stream.indirect.gather [hbm4b:s4+s12], $0x30, s9, s12, $0xb8;
	[tilespmem:$0xEA80] =	vst v63  }
0x97: {  	_ =	swait.ge [sflag:s22], $0x1800  }
0x98: {  	[sflag:s22] =	ssyncset.done $0x0  }
0x99: {  	s7 =	rddreg [dreg:$0x1c];
	[sflag:s22] =	ssyncadd.s32 $0xFFFFE800  }
0x9a: {  	[tilespmem:s14], [sflag:$0x2] =	stream.indirect.gather [hbm4b:s4+s12], $0x30, s7, s12, $0xb8;
	[tilespmem:$0xEA80] =	vst v63  }
0x9b: {  	_ =	swait.ge [sflag:s23], $0x1800  }
0x9c: {  	[sflag:s23] =	ssyncset.done $0x0  }
0x9d: {  	s8 =	rddreg [dreg:$0x1d];
	[sflag:s23] =	ssyncadd.s32 $0xFFFFE800  }
0x9e: {  	[tilespmem:s15], [sflag:$0x3] =	stream.indirect.gather [hbm4b:s4+s12], $0x30, s8, s12, $0xb8;
	[tilespmem:$0xEA80] =	vst v63  }
0x9f: {  	_ =	swait.ge [sflag:s24], $0x1800  }
0xa0: {  	[sflag:s24] =	ssyncset.done $0x0  }
0xa1: {  	s9 =	rddreg [dreg:$0x1e];
	[sflag:s24] =	ssyncadd.s32 $0xFFFFE800  }
0xa2: {  	[tilespmem:s16], [sflag:$0x4] =	stream.indirect.gather [hbm4b:s4+s12], $0x30, s9, s12, $0xb8;
	[tilespmem:$0xEA80] =	vst v63  }
0xa3: {  	_ =	swait.ge [sflag:s17], $0x1800  }
0xa4: {  	[sflag:s17] =	ssyncset.done $0x0  }
0xa5: {  	s7 =	rddreg [dreg:$0x1f];
	[sflag:s17] =	ssyncadd.s32 $0xFFFFE800  }
0xa6: {  	[spmem:s2] =	stream.indirect.scatter.add.f32 [tilespmem:s13], [sflag:$0x5], $0x30, s7, s12, $0xb8;
	[tilespmem:$0xEA80] =	vst v63  }
0xa7: {  	_ =	swait.ge [sflag:s18], $0x1800  }
0xa8: {  	s8 =	sld [smem:$0x7FA]  }
0xa9: {  	[sflag:s18] =	ssyncset.done $0x0  }
0xaa: {  	[sflag:s18] =	ssyncadd.s32 $0xFFFFE800  }
0xab: {  	[spmem:s2] =	stream.indirect.scatter.add.f32 [tilespmem:s14], [sflag:$0x6], $0x30, s8, s12, $0xb8;
	[tilespmem:$0xEA80] =	vst v63  }
0xac: {  	_ =	swait.ge [sflag:s19], $0x1800  }
0xad: {  	s9 =	sld [smem:$0x7FB]  }
0xae: {  	[sflag:s19] =	ssyncset.done $0x0  }
0xaf: {  	[sflag:s19] =	ssyncadd.s32 $0xFFFFE800  }
0xb0: {  	[spmem:s2] =	stream.indirect.scatter.add.f32 [tilespmem:s15], [sflag:$0x7], $0x30, s9, s12, $0xb8;
	[tilespmem:$0xEA80] =	vst v63  }
0xb1: {  	_ =	swait.ge [sflag:s20], $0x1800  }
0xb2: {  	[sflag:s20] =	ssyncset.done $0x0  }
0xb3: {  	[sflag:s20] =	ssyncadd.s32 $0xFFFFE800  }
0xb4: {  	[spmem:s2] =	stream.indirect.scatter.add.f32 [tilespmem:s16], [sflag:$0x8], $0x30, s25, s12, $0xb8;
	[tilespmem:$0xEA80] =	vst v63  }
0xb5: {  	_ =	swait.ge [sflag:s21], $0x1800  }
0xb6: {  	[sflag:s21] =	ssyncset.done $0x0  }
0xb7: {  	[sflag:s21] =	ssyncadd.s32 $0xFFFFE800  }
0xb8: {  	[tilespmem:s13], [sflag:$0x1] =	stream.indirect.gather [hbm4b:s4+s12], $0x30, s26, s12, $0xb8;
	[tilespmem:$0xEA80] =	vst v63  }
0xb9: {  	_ =	swait.ge [sflag:s22], $0x1800  }
0xba: {  	[sflag:s22] =	ssyncset.done $0x0  }
0xbb: {  	[sflag:s22] =	ssyncadd.s32 $0xFFFFE800  }
0xbc: {  	[tilespmem:s14], [sflag:$0x2] =	stream.indirect.gather [hbm4b:s4+s12], $0x30, s28, s12, $0xb8;
	[tilespmem:$0xEA80] =	vst v63  }
0xbd: {  	_ =	swait.ge [sflag:s23], $0x1800  }
0xbe: {  	[sflag:s23] =	ssyncset.done $0x0  }
0xbf: {  	[sflag:s23] =	ssyncadd.s32 $0xFFFFE800  }
0xc0: {  	[tilespmem:s15], [sflag:$0x3] =	stream.indirect.gather [hbm4b:s4+s12], $0x30, s29, s12, $0xb8;
	[tilespmem:$0xEA80] =	vst v63  }
0xc1: {  	_ =	swait.ge [sflag:s24], $0x1800  }
0xc2: {  	[sflag:s24] =	ssyncset.done $0x0  }
0xc3: {  	[sflag:s24] =	ssyncadd.s32 $0xFFFFE800  }
0xc4: {  	[tilespmem:s16], [sflag:$0x4] =	stream.indirect.gather [hbm4b:s4+s12], $0x30, s30, s12, $0xb8;
	[tilespmem:$0xEA80] =	vst v63  }
0xc5: {  	_ =	swait.ge [sflag:s17], $0x1800  }
0xc6: {  	[sflag:s17] =	ssyncset.done $0x0  }
0xc7: {  	[sflag:s17] =	ssyncadd.s32 $0xFFFFE800  }
0xc8: {  	[spmem:s2] =	stream.indirect.scatter.add.f32 [tilespmem:s13], [sflag:$0x5], $0x30, s31, s12, $0xb8;
	[tilespmem:$0xEA80] =	vst v63  }
0xc9: {  	_ =	swait.ge [sflag:s18], $0x1800  }
0xca: {  	[sflag:s18] =	ssyncset.done $0x0  }
0xcb: {  	[sflag:s18] =	ssyncadd.s32 $0xFFFFE800  }
0xcc: {  	[spmem:s2] =	stream.indirect.scatter.add.f32 [tilespmem:s14], [sflag:$0x6], $0x30, s0, s12, $0xb8;
	[tilespmem:$0xEA80] =	vst v63  }
0xcd: {  	_ =	swait.ge [sflag:s19], $0x1800  }
0xce: {  	[sflag:s19] =	ssyncset.done $0x0  }
0xcf: {  	[sflag:s19] =	ssyncadd.s32 $0xFFFFE800  }
0xd0: {  	[spmem:s2] =	stream.indirect.scatter.add.f32 [tilespmem:s15], [sflag:$0x7], $0x30, s1, s12, $0xb8;
	[tilespmem:$0xEA80] =	vst v63  }
0xd1: {  	_ =	swait.ge [sflag:s20], $0x1800  }
0xd2: {  	[sflag:s20] =	ssyncset.done $0x0  }
0xd3: {  	[sflag:s20] =	ssyncadd.s32 $0xFFFFE800  }
0xd4: {  	[spmem:s2] =	stream.indirect.scatter.add.f32 [tilespmem:s16], [sflag:$0x8], $0x30, s5, s12, $0xb8;
	[tilespmem:$0xEA80] =	vst v63  }
0xd5: {  	_ =	swait.ge [sflag:s21], $0x1800  }
0xd6: {  	[sflag:s21] =	ssyncset.done $0x0  }
0xd7: {  	[sflag:s21] =	ssyncadd.s32 $0xFFFFE800  }
0xd8: {  	_ =	swait.ge [sflag:s22], $0x1800  }
0xd9: {  	[sflag:s22] =	ssyncset.done $0x0  }
0xda: {  	[sflag:s22] =	ssyncadd.s32 $0xFFFFE800  }
0xdb: {  	_ =	swait.ge [sflag:s23], $0x1800  }
0xdc: {  	[sflag:s23] =	ssyncset.done $0x0  }
0xdd: {  	[sflag:s23] =	ssyncadd.s32 $0xFFFFE800  }
0xde: {  	s6 =	simm.s32 $0x280;
	_ =	swait.ge [sflag:s24], $0x1800  }
0xdf: {  	s8 =	simm.s32 $0x140;
	s9 =	rddreg [dreg:$0x5];
	[sflag:s24] =	ssyncset.done $0x0  }
.LBB2_2:
0xe0: {  	[sflag:s24] =	ssyncadd.s32 $0xFFFFE800;
	s9 =	sadd.s32 s8, s9  }
0xe1: {  	[tilespmem:s3], [sflag:$0x9] =	stream.linear.gather [hbm4b:s9+s3], $0xA00, $0x38;
	[tilespmem:$0xEA80] =	vst v63  }
0xe2: {  	_ =	swait.ge [sflag:s10], $0xA00  }
0xe3: {  	s9 =	rddreg [dreg:$0x4];
	[sflag:s10] =	ssyncset.done $0x0  }
0xe4: {  	[sflag:s10] =	ssyncadd.s32 $0xFFFFF600;
	s9 =	sadd.s32 s8, s9  }
0xe5: {  	[tilespmem:s11], [sflag:$0x9] =	stream.linear.gather [hbm4b:s9+s3], $0xA00, $0x38;
	[tilespmem:$0xEA80] =	vst v63  }
0xe6: {  	_ =	swait.ge [sflag:s10], $0xA00  }
0xe7: {  	[sflag:s10] =	ssyncset.done $0x0  }
0xe8: {  	[sflag:s10] =	ssyncadd.s32 $0xFFFFF600  }
0xe9: {  	[tilespmem:s13], [sflag:$0x1] =	stream.indirect.gather [hbm4b:s4+s12], $0x30, s3, s12, $0xb8;
	[tilespmem:$0xEA80] =	vst v63  }
0xea: {  	s7 =	smov.u32 s6  }
0xeb: {  	[tilespmem:s14], [sflag:$0x2] =	stream.indirect.gather [hbm4b:s4+s12], $0x30, s12, s12, $0xb8;
	[tilespmem:$0xEA80] =	vst v63  }
0xec: {  	s8 =	smov.u32 s7;
	s7 =	rddreg [dreg:$0x6]  }
0xed: {  	[tilespmem:s15], [sflag:$0x3] =	stream.indirect.gather [hbm4b:s4+s12], $0x30, s7, s12, $0xb8;
	[tilespmem:$0xEA80] =	vst v63  }
0xee: {  	s9 =	rddreg [dreg:$0x7]  }
0xef: {  	[tilespmem:s16], [sflag:$0x4] =	stream.indirect.gather [hbm4b:s4+s12], $0x30, s9, s12, $0xb8;
	[tilespmem:$0xEA80] =	vst v63  }
0xf0: {  	_ =	swait.ge [sflag:s17], $0x1800  }
0xf1: {  	[sflag:s17] =	ssyncset.done $0x0  }
0xf2: {  	[sflag:s17] =	ssyncadd.s32 $0xFFFFE800  }
0xf3: {  	[spmem:s2] =	stream.indirect.scatter.add.f32 [tilespmem:s13], [sflag:$0x5], $0x30, s11, s12, $0xb8;
	[tilespmem:$0xEA80] =	vst v63  }
0xf4: {  	_ =	swait.ge [sflag:s18], $0x1800  }
0xf5: {  	[sflag:s18] =	ssyncset.done $0x0  }
0xf6: {  	s9 =	rddreg [dreg:$0x8];
	[sflag:s18] =	ssyncadd.s32 $0xFFFFE800  }
0xf7: {  	[spmem:s2] =	stream.indirect.scatter.add.f32 [tilespmem:s14], [sflag:$0x6], $0x30, s9, s12, $0xb8;
	[tilespmem:$0xEA80] =	vst v63  }
0xf8: {  	_ =	swait.ge [sflag:s19], $0x1800  }
0xf9: {  	[sflag:s19] =	ssyncset.done $0x0  }
0xfa: {  	s9 =	rddreg [dreg:$0x9];
	[sflag:s19] =	ssyncadd.s32 $0xFFFFE800  }
0xfb: {  	[spmem:s2] =	stream.indirect.scatter.add.f32 [tilespmem:s15], [sflag:$0x7], $0x30, s9, s12, $0xb8;
	[tilespmem:$0xEA80] =	vst v63  }
0xfc: {  	_ =	swait.ge [sflag:s20], $0x1800  }
0xfd: {  	[sflag:s20] =	ssyncset.done $0x0  }
0xfe: {  	s9 =	rddreg [dreg:$0xa];
	[sflag:s20] =	ssyncadd.s32 $0xFFFFE800  }
0xff: {  	[spmem:s2] =	stream.indirect.scatter.add.f32 [tilespmem:s16], [sflag:$0x8], $0x30, s9, s12, $0xb8;
	[tilespmem:$0xEA80] =	vst v63  }
0x100: {  	_ =	swait.ge [sflag:s21], $0x1800  }
0x101: {  	[sflag:s21] =	ssyncset.done $0x0  }
0x102: {  	s9 =	rddreg [dreg:$0xb];
	[sflag:s21] =	ssyncadd.s32 $0xFFFFE800  }
0x103: {  	[tilespmem:s13], [sflag:$0x1] =	stream.indirect.gather [hbm4b:s4+s12], $0x30, s9, s12, $0xb8;
	[tilespmem:$0xEA80] =	vst v63  }
0x104: {  	_ =	swait.ge [sflag:s22], $0x1800  }
0x105: {  	[sflag:s22] =	ssyncset.done $0x0  }
0x106: {  	s9 =	rddreg [dreg:$0xc];
	[sflag:s22] =	ssyncadd.s32 $0xFFFFE800  }
0x107: {  	[tilespmem:s14], [sflag:$0x2] =	stream.indirect.gather [hbm4b:s4+s12], $0x30, s9, s12, $0xb8;
	[tilespmem:$0xEA80] =	vst v63  }
0x108: {  	_ =	swait.ge [sflag:s23], $0x1800  }
0x109: {  	[sflag:s23] =	ssyncset.done $0x0  }
0x10a: {  	s9 =	rddreg [dreg:$0xd];
	[sflag:s23] =	ssyncadd.s32 $0xFFFFE800  }
0x10b: {  	[tilespmem:s15], [sflag:$0x3] =	stream.indirect.gather [hbm4b:s4+s12], $0x30, s9, s12, $0xb8;
	[tilespmem:$0xEA80] =	vst v63  }
0x10c: {  	_ =	swait.ge [sflag:s24], $0x1800  }
0x10d: {  	[sflag:s24] =	ssyncset.done $0x0  }
0x10e: {  	s9 =	rddreg [dreg:$0xe];
	[sflag:s24] =	ssyncadd.s32 $0xFFFFE800  }
0x10f: {  	[tilespmem:s16], [sflag:$0x4] =	stream.indirect.gather [hbm4b:s4+s12], $0x30, s9, s12, $0xb8;
	[tilespmem:$0xEA80] =	vst v63  }
0x110: {  	_ =	swait.ge [sflag:s17], $0x1800  }
0x111: {  	[sflag:s17] =	ssyncset.done $0x0  }
0x112: {  	s9 =	rddreg [dreg:$0xf];
	[sflag:s17] =	ssyncadd.s32 $0xFFFFE800  }
0x113: {  	[spmem:s2] =	stream.indirect.scatter.add.f32 [tilespmem:s13], [sflag:$0x5], $0x30, s9, s12, $0xb8;
	[tilespmem:$0xEA80] =	vst v63  }
0x114: {  	_ =	swait.ge [sflag:s18], $0x1800  }
0x115: {  	[sflag:s18] =	ssyncset.done $0x0  }
0x116: {  	s9 =	rddreg [dreg:$0x10];
	[sflag:s18] =	ssyncadd.s32 $0xFFFFE800  }
0x117: {  	[spmem:s2] =	stream.indirect.scatter.add.f32 [tilespmem:s14], [sflag:$0x6], $0x30, s9, s12, $0xb8;
	[tilespmem:$0xEA80] =	vst v63  }
0x118: {  	_ =	swait.ge [sflag:s19], $0x1800  }
0x119: {  	[sflag:s19] =	ssyncset.done $0x0  }
0x11a: {  	s9 =	rddreg [dreg:$0x11];
	[sflag:s19] =	ssyncadd.s32 $0xFFFFE800  }
0x11b: {  	[spmem:s2] =	stream.indirect.scatter.add.f32 [tilespmem:s15], [sflag:$0x7], $0x30, s9, s12, $0xb8;
	[tilespmem:$0xEA80] =	vst v63  }
0x11c: {  	_ =	swait.ge [sflag:s20], $0x1800  }
0x11d: {  	[sflag:s20] =	ssyncset.done $0x0  }
0x11e: {  	s9 =	rddreg [dreg:$0x12];
	[sflag:s20] =	ssyncadd.s32 $0xFFFFE800  }
0x11f: {  	[spmem:s2] =	stream.indirect.scatter.add.f32 [tilespmem:s16], [sflag:$0x8], $0x30, s9, s12, $0xb8;
	[tilespmem:$0xEA80] =	vst v63  }
0x120: {  	_ =	swait.ge [sflag:s21], $0x1800  }
0x121: {  	[sflag:s21] =	ssyncset.done $0x0  }
0x122: {  	s9 =	rddreg [dreg:$0x13];
	[sflag:s21] =	ssyncadd.s32 $0xFFFFE800  }
0x123: {  	[tilespmem:s13], [sflag:$0x1] =	stream.indirect.gather [hbm4b:s4+s12], $0x30, s9, s12, $0xb8;
	[tilespmem:$0xEA80] =	vst v63  }
0x124: {  	_ =	swait.ge [sflag:s22], $0x1800  }
0x125: {  	[sflag:s22] =	ssyncset.done $0x0  }
0x126: {  	s9 =	rddreg [dreg:$0x14];
	[sflag:s22] =	ssyncadd.s32 $0xFFFFE800  }
0x127: {  	[tilespmem:s14], [sflag:$0x2] =	stream.indirect.gather [hbm4b:s4+s12], $0x30, s9, s12, $0xb8;
	[tilespmem:$0xEA80] =	vst v63  }
0x128: {  	_ =	swait.ge [sflag:s23], $0x1800  }
0x129: {  	[sflag:s23] =	ssyncset.done $0x0  }
0x12a: {  	s9 =	rddreg [dreg:$0x15];
	[sflag:s23] =	ssyncadd.s32 $0xFFFFE800  }
0x12b: {  	[tilespmem:s15], [sflag:$0x3] =	stream.indirect.gather [hbm4b:s4+s12], $0x30, s9, s12, $0xb8;
	[tilespmem:$0xEA80] =	vst v63  }
0x12c: {  	_ =	swait.ge [sflag:s24], $0x1800  }
0x12d: {  	[sflag:s24] =	ssyncset.done $0x0  }
0x12e: {  	s9 =	rddreg [dreg:$0x16];
	[sflag:s24] =	ssyncadd.s32 $0xFFFFE800  }
0x12f: {  	[tilespmem:s16], [sflag:$0x4] =	stream.indirect.gather [hbm4b:s4+s12], $0x30, s9, s12, $0xb8;
	[tilespmem:$0xEA80] =	vst v63  }
0x130: {  	_ =	swait.ge [sflag:s17], $0x1800  }
0x131: {  	[sflag:s17] =	ssyncset.done $0x0  }
0x132: {  	s9 =	rddreg [dreg:$0x17];
	[sflag:s17] =	ssyncadd.s32 $0xFFFFE800  }
0x133: {  	[spmem:s2] =	stream.indirect.scatter.add.f32 [tilespmem:s13], [sflag:$0x5], $0x30, s9, s12, $0xb8;
	[tilespmem:$0xEA80] =	vst v63  }
0x134: {  	_ =	swait.ge [sflag:s18], $0x1800  }
0x135: {  	[sflag:s18] =	ssyncset.done $0x0  }
0x136: {  	s9 =	rddreg [dreg:$0x18];
	[sflag:s18] =	ssyncadd.s32 $0xFFFFE800  }
0x137: {  	[spmem:s2] =	stream.indirect.scatter.add.f32 [tilespmem:s14], [sflag:$0x6], $0x30, s9, s12, $0xb8;
	[tilespmem:$0xEA80] =	vst v63  }
0x138: {  	_ =	swait.ge [sflag:s19], $0x1800  }
0x139: {  	[sflag:s19] =	ssyncset.done $0x0  }
0x13a: {  	s9 =	rddreg [dreg:$0x19];
	[sflag:s19] =	ssyncadd.s32 $0xFFFFE800  }
0x13b: {  	[spmem:s2] =	stream.indirect.scatter.add.f32 [tilespmem:s15], [sflag:$0x7], $0x30, s9, s12, $0xb8;
	[tilespmem:$0xEA80] =	vst v63  }
0x13c: {  	_ =	swait.ge [sflag:s20], $0x1800  }
0x13d: {  	[sflag:s20] =	ssyncset.done $0x0  }
0x13e: {  	s9 =	rddreg [dreg:$0x1a];
	[sflag:s20] =	ssyncadd.s32 $0xFFFFE800  }
0x13f: {  	[spmem:s2] =	stream.indirect.scatter.add.f32 [tilespmem:s16], [sflag:$0x8], $0x30, s9, s12, $0xb8;
	[tilespmem:$0xEA80] =	vst v63  }
0x140: {  	_ =	swait.ge [sflag:s21], $0x1800  }
0x141: {  	[sflag:s21] =	ssyncset.done $0x0  }
0x142: {  	s9 =	rddreg [dreg:$0x1b];
	[sflag:s21] =	ssyncadd.s32 $0xFFFFE800  }
0x143: {  	[tilespmem:s13], [sflag:$0x1] =	stream.indirect.gather [hbm4b:s4+s12], $0x30, s9, s12, $0xb8;
	[tilespmem:$0xEA80] =	vst v63  }
0x144: {  	_ =	swait.ge [sflag:s22], $0x1800  }
0x145: {  	[sflag:s22] =	ssyncset.done $0x0  }
0x146: {  	s9 =	rddreg [dreg:$0x1c];
	[sflag:s22] =	ssyncadd.s32 $0xFFFFE800  }
0x147: {  	[tilespmem:s14], [sflag:$0x2] =	stream.indirect.gather [hbm4b:s4+s12], $0x30, s9, s12, $0xb8;
	[tilespmem:$0xEA80] =	vst v63  }
0x148: {  	_ =	swait.ge [sflag:s23], $0x1800  }
0x149: {  	[sflag:s23] =	ssyncset.done $0x0  }
0x14a: {  	s9 =	rddreg [dreg:$0x1d];
	[sflag:s23] =	ssyncadd.s32 $0xFFFFE800  }
0x14b: {  	[tilespmem:s15], [sflag:$0x3] =	stream.indirect.gather [hbm4b:s4+s12], $0x30, s9, s12, $0xb8;
	[tilespmem:$0xEA80] =	vst v63  }
0x14c: {  	_ =	swait.ge [sflag:s24], $0x1800  }
0x14d: {  	[sflag:s24] =	ssyncset.done $0x0  }
0x14e: {  	s9 =	rddreg [dreg:$0x1e];
	[sflag:s24] =	ssyncadd.s32 $0xFFFFE800  }
0x14f: {  	[tilespmem:s16], [sflag:$0x4] =	stream.indirect.gather [hbm4b:s4+s12], $0x30, s9, s12, $0xb8;
	[tilespmem:$0xEA80] =	vst v63  }
0x150: {  	_ =	swait.ge [sflag:s17], $0x1800  }
0x151: {  	[sflag:s17] =	ssyncset.done $0x0  }
0x152: {  	s9 =	rddreg [dreg:$0x1f];
	[sflag:s17] =	ssyncadd.s32 $0xFFFFE800  }
0x153: {  	[spmem:s2] =	stream.indirect.scatter.add.f32 [tilespmem:s13], [sflag:$0x5], $0x30, s9, s12, $0xb8;
	[tilespmem:$0xEA80] =	vst v63  }
0x154: {  	_ =	swait.ge [sflag:s18], $0x1800  }
0x155: {  	s9 =	sld [smem:$0x7FA]  }
0x156: {  	[sflag:s18] =	ssyncset.done $0x0  }
0x157: {  	[sflag:s18] =	ssyncadd.s32 $0xFFFFE800  }
0x158: {  	[spmem:s2] =	stream.indirect.scatter.add.f32 [tilespmem:s14], [sflag:$0x6], $0x30, s9, s12, $0xb8;
	[tilespmem:$0xEA80] =	vst v63  }
0x159: {  	_ =	swait.ge [sflag:s19], $0x1800  }
0x15a: {  	s9 =	sld [smem:$0x7FB]  }
0x15b: {  	[sflag:s19] =	ssyncset.done $0x0  }
0x15c: {  	[sflag:s19] =	ssyncadd.s32 $0xFFFFE800  }
0x15d: {  	[spmem:s2] =	stream.indirect.scatter.add.f32 [tilespmem:s15], [sflag:$0x7], $0x30, s9, s12, $0xb8;
	[tilespmem:$0xEA80] =	vst v63  }
0x15e: {  	_ =	swait.ge [sflag:s20], $0x1800  }
0x15f: {  	[sflag:s20] =	ssyncset.done $0x0  }
0x160: {  	[sflag:s20] =	ssyncadd.s32 $0xFFFFE800  }
0x161: {  	[spmem:s2] =	stream.indirect.scatter.add.f32 [tilespmem:s16], [sflag:$0x8], $0x30, s25, s12, $0xb8;
	[tilespmem:$0xEA80] =	vst v63  }
0x162: {  	_ =	swait.ge [sflag:s21], $0x1800  }
0x163: {  	[sflag:s21] =	ssyncset.done $0x0  }
0x164: {  	[sflag:s21] =	ssyncadd.s32 $0xFFFFE800  }
0x165: {  	[tilespmem:s13], [sflag:$0x1] =	stream.indirect.gather [hbm4b:s4+s12], $0x30, s26, s12, $0xb8;
	[tilespmem:$0xEA80] =	vst v63  }
0x166: {  	_ =	swait.ge [sflag:s22], $0x1800  }
0x167: {  	[sflag:s22] =	ssyncset.done $0x0  }
0x168: {  	[sflag:s22] =	ssyncadd.s32 $0xFFFFE800  }
0x169: {  	[tilespmem:s14], [sflag:$0x2] =	stream.indirect.gather [hbm4b:s4+s12], $0x30, s28, s12, $0xb8;
	[tilespmem:$0xEA80] =	vst v63  }
0x16a: {  	_ =	swait.ge [sflag:s23], $0x1800  }
0x16b: {  	[sflag:s23] =	ssyncset.done $0x0  }
0x16c: {  	[sflag:s23] =	ssyncadd.s32 $0xFFFFE800  }
0x16d: {  	[tilespmem:s15], [sflag:$0x3] =	stream.indirect.gather [hbm4b:s4+s12], $0x30, s29, s12, $0xb8;
	[tilespmem:$0xEA80] =	vst v63  }
0x16e: {  	_ =	swait.ge [sflag:s24], $0x1800  }
0x16f: {  	[sflag:s24] =	ssyncset.done $0x0  }
0x170: {  	[sflag:s24] =	ssyncadd.s32 $0xFFFFE800  }
0x171: {  	[tilespmem:s16], [sflag:$0x4] =	stream.indirect.gather [hbm4b:s4+s12], $0x30, s30, s12, $0xb8;
	[tilespmem:$0xEA80] =	vst v63  }
0x172: {  	_ =	swait.ge [sflag:s17], $0x1800  }
0x173: {  	[sflag:s17] =	ssyncset.done $0x0  }
0x174: {  	[sflag:s17] =	ssyncadd.s32 $0xFFFFE800  }
0x175: {  	[spmem:s2] =	stream.indirect.scatter.add.f32 [tilespmem:s13], [sflag:$0x5], $0x30, s31, s12, $0xb8;
	[tilespmem:$0xEA80] =	vst v63  }
0x176: {  	_ =	swait.ge [sflag:s18], $0x1800  }
0x177: {  	[sflag:s18] =	ssyncset.done $0x0  }
0x178: {  	[sflag:s18] =	ssyncadd.s32 $0xFFFFE800  }
0x179: {  	[spmem:s2] =	stream.indirect.scatter.add.f32 [tilespmem:s14], [sflag:$0x6], $0x30, s0, s12, $0xb8;
	[tilespmem:$0xEA80] =	vst v63  }
0x17a: {  	_ =	swait.ge [sflag:s19], $0x1800  }
0x17b: {  	[sflag:s19] =	ssyncset.done $0x0  }
0x17c: {  	[sflag:s19] =	ssyncadd.s32 $0xFFFFE800  }
0x17d: {  	[spmem:s2] =	stream.indirect.scatter.add.f32 [tilespmem:s15], [sflag:$0x7], $0x30, s1, s12, $0xb8;
	[tilespmem:$0xEA80] =	vst v63  }
0x17e: {  	_ =	swait.ge [sflag:s20], $0x1800  }
0x17f: {  	[sflag:s20] =	ssyncset.done $0x0  }
0x180: {  	[sflag:s20] =	ssyncadd.s32 $0xFFFFE800  }
0x181: {  	[spmem:s2] =	stream.indirect.scatter.add.f32 [tilespmem:s16], [sflag:$0x8], $0x30, s5, s12, $0xb8;
	[tilespmem:$0xEA80] =	vst v63  }
0x182: {  	_ =	swait.ge [sflag:s21], $0x1800  }
0x183: {  	[sflag:s21] =	ssyncset.done $0x0  }
0x184: {  	[sflag:s21] =	ssyncadd.s32 $0xFFFFE800  }
0x185: {  	_ =	swait.ge [sflag:s22], $0x1800  }
0x186: {  	[sflag:s22] =	ssyncset.done $0x0  }
0x187: {  	p0 =	sne.s32 s6, $0x3C0;
	[sflag:s22] =	ssyncadd.s32 $0xFFFFE800  }
.Ltmp0:
0x188: {  	_ =	swait.ge [sflag:s23], $0x1800;
	(pc) =	sbr.rel @p0 .LBB2_2-.Ltmp0, $4  }
0x189: {  	[sflag:s23] =	ssyncset.done $0x0  }
0x18a: {  	[sflag:s23] =	ssyncadd.s32 $0xFFFFE800  }
0x18b: {  	_ =	swait.ge [sflag:s24], $0x1800  }
0x18c: {  	s6 =	sadd.s32 $0x140, s6;
	s9 =	rddreg [dreg:$0x5];
	[sflag:s24] =	ssyncset.done $0x0  }
0x18d: {  	[sflag:s24] =	ssyncadd.s32 $0xFFFFE800;
	s6 =	sadd.s32 s8, s9  }
0x18e: {  	[tilespmem:s3], [sflag:$0x9] =	stream.linear.gather [hbm4b:s6+s3], $0xA00, $0x38;
	[tilespmem:$0xEA80] =	vst v63  }
0x18f: {  	_ =	swait.ge [sflag:s10], $0xA00  }
0x190: {  	s7 =	rddreg [dreg:$0x4];
	[sflag:s10] =	ssyncset.done $0x0  }
0x191: {  	[sflag:s10] =	ssyncadd.s32 $0xFFFFF600;
	s6 =	sadd.s32 s8, s7  }
0x192: {  	[tilespmem:s11], [sflag:$0x9] =	stream.linear.gather [hbm4b:s6+s3], $0xA00, $0x38;
	[tilespmem:$0xEA80] =	vst v63  }
0x193: {  	_ =	swait.ge [sflag:s10], $0xA00  }
0x194: {  	[sflag:s10] =	ssyncset.done $0x0  }
0x195: {  	[sflag:s10] =	ssyncadd.s32 $0xFFFFF600  }
0x196: {  	[tilespmem:s13], [sflag:$0x1] =	stream.indirect.gather [hbm4b:s4+s12], $0x30, s3, s12, $0xb8;
	[tilespmem:$0xEA80] =	vst v63  }
0x197: {  	_ = 	snop  }
0x198: {  	[tilespmem:s14], [sflag:$0x2] =	stream.indirect.gather [hbm4b:s4+s12], $0x30, s12, s12, $0xb8;
	[tilespmem:$0xEA80] =	vst v63  }
0x199: {  	s9 =	rddreg [dreg:$0x6]  }
0x19a: {  	[tilespmem:s15], [sflag:$0x3] =	stream.indirect.gather [hbm4b:s4+s12], $0x30, s9, s12, $0xb8;
	[tilespmem:$0xEA80] =	vst v63  }
0x19b: {  	s7 =	rddreg [dreg:$0x7]  }
0x19c: {  	[tilespmem:s16], [sflag:$0x4] =	stream.indirect.gather [hbm4b:s4+s12], $0x30, s7, s12, $0xb8;
	[tilespmem:$0xEA80] =	vst v63  }
0x19d: {  	_ =	swait.ge [sflag:s17], $0x1800  }
0x19e: {  	[sflag:s17] =	ssyncset.done $0x0  }
0x19f: {  	[sflag:s17] =	ssyncadd.s32 $0xFFFFE800  }
0x1a0: {  	[spmem:s2] =	stream.indirect.scatter.add.f32 [tilespmem:s13], [sflag:$0x5], $0x30, s11, s12, $0xb8;
	[tilespmem:$0xEA80] =	vst v63  }
0x1a1: {  	_ =	swait.ge [sflag:s18], $0x1800  }
0x1a2: {  	[sflag:s18] =	ssyncset.done $0x0  }
0x1a3: {  	s7 =	rddreg [dreg:$0x8];
	[sflag:s18] =	ssyncadd.s32 $0xFFFFE800  }
0x1a4: {  	[spmem:s2] =	stream.indirect.scatter.add.f32 [tilespmem:s14], [sflag:$0x6], $0x30, s7, s12, $0xb8;
	[tilespmem:$0xEA80] =	vst v63  }
0x1a5: {  	_ =	swait.ge [sflag:s19], $0x1800  }
0x1a6: {  	[sflag:s19] =	ssyncset.done $0x0  }
0x1a7: {  	s8 =	rddreg [dreg:$0x9];
	[sflag:s19] =	ssyncadd.s32 $0xFFFFE800  }
0x1a8: {  	[spmem:s2] =	stream.indirect.scatter.add.f32 [tilespmem:s15], [sflag:$0x7], $0x30, s8, s12, $0xb8;
	[tilespmem:$0xEA80] =	vst v63  }
0x1a9: {  	_ =	swait.ge [sflag:s20], $0x1800  }
0x1aa: {  	[sflag:s20] =	ssyncset.done $0x0  }
0x1ab: {  	s9 =	rddreg [dreg:$0xa];
	[sflag:s20] =	ssyncadd.s32 $0xFFFFE800  }
0x1ac: {  	[spmem:s2] =	stream.indirect.scatter.add.f32 [tilespmem:s16], [sflag:$0x8], $0x30, s9, s12, $0xb8;
	[tilespmem:$0xEA80] =	vst v63  }
0x1ad: {  	_ =	swait.ge [sflag:s21], $0x1800  }
0x1ae: {  	[sflag:s21] =	ssyncset.done $0x0  }
0x1af: {  	s7 =	rddreg [dreg:$0xb];
	[sflag:s21] =	ssyncadd.s32 $0xFFFFE800  }
0x1b0: {  	[tilespmem:s13], [sflag:$0x1] =	stream.indirect.gather [hbm4b:s4+s12], $0x30, s7, s12, $0xb8;
	[tilespmem:$0xEA80] =	vst v63  }
0x1b1: {  	_ =	swait.ge [sflag:s22], $0x1800  }
0x1b2: {  	[sflag:s22] =	ssyncset.done $0x0  }
0x1b3: {  	s8 =	rddreg [dreg:$0xc];
	[sflag:s22] =	ssyncadd.s32 $0xFFFFE800  }
0x1b4: {  	[tilespmem:s14], [sflag:$0x2] =	stream.indirect.gather [hbm4b:s4+s12], $0x30, s8, s12, $0xb8;
	[tilespmem:$0xEA80] =	vst v63  }
0x1b5: {  	_ =	swait.ge [sflag:s23], $0x1800  }
0x1b6: {  	[sflag:s23] =	ssyncset.done $0x0  }
0x1b7: {  	s9 =	rddreg [dreg:$0xd];
	[sflag:s23] =	ssyncadd.s32 $0xFFFFE800  }
0x1b8: {  	[tilespmem:s15], [sflag:$0x3] =	stream.indirect.gather [hbm4b:s4+s12], $0x30, s9, s12, $0xb8;
	[tilespmem:$0xEA80] =	vst v63  }
0x1b9: {  	_ =	swait.ge [sflag:s24], $0x1800  }
0x1ba: {  	[sflag:s24] =	ssyncset.done $0x0  }
0x1bb: {  	s7 =	rddreg [dreg:$0xe];
	[sflag:s24] =	ssyncadd.s32 $0xFFFFE800  }
0x1bc: {  	[tilespmem:s16], [sflag:$0x4] =	stream.indirect.gather [hbm4b:s4+s12], $0x30, s7, s12, $0xb8;
	[tilespmem:$0xEA80] =	vst v63  }
0x1bd: {  	_ =	swait.ge [sflag:s17], $0x1800  }
0x1be: {  	[sflag:s17] =	ssyncset.done $0x0  }
0x1bf: {  	s8 =	rddreg [dreg:$0xf];
	[sflag:s17] =	ssyncadd.s32 $0xFFFFE800  }
0x1c0: {  	[spmem:s2] =	stream.indirect.scatter.add.f32 [tilespmem:s13], [sflag:$0x5], $0x30, s8, s12, $0xb8;
	[tilespmem:$0xEA80] =	vst v63  }
0x1c1: {  	_ =	swait.ge [sflag:s18], $0x1800  }
0x1c2: {  	[sflag:s18] =	ssyncset.done $0x0  }
0x1c3: {  	s9 =	rddreg [dreg:$0x10];
	[sflag:s18] =	ssyncadd.s32 $0xFFFFE800  }
0x1c4: {  	[spmem:s2] =	stream.indirect.scatter.add.f32 [tilespmem:s14], [sflag:$0x6], $0x30, s9, s12, $0xb8;
	[tilespmem:$0xEA80] =	vst v63  }
0x1c5: {  	_ =	swait.ge [sflag:s19], $0x1800  }
0x1c6: {  	[sflag:s19] =	ssyncset.done $0x0  }
0x1c7: {  	s7 =	rddreg [dreg:$0x11];
	[sflag:s19] =	ssyncadd.s32 $0xFFFFE800  }
0x1c8: {  	[spmem:s2] =	stream.indirect.scatter.add.f32 [tilespmem:s15], [sflag:$0x7], $0x30, s7, s12, $0xb8;
	[tilespmem:$0xEA80] =	vst v63  }
0x1c9: {  	_ =	swait.ge [sflag:s20], $0x1800  }
0x1ca: {  	[sflag:s20] =	ssyncset.done $0x0  }
0x1cb: {  	s8 =	rddreg [dreg:$0x12];
	[sflag:s20] =	ssyncadd.s32 $0xFFFFE800  }
0x1cc: {  	[spmem:s2] =	stream.indirect.scatter.add.f32 [tilespmem:s16], [sflag:$0x8], $0x30, s8, s12, $0xb8;
	[tilespmem:$0xEA80] =	vst v63  }
0x1cd: {  	_ =	swait.ge [sflag:s21], $0x1800  }
0x1ce: {  	[sflag:s21] =	ssyncset.done $0x0  }
0x1cf: {  	s9 =	rddreg [dreg:$0x13];
	[sflag:s21] =	ssyncadd.s32 $0xFFFFE800  }
0x1d0: {  	[tilespmem:s13], [sflag:$0x1] =	stream.indirect.gather [hbm4b:s4+s12], $0x30, s9, s12, $0xb8;
	[tilespmem:$0xEA80] =	vst v63  }
0x1d1: {  	_ =	swait.ge [sflag:s22], $0x1800  }
0x1d2: {  	[sflag:s22] =	ssyncset.done $0x0  }
0x1d3: {  	s7 =	rddreg [dreg:$0x14];
	[sflag:s22] =	ssyncadd.s32 $0xFFFFE800  }
0x1d4: {  	[tilespmem:s14], [sflag:$0x2] =	stream.indirect.gather [hbm4b:s4+s12], $0x30, s7, s12, $0xb8;
	[tilespmem:$0xEA80] =	vst v63  }
0x1d5: {  	_ =	swait.ge [sflag:s23], $0x1800  }
0x1d6: {  	[sflag:s23] =	ssyncset.done $0x0  }
0x1d7: {  	s8 =	rddreg [dreg:$0x15];
	[sflag:s23] =	ssyncadd.s32 $0xFFFFE800  }
0x1d8: {  	[tilespmem:s15], [sflag:$0x3] =	stream.indirect.gather [hbm4b:s4+s12], $0x30, s8, s12, $0xb8;
	[tilespmem:$0xEA80] =	vst v63  }
0x1d9: {  	_ =	swait.ge [sflag:s24], $0x1800  }
0x1da: {  	[sflag:s24] =	ssyncset.done $0x0  }
0x1db: {  	s9 =	rddreg [dreg:$0x16];
	[sflag:s24] =	ssyncadd.s32 $0xFFFFE800  }
0x1dc: {  	[tilespmem:s16], [sflag:$0x4] =	stream.indirect.gather [hbm4b:s4+s12], $0x30, s9, s12, $0xb8;
	[tilespmem:$0xEA80] =	vst v63  }
0x1dd: {  	_ =	swait.ge [sflag:s17], $0x1800  }
0x1de: {  	[sflag:s17] =	ssyncset.done $0x0  }
0x1df: {  	s7 =	rddreg [dreg:$0x17];
	[sflag:s17] =	ssyncadd.s32 $0xFFFFE800  }
0x1e0: {  	[spmem:s2] =	stream.indirect.scatter.add.f32 [tilespmem:s13], [sflag:$0x5], $0x30, s7, s12, $0xb8;
	[tilespmem:$0xEA80] =	vst v63  }
0x1e1: {  	_ =	swait.ge [sflag:s18], $0x1800  }
0x1e2: {  	[sflag:s18] =	ssyncset.done $0x0  }
0x1e3: {  	s8 =	rddreg [dreg:$0x18];
	[sflag:s18] =	ssyncadd.s32 $0xFFFFE800  }
0x1e4: {  	[spmem:s2] =	stream.indirect.scatter.add.f32 [tilespmem:s14], [sflag:$0x6], $0x30, s8, s12, $0xb8;
	[tilespmem:$0xEA80] =	vst v63  }
0x1e5: {  	_ =	swait.ge [sflag:s19], $0x1800  }
0x1e6: {  	[sflag:s19] =	ssyncset.done $0x0  }
0x1e7: {  	s9 =	rddreg [dreg:$0x19];
	[sflag:s19] =	ssyncadd.s32 $0xFFFFE800  }
0x1e8: {  	[spmem:s2] =	stream.indirect.scatter.add.f32 [tilespmem:s15], [sflag:$0x7], $0x30, s9, s12, $0xb8;
	[tilespmem:$0xEA80] =	vst v63  }
0x1e9: {  	_ =	swait.ge [sflag:s20], $0x1800  }
0x1ea: {  	[sflag:s20] =	ssyncset.done $0x0  }
0x1eb: {  	s7 =	rddreg [dreg:$0x1a];
	[sflag:s20] =	ssyncadd.s32 $0xFFFFE800  }
0x1ec: {  	[spmem:s2] =	stream.indirect.scatter.add.f32 [tilespmem:s16], [sflag:$0x8], $0x30, s7, s12, $0xb8;
	[tilespmem:$0xEA80] =	vst v63  }
0x1ed: {  	_ =	swait.ge [sflag:s21], $0x1800  }
0x1ee: {  	[sflag:s21] =	ssyncset.done $0x0  }
0x1ef: {  	s8 =	rddreg [dreg:$0x1b];
	[sflag:s21] =	ssyncadd.s32 $0xFFFFE800  }
0x1f0: {  	[tilespmem:s13], [sflag:$0x1] =	stream.indirect.gather [hbm4b:s4+s12], $0x30, s8, s12, $0xb8;
	[tilespmem:$0xEA80] =	vst v63  }
0x1f1: {  	_ =	swait.ge [sflag:s22], $0x1800  }
0x1f2: {  	[sflag:s22] =	ssyncset.done $0x0  }
0x1f3: {  	s9 =	rddreg [dreg:$0x1c];
	[sflag:s22] =	ssyncadd.s32 $0xFFFFE800  }
0x1f4: {  	[tilespmem:s14], [sflag:$0x2] =	stream.indirect.gather [hbm4b:s4+s12], $0x30, s9, s12, $0xb8;
	[tilespmem:$0xEA80] =	vst v63  }
0x1f5: {  	_ =	swait.ge [sflag:s23], $0x1800  }
0x1f6: {  	[sflag:s23] =	ssyncset.done $0x0  }
0x1f7: {  	s7 =	rddreg [dreg:$0x1d];
	[sflag:s23] =	ssyncadd.s32 $0xFFFFE800  }
0x1f8: {  	[tilespmem:s15], [sflag:$0x3] =	stream.indirect.gather [hbm4b:s4+s12], $0x30, s7, s12, $0xb8;
	[tilespmem:$0xEA80] =	vst v63  }
0x1f9: {  	_ =	swait.ge [sflag:s24], $0x1800  }
0x1fa: {  	[sflag:s24] =	ssyncset.done $0x0  }
0x1fb: {  	s8 =	rddreg [dreg:$0x1e];
	[sflag:s24] =	ssyncadd.s32 $0xFFFFE800  }
0x1fc: {  	[tilespmem:s16], [sflag:$0x4] =	stream.indirect.gather [hbm4b:s4+s12], $0x30, s8, s12, $0xb8;
	[tilespmem:$0xEA80] =	vst v63  }
0x1fd: {  	_ =	swait.ge [sflag:s17], $0x1800  }
0x1fe: {  	[sflag:s17] =	ssyncset.done $0x0  }
0x1ff: {  	s9 =	rddreg [dreg:$0x1f];
	[sflag:s17] =	ssyncadd.s32 $0xFFFFE800  }
0x200: {  	[spmem:s2] =	stream.indirect.scatter.add.f32 [tilespmem:s13], [sflag:$0x5], $0x30, s9, s12, $0xb8;
	[tilespmem:$0xEA80] =	vst v63  }
0x201: {  	_ =	swait.ge [sflag:s18], $0x1800  }
0x202: {  	s7 =	sld [smem:$0x7FA]  }
0x203: {  	[sflag:s18] =	ssyncset.done $0x0  }
0x204: {  	[sflag:s18] =	ssyncadd.s32 $0xFFFFE800  }
0x205: {  	[spmem:s2] =	stream.indirect.scatter.add.f32 [tilespmem:s14], [sflag:$0x6], $0x30, s7, s12, $0xb8;
	[tilespmem:$0xEA80] =	vst v63  }
0x206: {  	_ =	swait.ge [sflag:s19], $0x1800  }
0x207: {  	s8 =	sld [smem:$0x7FB]  }
0x208: {  	[sflag:s19] =	ssyncset.done $0x0  }
0x209: {  	[sflag:s19] =	ssyncadd.s32 $0xFFFFE800  }
0x20a: {  	[spmem:s2] =	stream.indirect.scatter.add.f32 [tilespmem:s15], [sflag:$0x7], $0x30, s8, s12, $0xb8;
	[tilespmem:$0xEA80] =	vst v63  }
0x20b: {  	_ =	swait.ge [sflag:s20], $0x1800  }
0x20c: {  	[sflag:s20] =	ssyncset.done $0x0  }
0x20d: {  	[sflag:s20] =	ssyncadd.s32 $0xFFFFE800  }
0x20e: {  	[spmem:s2] =	stream.indirect.scatter.add.f32 [tilespmem:s16], [sflag:$0x8], $0x30, s25, s12, $0xb8;
	[tilespmem:$0xEA80] =	vst v63  }
0x20f: {  	_ =	swait.ge [sflag:s21], $0x1800  }
0x210: {  	[sflag:s21] =	ssyncset.done $0x0  }
0x211: {  	[sflag:s21] =	ssyncadd.s32 $0xFFFFE800  }
0x212: {  	[tilespmem:s13], [sflag:$0x1] =	stream.indirect.gather [hbm4b:s4+s12], $0x30, s26, s12, $0xb8;
	[tilespmem:$0xEA80] =	vst v63  }
0x213: {  	_ =	swait.ge [sflag:s22], $0x1800  }
0x214: {  	[sflag:s22] =	ssyncset.done $0x0  }
0x215: {  	[sflag:s22] =	ssyncadd.s32 $0xFFFFE800  }
0x216: {  	[tilespmem:s14], [sflag:$0x2] =	stream.indirect.gather [hbm4b:s4+s12], $0x30, s28, s12, $0xb8;
	[tilespmem:$0xEA80] =	vst v63  }
0x217: {  	_ =	swait.ge [sflag:s23], $0x1800  }
0x218: {  	[sflag:s23] =	ssyncset.done $0x0  }
0x219: {  	[sflag:s23] =	ssyncadd.s32 $0xFFFFE800  }
0x21a: {  	[tilespmem:s15], [sflag:$0x3] =	stream.indirect.gather [hbm4b:s4+s12], $0x30, s29, s12, $0xb8;
	[tilespmem:$0xEA80] =	vst v63  }
0x21b: {  	_ =	swait.ge [sflag:s24], $0x1800  }
0x21c: {  	[sflag:s24] =	ssyncset.done $0x0  }
0x21d: {  	[sflag:s24] =	ssyncadd.s32 $0xFFFFE800  }
0x21e: {  	[tilespmem:s16], [sflag:$0x4] =	stream.indirect.gather [hbm4b:s4+s12], $0x30, s30, s12, $0xb8;
	[tilespmem:$0xEA80] =	vst v63  }
0x21f: {  	_ =	swait.ge [sflag:s17], $0x1800  }
0x220: {  	[sflag:s17] =	ssyncset.done $0x0  }
0x221: {  	[sflag:s17] =	ssyncadd.s32 $0xFFFFE800  }
0x222: {  	[spmem:s2] =	stream.indirect.scatter.add.f32 [tilespmem:s13], [sflag:$0x5], $0x30, s31, s12, $0xb8;
	[tilespmem:$0xEA80] =	vst v63  }
0x223: {  	_ =	swait.ge [sflag:s18], $0x1800  }
0x224: {  	[sflag:s18] =	ssyncset.done $0x0  }
0x225: {  	[sflag:s18] =	ssyncadd.s32 $0xFFFFE800  }
0x226: {  	[spmem:s2] =	stream.indirect.scatter.add.f32 [tilespmem:s14], [sflag:$0x6], $0x30, s0, s12, $0xb8;
	[tilespmem:$0xEA80] =	vst v63  }
0x227: {  	_ =	swait.ge [sflag:s19], $0x1800  }
0x228: {  	[sflag:s19] =	ssyncset.done $0x0  }
0x229: {  	[sflag:s19] =	ssyncadd.s32 $0xFFFFE800  }
0x22a: {  	[spmem:s2] =	stream.indirect.scatter.add.f32 [tilespmem:s15], [sflag:$0x7], $0x30, s1, s12, $0xb8;
	[tilespmem:$0xEA80] =	vst v63  }
0x22b: {  	_ =	swait.ge [sflag:s20], $0x1800  }
0x22c: {  	[sflag:s20] =	ssyncset.done $0x0  }
0x22d: {  	[sflag:s20] =	ssyncadd.s32 $0xFFFFE800  }
0x22e: {  	[spmem:s2] =	stream.indirect.scatter.add.f32 [tilespmem:s16], [sflag:$0x8], $0x30, s5, s12, $0xb8;
	[tilespmem:$0xEA80] =	vst v63  }
0x22f: {  	_ =	swait.ge [sflag:s21], $0x1800  }
0x230: {  	[sflag:s21] =	ssyncset.done $0x0  }
0x231: {  	[sflag:s21] =	ssyncadd.s32 $0xFFFFE800  }
0x232: {  	_ =	swait.ge [sflag:s22], $0x1800  }
0x233: {  	[sflag:s22] =	ssyncset.done $0x0  }
0x234: {  	[sflag:s22] =	ssyncadd.s32 $0xFFFFE800  }
0x235: {  	_ =	swait.ge [sflag:s23], $0x1800  }
0x236: {  	[sflag:s23] =	ssyncset.done $0x0  }
0x237: {  	[sflag:s23] =	ssyncadd.s32 $0xFFFFE800  }
0x238: {  	_ =	swait.ge [sflag:s24], $0x1800  }
0x239: {  	[sflag:s24] =	ssyncset.done $0x0  }
0x23a: {  	[sflag:s24] =	ssyncadd.s32 $0xFFFFE800  }
0x23b: {  	[bflag:$0x0] =	sbarrier.arrive $0xFFFF  }
0x23c: {  	s7 =	sld [smem:$0x7FC]  }
0x23d: {  	s9 =	sld [smem:$0x7F8]  }
0x23e: {  	s8 =	sld [smem:$0x7FD];
	_ =	sdelay $0x2  }
0x23f: {  	[hbm:s9], [sflag:s7] =	dma.local [spmem:s8], $0xED0  }
0x240: {  	_ =	swait.ge [sflag:s10], $0xED0  }
0x241: {  	s6 =	sld [smem:$0x7F6];
	_ =	sdelay $0x2  }
0x242: {  	s9 =	sadd.s32 $0x1, s6;
	s6 =	sld [smem:$0x7F9];
	_ =	sdelay $0x2  }
0x243: {  	p0 =	sne.s32 s9, s6  }
.Ltmp1:
0x244: {  	_ = 	snop;
	(pc) =	sbr.rel @p0 .LBB2_1-.Ltmp1, $3  }
0x245: {  	_ =	sdelay $0x1  }
0x246: {  	[sflag:s10] =	ssyncset.done $0x0  }
0x247: {  	[sflag:s10] =	ssyncadd.s32 $0xFFFFF130  }
0x248: {  	_ =	sfence.sel $0x180000  }
0x249: {  	[bflag:$0x0] =	sbarrier.arrive $0xFFFF  }
0x24a: {  	_ =	strace $0x9000004A  }
0x24b: {  	s0 =	stileid.u32;
	[bflag:$0x2] =	sbarrier.arrive $0xFFFF  }
0x24c: {  	p0 =	sne.s32 s0, $0x0;
	s0 =	rddreg [dreg:$0x3]  }
0x24d: {  	s0 =	sadd.s32 @!p0 $0x100000, s0  }
0x24e: {  	[sflag:s0] =	ssyncadd.tile.s32 @!p0 $0x1;
	_ =	shalt  }
.Lfunc_end2:
_tile_overlayer_lowered:
.L_overlay_start_2:
0x24f: {  	(tag) =	ssettag $0x2  }
0x250: {  	s0 =	rddreg [dreg:$0x0];
	s2 =	stileid.u32  }
0x251: {  	s1 =	rddreg [dreg:$0x1];
	p0 =	sne.s32 s2, $0x0  }
0x252: {  	s3 =	rddreg [dreg:$0x2];
	[bflag:$0x3] =	sbarrier.arrive $0xFFFF;
	s2 =	simm.s32 @!p0 $0x1C09  }
0x253: {  	[timem:s3], [sflag:s2] =	dma.local @!p0 [hbm:s0], s1  }
0x254: {  	s0 =	simm.s32 @!p0 $0x9  }
0x255: {  	_ =	swait.ge @!p0 [sflag:s0], s1  }
0x256: {  	s1 =	ssub.s32 @!p0 $0x0, s1;
	[sflag:s0] =	ssyncset.done @!p0 $0x0  }
0x257: {  	[sflag:s0] =	ssyncadd.s32 @!p0 s1  }
0x258: {  	[bflag:$0x3] =	sbarrier.arrive $0xFFFF  }
0x259: {  	_ =	shalt  }

// kernel: kernel.7.cloned.1.call-start
scs
__scs_entry_jumppad:
0x0: {  	(pc) =	sbr.rel $0x88, $3  }
0x1: {  	(tag) =	ssettag $0x0;
	lr =	simm.s32 $0x1  }
0x2: {  	[smem:$0x3F9B] =	sst lr;
	_ =	strace $0xD0000000  }
0x3: {  	_ = 	snop  }
0x4: {  	_ = 	snop  }
0x5: {  	_ = 	snop  }
0x6: {  	_ = 	snop  }
0x7: {  	_ = 	snop  }
__scs_overlays_trampoline_lowered:
0x8: {  	[smem:$0x3FAA] =	sst s0  }
0x9: {  	[smem:$0x3FAB] =	sst s1  }
0xa: {  	[smem:$0x3FAC] =	sst s2  }
0xb: {  	[smem:$0x3FAD] =	sst s3  }
0xc: {  	[smem:$0x3FAE] =	sst s4  }
0xd: {  	[smem:$0x3FAF] =	sst s5  }
0xe: {  	[smem:$0x3FB0] =	sst s6  }
0xf: {  	[smem:$0x3FB1] =	sst s7  }
0x10: {  	[smem:$0x3FB2] =	sst s8  }
0x11: {  	[smem:$0x3FB3] =	sst s9;
	s0 =	simm.s32 @!p0 $0x0  }
0x12: {  	s1 =	sld [smem:$0x3F99];
	s0 =	simm.s32 @p0 $0x1  }
0x13: {  	[smem:$0x3FB4] =	sst s0;
	s0 =	simm.s32 @!p1 $0x0  }
0x14: {  	s2 =	sld [smem:$0x3F98];
	s0 =	simm.s32 @p1 $0x1  }
0x15: {  	[smem:$0x3FB5] =	sst s0;
	s0 =	simm.s32 @!p2 $0x0  }
0x16: {  	s3 =	sld [smem:$0x3FDB];
	s0 =	simm.s32 @p2 $0x1  }
0x17: {  	s4 =	simm.s32 $0x1BF5;
	[smem:$0x3FB7] =	sst s0  }
0x18: {  	s0 =	sld [smem:$0x3F9A];
	_ =	swait.ge [sflag:s4], $0x0  }
0x19: {  	s7 =	sld [smem:$0x3F9B]  }
0x1a: {  	s8 =	sadd.s32 $0xFFFFE003, lr  }
0x1b: {  	s9 =	sadd.s32 $0xFFFFFEF7, lr;
	s5 =	simm.s32 $0xFFFFFFFF;
	p2 =	slt.u32 s8, $0xFFFFF086  }
0x1c: {  	p1 =	slt.u32 s9, $0xF7A;
	s5 =	simm.s32 @!p2 $0x0  }
0x1d: {  	s5 =	simm.s32 @p1 $0x1;
	p0 =	seq.s32 s7, s2  }
0x1e: {  	s7 =	smul.u32 @!p0 $0xF7A, s2;
	p2 =	seq.s32 @!p0 s5, $0x0  }
0x1f: {  	s9 =	smul.u32 $0xF7A, s1;
	s8 =	simm.s32 @!p0 $0x1BF5;
	p2 =	por !p2, p0  }
0x20: {  	[sflag:s8] =	ssyncset.s32 @!p0 $0xFFFFF086;
	s6 =	sadd.s32 @!p0 s3, s7;
	s7 =	simm.s32 @!p0 $0x108  }
0x21: {  	s3 =	sadd.s32 s3, s9;
	s6 =	sadd.s32 @!p0 $0x88, s6;
	s7 =	simm.s32 @p2 $0x1082  }
0x22: {  	[simem:s7], [sflag:s8] =	dma.local @!p0 [hbm:s6], $0xF7A  }
0x23: {  	s9 =	sor.u32 $0xD0000000, s2;
	s6 =	simm.s32 $0x108;
	_ =	swait.ge @!p0 [sflag:s8], $0x0  }
0x24: {  	s3 =	sadd.s32 $0x88, s3;
	s6 =	simm.s32 @!p1 $0x1082;
	[sflag:s4] =	ssyncset.s32 $0xFFFFF086  }
0x25: {  	[simem:s6], [sflag:s4] =	dma.local [hbm:s3], $0xF7A  }
0x26: {  	[smem:$0x3F9B] =	sst s1;
	(tag) =	ssettag s2;
	_ =	strace s9  }
0x27: {  	s1 =	sld [smem:$0x3FAB]  }
0x28: {  	s2 =	sld [smem:$0x3FAC]  }
0x29: {  	s4 =	sld [smem:$0x3FAE]  }
0x2a: {  	p0 =	seq.s32 s5, $0x0;
	s5 =	sld [smem:$0x3FAF]  }
0x2b: {  	s6 =	sld [smem:$0x3FB0]  }
0x2c: {  	s7 =	sld [smem:$0x3FB1]  }
0x2d: {  	s3 =	simm.s32 $0x108;
	s8 =	sld [smem:$0x3FB2]  }
0x2e: {  	s3 =	simm.s32 @!p0 $0x1082;
	s9 =	sld [smem:$0x3FB3]  }
0x2f: {  	lr =	sadd.s32 s0, s3;
	s0 =	sld [smem:$0x3FAA]  }
0x30: {  	s3 =	sld [smem:$0x3FAD]  }
0x31: {  	[smem:$0x3FB6] =	sst s10  }
0x32: {  	s10 =	sld [smem:$0x3FB4];
	_ =	sdelay $0x3  }
0x33: {  	p0 =	seq.s32 s10, $0x1;
	s10 =	sld [smem:$0x3FB6];
	_ =	sdelay $0x3  }
0x34: {  	[smem:$0x3FB6] =	sst s10  }
0x35: {  	s10 =	sld [smem:$0x3FB5];
	_ =	sdelay $0x3  }
0x36: {  	p1 =	seq.s32 s10, $0x1;
	s10 =	sld [smem:$0x3FB6];
	_ =	sdelay $0x3  }
0x37: {  	[smem:$0x3FB6] =	sst s10  }
0x38: {  	s10 =	sld [smem:$0x3FB7]  }
0x39: {  	_ = 	snop;
	(pc) =	sbr.ind lr, $3  }
0x3a: {  	_ = 	snop  }
0x3b: {  	_ = 	snop  }
0x3c: {  	p2 =	seq.s32 s10, $0x1;
	s10 =	sld [smem:$0x3FB6]  }
0x3d: {  	_ =	shalt  }
0x3e: {  	_ =	shalt  }
0x3f: {  	_ =	shalt  }
0x40: {  	_ =	shalt  }
0x41: {  	_ =	shalt  }
0x42: {  	_ =	shalt  }
0x43: {  	_ =	shalt  }
0x44: {  	_ =	shalt  }
0x45: {  	_ =	shalt  }
0x46: {  	_ =	shalt  }
0x47: {  	_ =	shalt  }
0x48: {  	_ =	shalt  }
0x49: {  	_ =	shalt  }
0x4a: {  	_ =	shalt  }
0x4b: {  	_ =	shalt  }
0x4c: {  	_ =	shalt  }
0x4d: {  	_ =	shalt  }
0x4e: {  	_ =	shalt  }
0x4f: {  	_ =	shalt  }
0x50: {  	_ =	shalt  }
0x51: {  	_ =	shalt  }
0x52: {  	_ =	shalt  }
0x53: {  	_ =	shalt  }
0x54: {  	_ =	shalt  }
0x55: {  	_ =	shalt  }
0x56: {  	_ =	shalt  }
0x57: {  	_ =	shalt  }
0x58: {  	_ =	shalt  }
0x59: {  	_ =	shalt  }
0x5a: {  	_ =	shalt  }
0x5b: {  	_ =	shalt  }
0x5c: {  	_ =	shalt  }
0x5d: {  	_ =	shalt  }
0x5e: {  	_ =	shalt  }
0x5f: {  	_ =	shalt  }
0x60: {  	_ =	shalt  }
0x61: {  	_ =	shalt  }
0x62: {  	_ =	shalt  }
0x63: {  	_ =	shalt  }
0x64: {  	_ =	shalt  }
0x65: {  	_ =	shalt  }
0x66: {  	_ =	shalt  }
0x67: {  	_ =	shalt  }
0x68: {  	_ =	shalt  }
0x69: {  	_ =	shalt  }
0x6a: {  	_ =	shalt  }
0x6b: {  	_ =	shalt  }
0x6c: {  	_ =	shalt  }
0x6d: {  	_ =	shalt  }
0x6e: {  	_ =	shalt  }
0x6f: {  	_ =	shalt  }
0x70: {  	_ =	shalt  }
0x71: {  	_ =	shalt  }
0x72: {  	_ =	shalt  }
0x73: {  	_ =	shalt  }
0x74: {  	_ =	shalt  }
0x75: {  	_ =	shalt  }
0x76: {  	_ =	shalt  }
0x77: {  	_ =	shalt  }
0x78: {  	_ =	shalt  }
0x79: {  	_ =	shalt  }
0x7a: {  	_ =	shalt  }
0x7b: {  	_ =	shalt  }
0x7c: {  	_ =	shalt  }
0x7d: {  	_ =	shalt  }
0x7e: {  	_ =	shalt  }
0x7f: {  	_ =	shalt  }
0x80: {  	_ =	shalt  }
0x81: {  	_ =	shalt  }
0x82: {  	_ =	shalt  }
0x83: {  	_ =	shalt  }
0x84: {  	_ =	shalt  }
0x85: {  	_ =	shalt  }
0x86: {  	_ =	shalt  }
0x87: {  	_ =	shalt  }
.Lfunc_end0:
.L_simem_size_0:
called_computation_lowered:
.L_overlay_start_0:
0x88: {  	s2 =	sld [smem:$0x3FD9]  }
0x89: {  	s3 =	sld [smem:$0x3FFE];
	_ =	sdelay $0x1  }
0x8a: {  	s1 =	srdreg.scid  }
0x8b: {  	s0 =	sand.u32 $0x1, s1  }
0x8c: {  	s17 =	sshll.u32 s0, $0xA;
	s2 =	sadd.s32 s3, s2  }
0x8d: {  	s2 =	sadd.s32 s2, s17  }
0x8e: {  	[smem:$0x3FC2] =	sst s2  }
0x8f: {  	_ = 	snop  }
0x90: {  	s2 =	sld [smem:$0x3FD0];
	(tm) =	ssettm $0x1  }
0x91: {  	s18 =	sld [smem:$0x3FFB];
	_ =	sdelay $0x3  }
0x92: {  	_ =	strace s18  }
0x93: {  	s3 =	sld [smem:$0x3FFC];
	_ =	sdelay $0x3  }
0x94: {  	_ =	strace s3  }
0x95: {  	s3 =	sld [smem:$0x3FFD];
	_ =	sdelay $0x3  }
0x96: {  	_ =	strace s3  }
0x97: {  	_ =	strace $0x8FFFFFFF  }
0x98: {  	s19 =	sld [smem:$0x3FDB];
	_ =	sdelay $0x1  }
0x99: {  	s4 =	simm.s32 $_scs_section_size  }
0x9a: {  	s5 =	simm.s32 $_size__tile_overlayer_lowered;
	s6 =	simm.s32 $_tile_overlayer_lowered  }
0x9b: {  	s22 =	simm.s32 $0x1BFF;
	s21 =	sshll.u32 s6, $0x1;
	s3 =	sadd.s32 s4, s19  }
0x9c: {  	s7 =	simm.s32 $0x0;
	s20 =	sshll.u32 s5, $0x1;
	s5 =	sadd.s32 s21, s3  }
0x9d: {  	[timem:s7], [sflag:s22] =	dma.local [hbm:s5], s20  }
0x9e: {  	_ =	swait.ge [sflag:s22], s20  }
0x9f: {  	s4 =	ssub.s32 $0x0, s20;
	[sflag:s22] =	ssyncset.done $0x0  }
0xa0: {  	[sflag:s22] =	ssyncadd.s32 s4;
	_ =	sdelay $0x1  }
0xa1: {  	s23 =	simm.s32 $0x1B8B  }
0xa2: {  	_ =	swait.ge [sflag:s23], $0x1  }
0xa3: {  	[sflag:s23] =	ssyncset.done $0x0  }
0xa4: {  	s25 =	simm.s32 $0x1B8E;
	s24 =	sld [smem:$0x3FFE];
	[sflag:s23] =	ssyncadd.s32 $0xFFFFFFFF  }
0xa5: {  	s26 =	simm.s32 $execute0_lowered;
	[smem:$0x3FD2] =	sst s25  }
0xa6: {  	s5 =	sshll.u32 s26, $0x1;
	_ =	strace $0x80000046;
	[dreg:$0x1] =	wrdreg $0xFFFFFFFF  }
0xa7: {  	s28 =	simm.s32 $_size_execute0_lowered;
	s3 =	sadd.s32 s3, s5;
	[dreg:$0x0] =	wrdreg $0x0  }
0xa8: {  	s5 =	sshll.u32 s28, $0x1;
	[dreg:$0x2] =	wrdreg s3  }
0xa9: {  	[dreg:$0x3] =	wrdreg s5  }
0xaa: {  	[dreg:$0x4] =	wrdreg $0xC0  }
0xab: {  	_ =	task [dreg:s7], $0x5FFFF  }
0xac: {  	[dreg:$0x1] =	wrdreg $0xFFFFFFFF  }
0xad: {  	[dreg:$0x0] =	wrdreg $0x60  }
0xae: {  	[dreg:$0x2] =	wrdreg s24  }
0xaf: {  	[dreg:$0x3] =	wrdreg s2  }
0xb0: {  	[dreg:$0x4] =	wrdreg $0xA4000  }
0xb1: {  	[dreg:$0x5] =	wrdreg $0x9  }
0xb2: {  	_ =	task.clear_ibuf [dreg:s7], $0x6FFFF;
	_ =	strace $0x90000046  }
0xb3: {  	s29 =	simm.s32 $0x9;
	_ =	strace $0x80000048  }
0xb4: {  	_ =	swait.ge [sflag:s29], $0x1  }
0xb5: {  	[sflag:s29] =	ssyncadd.s32 $0xFFFFFFFF  }
0xb6: {  	_ =	strace $0x90000048  }
0xb7: {  	_ =	sfence  }
0xb8: {  	s30 =	sld [smem:$0x0];
	_ =	sdelay $0x2  }
0xb9: {  	s31 =	sshll.u32 s1, $0xD;
	s1 =	sshrl.u32 s1, $0x2  }
0xba: {  	s3 =	sand.u32 $0x4000, s31;
	s1 =	sadd.s32 s1, s30  }
0xbb: {  	s0 =	sor.u32 s3, s0;
	s1 =	sshll.u32 s1, $0x11  }
0xbc: {  	s0 =	sor.u32 s1, s0  }
0xbd: {  	s0 =	sadd.s32 $0x8F2B, s0  }
0xbe: {  	[sflag:s0] =	ssyncadd.remote.s32 $0x1  }
0xbf: {  	_ =	sfence.sel $0xFFFF  }
0xc0: {  	[dreg:$0x0] =	wrdreg $0xFFFFFFFF;
	(pc) =	sbr.abs _section_cstart, $3  }
0xc1: {  	[dreg:$0x1] =	wrdreg $0xFFFFFFFF  }
0xc2: {  	_ =	task.clear_ibuf [dreg:s7], $0x2FFFF;
	_ =	strace $0x9FFFFFFF  }
0xc3: {  	(tm) =	ssettm $0x7FFFFFFF  }
tec
execute0_lowered:
.L_overlay_start_1:
0x0: {  	(tag) =	ssettag $0x1  }
0x1: {  	s0 =	rddreg [dreg:$0x0]  }
0x2: {  	s1 =	rddreg [dreg:$0x1]  }
0x3: {  	s3 =	srdreg.scid;
	s2 =	rddreg [dreg:$0x2]  }
0x4: {  	s11 =	stileid.u32;
	s14 =	simm.s32 $0x100;
	s15 =	simm.s32 $0x180  }
0x5: {  	s16 =	simm.s32 $0xA80;
	s4 =	sand.u32 $0x1, s3;
	s3 =	simm.s32 $0x0  }
0x6: {  	s17 =	simm.s32 $0xB00;
	s19 =	simm.s32 $0xB80;
	[smem:$0x7FF] =	sst s3  }
0x7: {  	s20 =	simm.s32 $0x200;
	_ =	strace $0x80000047;
	[dreg:$0x6] =	wrdreg s14  }
0x8: {  	s21 =	simm.s32 $0x280;
	s23 =	simm.s32 $0x300;
	[dreg:$0x7] =	wrdreg s15  }
0x9: {  	s25 =	simm.s32 $0x380;
	s26 =	simm.s32 $0xC00;
	[dreg:$0x8] =	wrdreg s16  }
0xa: {  	s12 =	simm.s32 $0x400;
	s28 =	simm.s32 $0x880;
	[dreg:$0x9] =	wrdreg s17  }
0xb: {  	s29 =	simm.s32 $0x900;
	s30 =	simm.s32 $0x980;
	[dreg:$0xa] =	wrdreg s19  }
0xc: {  	s31 =	simm.s32 $0x1200;
	s6 =	smul.u32 $0xA00, s11;
	[dreg:$0xb] =	wrdreg s20  }
0xd: {  	s7 =	smul.u32 $0xB1C0, s11;
	s24 =	sshll.u32 s11, $0x6;
	[dreg:$0xc] =	wrdreg s21  }
0xe: {  	s11 =	simm.s32 $0xD80;
	s5 =	smul.u32 $0x15F90, s4;
	[dreg:$0xd] =	wrdreg s23  }
0xf: {  	s10 =	smul.u32 $0xB1C00, s4;
	s4 =	ssub.s32 $0x2, s4;
	[dreg:$0xe] =	wrdreg s25  }
0x10: {  	s8 =	sadd.s32 s6, s0;
	s9 =	sshrl.u32 s7, $0x3;
	[dreg:$0xf] =	wrdreg s26  }
0x11: {  	s1 =	sadd.s32 s6, s1;
	s18 =	sshrl.u32 s4, $0x1;
	[dreg:$0x12] =	wrdreg s11  }
0x12: {  	[dreg:$0x13] =	wrdreg s12;
	s11 =	simm.s32 $0xA00;
	s14 =	simm.s32 $0x500  }
0x13: {  	s12 =	simm.s32 $0x80;
	s15 =	simm.s32 $0x580;
	s16 =	simm.s32 $0xE00  }
0x14: {  	s17 =	simm.s32 $0xE80;
	s19 =	simm.s32 $0xF80;
	[dreg:$0x5] =	wrdreg s1  }
0x15: {  	s20 =	simm.s32 $0x600;
	s21 =	simm.s32 $0x680;
	[dreg:$0x15] =	wrdreg s14  }
0x16: {  	s23 =	simm.s32 $0x780;
	s25 =	simm.s32 $0x1080;
	[dreg:$0x16] =	wrdreg s15  }
0x17: {  	s26 =	simm.s32 $0x1100;
	s5 =	sadd.s32 s5, s0;
	[dreg:$0x17] =	wrdreg s16  }
0x18: {  	s8 =	sadd.s32 $0x2D000, s8;
	s9 =	sadd.s32 s9, s0;
	[dreg:$0x18] =	wrdreg s17  }
0x19: {  	s13 =	sadd.s32 s7, s10;
	s4 =	ssub.s32 s4, s18;
	[dreg:$0x1a] =	wrdreg s19  }
0x1a: {  	s7 =	sadd.s32 s7, s2;
	s14 =	simm.s32 $0x3800;
	[dreg:$0x1b] =	wrdreg s20  }
0x1b: {  	s15 =	simm.s32 $0x5C00;
	s18 =	simm.s32 $0xF00;
	[dreg:$0x1c] =	wrdreg s21  }
0x1c: {  	s16 =	simm.s32 $0x8000;
	s17 =	simm.s32 $0x1;
	[dreg:$0x1e] =	wrdreg s23  }
0x1d: {  	s19 =	simm.s32 $0x3;
	s20 =	simm.s32 $0x4;
	[smem:$0x7FA] =	sst s25  }
0x1e: {  	s21 =	simm.s32 $0x5;
	s23 =	simm.s32 $0x7;
	[smem:$0x7FB] =	sst s26  }
0x1f: {  	s25 =	simm.s32 $0x1180;
	s26 =	simm.s32 $0x800;
	[dreg:$0x4] =	wrdreg s8  }
0x20: {  	s1 =	simm.s32 $0x1300;
	s22 =	sadd.s32 $0x37000, s9;
	[dreg:$0x19] =	wrdreg s18  }
0x21: {  	s6 =	sshrl.u32 s13, $0x3;
	s10 =	smax.u32 s4, $0x1;
	[smem:$0x7F7] =	sst s22  }
0x22: {  	s8 =	sor.u32 $0x1C09, s24;
	s9 =	simm.s32 $0xD00;
	[smem:$0x7F9] =	sst s10  }
0x23: {  	s7 =	sshrl.u32 s7, $0x3;
	s13 =	simm.s32 $0x480;
	[dreg:$0x11] =	wrdreg s9  }
0x24: {  	s18 =	simm.s32 $0x2;
	s24 =	simm.s32 $0x1000;
	[dreg:$0x14] =	wrdreg s13  }
0x25: {  	s4 =	simm.s32 $0x1380;
	s0 =	sadd.s32 s6, s0;
	[dreg:$0x1f] =	wrdreg s24  }
0x26: {  	s6 =	sadd.s32 $0x1000, s5;
	s5 =	simm.s32 $0xC80;
	[smem:$0x7FC] =	sst s8  }
0x27: {  	s10 =	simm.s32 $0x9;
	s13 =	simm.s32 $0x1400;
	[smem:$0x7FD] =	sst s7  }
0x28: {  	s22 =	simm.s32 $0x700;
	s24 =	simm.s32 $0x8;
	[dreg:$0x10] =	wrdreg s5  }
0x29: {  	s9 =	simm.s32 $0x0;
	s0 =	sadd.s32 $0x4D400, s0;
	[dreg:$0x1d] =	wrdreg s22  }
0x2a: {  	s22 =	simm.s32 $0x6;
	[smem:$0x7F8] =	sst s0;
	s0 =	simm.s32 $0x1280  }
.LBB2_1:
0x2b: {  	s5 =	sld [smem:$0x7F7];
	_ =	sdelay $0x1  }
0x2c: {  	[smem:$0x7F6] =	sst s9  }
0x2d: {  	[spmem:s7], [sflag:s8] =	dma.local [hbm:s5], $0x1638  }
0x2e: {  	_ =	swait.ge [sflag:s10], $0x1638  }
0x2f: {  	[sflag:s10] =	ssyncset.done $0x0  }
0x30: {  	[sflag:s10] =	ssyncadd.s32 $0xFFFFE9C8  }
0x31: {  	[bflag:$0x0] =	sbarrier.arrive $0xFFFF  }
0x32: {  	s7 =	rddreg [dreg:$0x5]  }
0x33: {  	s5 =	sadd.s32 $0x0, s7  }
0x34: {  	[tilespmem:s3], [sflag:$0x9] =	stream.linear.gather [hbm4b:s5+s3], $0xA00, $0x38;
	[tilespmem:$0x155C0] =	vst v63  }
0x35: {  	_ =	swait.ge [sflag:s10], $0xA00  }
0x36: {  	s8 =	rddreg [dreg:$0x4];
	[sflag:s10] =	ssyncset.done $0x0  }
0x37: {  	[sflag:s10] =	ssyncadd.s32 $0xFFFFF600;
	s5 =	sadd.s32 $0x0, s8  }
0x38: {  	[tilespmem:s11], [sflag:$0x9] =	stream.linear.gather [hbm4b:s5+s3], $0xA00, $0x38;
	[tilespmem:$0x155C0] =	vst v63  }
0x39: {  	_ =	swait.ge [sflag:s10], $0xA00  }
0x3a: {  	[sflag:s10] =	ssyncset.done $0x0  }
0x3b: {  	[sflag:s10] =	ssyncadd.s32 $0xFFFFF600  }
0x3c: {  	[tilespmem:s13], [sflag:$0x1] =	stream.indirect.gather [hbm4b:s6+s12], $0x48, s3, s12, $0xb8;
	[tilespmem:$0x155C0] =	vst v63  }
0x3d: {  	_ = 	snop  }
0x3e: {  	[tilespmem:s14], [sflag:$0x2] =	stream.indirect.gather [hbm4b:s6+s12], $0x48, s12, s12, $0xb8;
	[tilespmem:$0x155C0] =	vst v63  }
0x3f: {  	s9 =	rddreg [dreg:$0x6]  }
0x40: {  	[tilespmem:s15], [sflag:$0x3] =	stream.indirect.gather [hbm4b:s6+s12], $0x48, s9, s12, $0xb8;
	[tilespmem:$0x155C0] =	vst v63  }
0x41: {  	s7 =	rddreg [dreg:$0x7]  }
0x42: {  	[tilespmem:s16], [sflag:$0x4] =	stream.indirect.gather [hbm4b:s6+s12], $0x48, s7, s12, $0xb8;
	[tilespmem:$0x155C0] =	vst v63  }
0x43: {  	_ =	swait.ge [sflag:s17], $0x2400  }
0x44: {  	[sflag:s17] =	ssyncset.done $0x0  }
0x45: {  	[sflag:s17] =	ssyncadd.s32 $0xFFFFDC00  }
0x46: {  	[spmem:s2] =	stream.indirect.scatter.add.f32 [tilespmem:s13], [sflag:$0x5], $0x48, s11, s12, $0xb8;
	[tilespmem:$0x155C0] =	vst v63  }
0x47: {  	_ =	swait.ge [sflag:s18], $0x2400  }
0x48: {  	[sflag:s18] =	ssyncset.done $0x0  }
0x49: {  	s8 =	rddreg [dreg:$0x8];
	[sflag:s18] =	ssyncadd.s32 $0xFFFFDC00  }
0x4a: {  	[spmem:s2] =	stream.indirect.scatter.add.f32 [tilespmem:s14], [sflag:$0x6], $0x48, s8, s12, $0xb8;
	[tilespmem:$0x155C0] =	vst v63  }
0x4b: {  	_ =	swait.ge [sflag:s19], $0x2400  }
0x4c: {  	[sflag:s19] =	ssyncset.done $0x0  }
0x4d: {  	s9 =	rddreg [dreg:$0x9];
	[sflag:s19] =	ssyncadd.s32 $0xFFFFDC00  }
0x4e: {  	[spmem:s2] =	stream.indirect.scatter.add.f32 [tilespmem:s15], [sflag:$0x7], $0x48, s9, s12, $0xb8;
	[tilespmem:$0x155C0] =	vst v63  }
0x4f: {  	_ =	swait.ge [sflag:s20], $0x2400  }
0x50: {  	[sflag:s20] =	ssyncset.done $0x0  }
0x51: {  	s7 =	rddreg [dreg:$0xa];
	[sflag:s20] =	ssyncadd.s32 $0xFFFFDC00  }
0x52: {  	[spmem:s2] =	stream.indirect.scatter.add.f32 [tilespmem:s16], [sflag:$0x8], $0x48, s7, s12, $0xb8;
	[tilespmem:$0x155C0] =	vst v63  }
0x53: {  	_ =	swait.ge [sflag:s21], $0x2400  }
0x54: {  	[sflag:s21] =	ssyncset.done $0x0  }
0x55: {  	s8 =	rddreg [dreg:$0xb];
	[sflag:s21] =	ssyncadd.s32 $0xFFFFDC00  }
0x56: {  	[tilespmem:s13], [sflag:$0x1] =	stream.indirect.gather [hbm4b:s6+s12], $0x48, s8, s12, $0xb8;
	[tilespmem:$0x155C0] =	vst v63  }
0x57: {  	_ =	swait.ge [sflag:s22], $0x2400  }
0x58: {  	[sflag:s22] =	ssyncset.done $0x0  }
0x59: {  	s9 =	rddreg [dreg:$0xc];
	[sflag:s22] =	ssyncadd.s32 $0xFFFFDC00  }
0x5a: {  	[tilespmem:s14], [sflag:$0x2] =	stream.indirect.gather [hbm4b:s6+s12], $0x48, s9, s12, $0xb8;
	[tilespmem:$0x155C0] =	vst v63  }
0x5b: {  	_ =	swait.ge [sflag:s23], $0x2400  }
0x5c: {  	[sflag:s23] =	ssyncset.done $0x0  }
0x5d: {  	s7 =	rddreg [dreg:$0xd];
	[sflag:s23] =	ssyncadd.s32 $0xFFFFDC00  }
0x5e: {  	[tilespmem:s15], [sflag:$0x3] =	stream.indirect.gather [hbm4b:s6+s12], $0x48, s7, s12, $0xb8;
	[tilespmem:$0x155C0] =	vst v63  }
0x5f: {  	_ =	swait.ge [sflag:s24], $0x2400  }
0x60: {  	[sflag:s24] =	ssyncset.done $0x0  }
0x61: {  	s8 =	rddreg [dreg:$0xe];
	[sflag:s24] =	ssyncadd.s32 $0xFFFFDC00  }
0x62: {  	[tilespmem:s16], [sflag:$0x4] =	stream.indirect.gather [hbm4b:s6+s12], $0x48, s8, s12, $0xb8;
	[tilespmem:$0x155C0] =	vst v63  }
0x63: {  	_ =	swait.ge [sflag:s17], $0x2400  }
0x64: {  	[sflag:s17] =	ssyncset.done $0x0  }
0x65: {  	s9 =	rddreg [dreg:$0xf];
	[sflag:s17] =	ssyncadd.s32 $0xFFFFDC00  }
0x66: {  	[spmem:s2] =	stream.indirect.scatter.add.f32 [tilespmem:s13], [sflag:$0x5], $0x48, s9, s12, $0xb8;
	[tilespmem:$0x155C0] =	vst v63  }
0x67: {  	_ =	swait.ge [sflag:s18], $0x2400  }
0x68: {  	[sflag:s18] =	ssyncset.done $0x0  }
0x69: {  	s7 =	rddreg [dreg:$0x10];
	[sflag:s18] =	ssyncadd.s32 $0xFFFFDC00  }
0x6a: {  	[spmem:s2] =	stream.indirect.scatter.add.f32 [tilespmem:s14], [sflag:$0x6], $0x48, s7, s12, $0xb8;
	[tilespmem:$0x155C0] =	vst v63  }
0x6b: {  	_ =	swait.ge [sflag:s19], $0x2400  }
0x6c: {  	[sflag:s19] =	ssyncset.done $0x0  }
0x6d: {  	s8 =	rddreg [dreg:$0x11];
	[sflag:s19] =	ssyncadd.s32 $0xFFFFDC00  }
0x6e: {  	[spmem:s2] =	stream.indirect.scatter.add.f32 [tilespmem:s15], [sflag:$0x7], $0x48, s8, s12, $0xb8;
	[tilespmem:$0x155C0] =	vst v63  }
0x6f: {  	_ =	swait.ge [sflag:s20], $0x2400  }
0x70: {  	[sflag:s20] =	ssyncset.done $0x0  }
0x71: {  	s9 =	rddreg [dreg:$0x12];
	[sflag:s20] =	ssyncadd.s32 $0xFFFFDC00  }
0x72: {  	[spmem:s2] =	stream.indirect.scatter.add.f32 [tilespmem:s16], [sflag:$0x8], $0x48, s9, s12, $0xb8;
	[tilespmem:$0x155C0] =	vst v63  }
0x73: {  	_ =	swait.ge [sflag:s21], $0x2400  }
0x74: {  	[sflag:s21] =	ssyncset.done $0x0  }
0x75: {  	s7 =	rddreg [dreg:$0x13];
	[sflag:s21] =	ssyncadd.s32 $0xFFFFDC00  }
0x76: {  	[tilespmem:s13], [sflag:$0x1] =	stream.indirect.gather [hbm4b:s6+s12], $0x48, s7, s12, $0xb8;
	[tilespmem:$0x155C0] =	vst v63  }
0x77: {  	_ =	swait.ge [sflag:s22], $0x2400  }
0x78: {  	[sflag:s22] =	ssyncset.done $0x0  }
0x79: {  	s8 =	rddreg [dreg:$0x14];
	[sflag:s22] =	ssyncadd.s32 $0xFFFFDC00  }
0x7a: {  	[tilespmem:s14], [sflag:$0x2] =	stream.indirect.gather [hbm4b:s6+s12], $0x48, s8, s12, $0xb8;
	[tilespmem:$0x155C0] =	vst v63  }
0x7b: {  	_ =	swait.ge [sflag:s23], $0x2400  }
0x7c: {  	[sflag:s23] =	ssyncset.done $0x0  }
0x7d: {  	s9 =	rddreg [dreg:$0x15];
	[sflag:s23] =	ssyncadd.s32 $0xFFFFDC00  }
0x7e: {  	[tilespmem:s15], [sflag:$0x3] =	stream.indirect.gather [hbm4b:s6+s12], $0x48, s9, s12, $0xb8;
	[tilespmem:$0x155C0] =	vst v63  }
0x7f: {  	_ =	swait.ge [sflag:s24], $0x2400  }
0x80: {  	[sflag:s24] =	ssyncset.done $0x0  }
0x81: {  	s7 =	rddreg [dreg:$0x16];
	[sflag:s24] =	ssyncadd.s32 $0xFFFFDC00  }
0x82: {  	[tilespmem:s16], [sflag:$0x4] =	stream.indirect.gather [hbm4b:s6+s12], $0x48, s7, s12, $0xb8;
	[tilespmem:$0x155C0] =	vst v63  }
0x83: {  	_ =	swait.ge [sflag:s17], $0x2400  }
0x84: {  	[sflag:s17] =	ssyncset.done $0x0  }
0x85: {  	s8 =	rddreg [dreg:$0x17];
	[sflag:s17] =	ssyncadd.s32 $0xFFFFDC00  }
0x86: {  	[spmem:s2] =	stream.indirect.scatter.add.f32 [tilespmem:s13], [sflag:$0x5], $0x48, s8, s12, $0xb8;
	[tilespmem:$0x155C0] =	vst v63  }
0x87: {  	_ =	swait.ge [sflag:s18], $0x2400  }
0x88: {  	[sflag:s18] =	ssyncset.done $0x0  }
0x89: {  	s9 =	rddreg [dreg:$0x18];
	[sflag:s18] =	ssyncadd.s32 $0xFFFFDC00  }
0x8a: {  	[spmem:s2] =	stream.indirect.scatter.add.f32 [tilespmem:s14], [sflag:$0x6], $0x48, s9, s12, $0xb8;
	[tilespmem:$0x155C0] =	vst v63  }
0x8b: {  	_ =	swait.ge [sflag:s19], $0x2400  }
0x8c: {  	[sflag:s19] =	ssyncset.done $0x0  }
0x8d: {  	s7 =	rddreg [dreg:$0x19];
	[sflag:s19] =	ssyncadd.s32 $0xFFFFDC00  }
0x8e: {  	[spmem:s2] =	stream.indirect.scatter.add.f32 [tilespmem:s15], [sflag:$0x7], $0x48, s7, s12, $0xb8;
	[tilespmem:$0x155C0] =	vst v63  }
0x8f: {  	_ =	swait.ge [sflag:s20], $0x2400  }
0x90: {  	[sflag:s20] =	ssyncset.done $0x0  }
0x91: {  	s8 =	rddreg [dreg:$0x1a];
	[sflag:s20] =	ssyncadd.s32 $0xFFFFDC00  }
0x92: {  	[spmem:s2] =	stream.indirect.scatter.add.f32 [tilespmem:s16], [sflag:$0x8], $0x48, s8, s12, $0xb8;
	[tilespmem:$0x155C0] =	vst v63  }
0x93: {  	_ =	swait.ge [sflag:s21], $0x2400  }
0x94: {  	[sflag:s21] =	ssyncset.done $0x0  }
0x95: {  	s9 =	rddreg [dreg:$0x1b];
	[sflag:s21] =	ssyncadd.s32 $0xFFFFDC00  }
0x96: {  	[tilespmem:s13], [sflag:$0x1] =	stream.indirect.gather [hbm4b:s6+s12], $0x48, s9, s12, $0xb8;
	[tilespmem:$0x155C0] =	vst v63  }
0x97: {  	_ =	swait.ge [sflag:s22], $0x2400  }
0x98: {  	[sflag:s22] =	ssyncset.done $0x0  }
0x99: {  	s7 =	rddreg [dreg:$0x1c];
	[sflag:s22] =	ssyncadd.s32 $0xFFFFDC00  }
0x9a: {  	[tilespmem:s14], [sflag:$0x2] =	stream.indirect.gather [hbm4b:s6+s12], $0x48, s7, s12, $0xb8;
	[tilespmem:$0x155C0] =	vst v63  }
0x9b: {  	_ =	swait.ge [sflag:s23], $0x2400  }
0x9c: {  	[sflag:s23] =	ssyncset.done $0x0  }
0x9d: {  	s8 =	rddreg [dreg:$0x1d];
	[sflag:s23] =	ssyncadd.s32 $0xFFFFDC00  }
0x9e: {  	[tilespmem:s15], [sflag:$0x3] =	stream.indirect.gather [hbm4b:s6+s12], $0x48, s8, s12, $0xb8;
	[tilespmem:$0x155C0] =	vst v63  }
0x9f: {  	_ =	swait.ge [sflag:s24], $0x2400  }
0xa0: {  	[sflag:s24] =	ssyncset.done $0x0  }
0xa1: {  	s9 =	rddreg [dreg:$0x1e];
	[sflag:s24] =	ssyncadd.s32 $0xFFFFDC00  }
0xa2: {  	[tilespmem:s16], [sflag:$0x4] =	stream.indirect.gather [hbm4b:s6+s12], $0x48, s9, s12, $0xb8;
	[tilespmem:$0x155C0] =	vst v63  }
0xa3: {  	_ =	swait.ge [sflag:s17], $0x2400  }
0xa4: {  	[sflag:s17] =	ssyncset.done $0x0  }
0xa5: {  	s7 =	rddreg [dreg:$0x1f];
	[sflag:s17] =	ssyncadd.s32 $0xFFFFDC00  }
0xa6: {  	[spmem:s2] =	stream.indirect.scatter.add.f32 [tilespmem:s13], [sflag:$0x5], $0x48, s7, s12, $0xb8;
	[tilespmem:$0x155C0] =	vst v63  }
0xa7: {  	_ =	swait.ge [sflag:s18], $0x2400  }
0xa8: {  	s8 =	sld [smem:$0x7FA]  }
0xa9: {  	[sflag:s18] =	ssyncset.done $0x0  }
0xaa: {  	[sflag:s18] =	ssyncadd.s32 $0xFFFFDC00  }
0xab: {  	[spmem:s2] =	stream.indirect.scatter.add.f32 [tilespmem:s14], [sflag:$0x6], $0x48, s8, s12, $0xb8;
	[tilespmem:$0x155C0] =	vst v63  }
0xac: {  	_ =	swait.ge [sflag:s19], $0x2400  }
0xad: {  	s9 =	sld [smem:$0x7FB]  }
0xae: {  	[sflag:s19] =	ssyncset.done $0x0  }
0xaf: {  	[sflag:s19] =	ssyncadd.s32 $0xFFFFDC00  }
0xb0: {  	[spmem:s2] =	stream.indirect.scatter.add.f32 [tilespmem:s15], [sflag:$0x7], $0x48, s9, s12, $0xb8;
	[tilespmem:$0x155C0] =	vst v63  }
0xb1: {  	_ =	swait.ge [sflag:s20], $0x2400  }
0xb2: {  	[sflag:s20] =	ssyncset.done $0x0  }
0xb3: {  	[sflag:s20] =	ssyncadd.s32 $0xFFFFDC00  }
0xb4: {  	[spmem:s2] =	stream.indirect.scatter.add.f32 [tilespmem:s16], [sflag:$0x8], $0x48, s25, s12, $0xb8;
	[tilespmem:$0x155C0] =	vst v63  }
0xb5: {  	_ =	swait.ge [sflag:s21], $0x2400  }
0xb6: {  	[sflag:s21] =	ssyncset.done $0x0  }
0xb7: {  	[sflag:s21] =	ssyncadd.s32 $0xFFFFDC00  }
0xb8: {  	[tilespmem:s13], [sflag:$0x1] =	stream.indirect.gather [hbm4b:s6+s12], $0x48, s26, s12, $0xb8;
	[tilespmem:$0x155C0] =	vst v63  }
0xb9: {  	_ =	swait.ge [sflag:s22], $0x2400  }
0xba: {  	[sflag:s22] =	ssyncset.done $0x0  }
0xbb: {  	[sflag:s22] =	ssyncadd.s32 $0xFFFFDC00  }
0xbc: {  	[tilespmem:s14], [sflag:$0x2] =	stream.indirect.gather [hbm4b:s6+s12], $0x48, s28, s12, $0xb8;
	[tilespmem:$0x155C0] =	vst v63  }
0xbd: {  	_ =	swait.ge [sflag:s23], $0x2400  }
0xbe: {  	[sflag:s23] =	ssyncset.done $0x0  }
0xbf: {  	[sflag:s23] =	ssyncadd.s32 $0xFFFFDC00  }
0xc0: {  	[tilespmem:s15], [sflag:$0x3] =	stream.indirect.gather [hbm4b:s6+s12], $0x48, s29, s12, $0xb8;
	[tilespmem:$0x155C0] =	vst v63  }
0xc1: {  	_ =	swait.ge [sflag:s24], $0x2400  }
0xc2: {  	[sflag:s24] =	ssyncset.done $0x0  }
0xc3: {  	[sflag:s24] =	ssyncadd.s32 $0xFFFFDC00  }
0xc4: {  	[tilespmem:s16], [sflag:$0x4] =	stream.indirect.gather [hbm4b:s6+s12], $0x48, s30, s12, $0xb8;
	[tilespmem:$0x155C0] =	vst v63  }
0xc5: {  	_ =	swait.ge [sflag:s17], $0x2400  }
0xc6: {  	[sflag:s17] =	ssyncset.done $0x0  }
0xc7: {  	[sflag:s17] =	ssyncadd.s32 $0xFFFFDC00  }
0xc8: {  	[spmem:s2] =	stream.indirect.scatter.add.f32 [tilespmem:s13], [sflag:$0x5], $0x48, s31, s12, $0xb8;
	[tilespmem:$0x155C0] =	vst v63  }
0xc9: {  	_ =	swait.ge [sflag:s18], $0x2400  }
0xca: {  	[sflag:s18] =	ssyncset.done $0x0  }
0xcb: {  	[sflag:s18] =	ssyncadd.s32 $0xFFFFDC00  }
0xcc: {  	[spmem:s2] =	stream.indirect.scatter.add.f32 [tilespmem:s14], [sflag:$0x6], $0x48, s0, s12, $0xb8;
	[tilespmem:$0x155C0] =	vst v63  }
0xcd: {  	_ =	swait.ge [sflag:s19], $0x2400  }
0xce: {  	[sflag:s19] =	ssyncset.done $0x0  }
0xcf: {  	[sflag:s19] =	ssyncadd.s32 $0xFFFFDC00  }
0xd0: {  	[spmem:s2] =	stream.indirect.scatter.add.f32 [tilespmem:s15], [sflag:$0x7], $0x48, s1, s12, $0xb8;
	[tilespmem:$0x155C0] =	vst v63  }
0xd1: {  	_ =	swait.ge [sflag:s20], $0x2400  }
0xd2: {  	[sflag:s20] =	ssyncset.done $0x0  }
0xd3: {  	[sflag:s20] =	ssyncadd.s32 $0xFFFFDC00  }
0xd4: {  	[spmem:s2] =	stream.indirect.scatter.add.f32 [tilespmem:s16], [sflag:$0x8], $0x48, s4, s12, $0xb8;
	[tilespmem:$0x155C0] =	vst v63  }
0xd5: {  	_ =	swait.ge [sflag:s21], $0x2400  }
0xd6: {  	[sflag:s21] =	ssyncset.done $0x0  }
0xd7: {  	[sflag:s21] =	ssyncadd.s32 $0xFFFFDC00  }
0xd8: {  	_ =	swait.ge [sflag:s22], $0x2400  }
0xd9: {  	[sflag:s22] =	ssyncset.done $0x0  }
0xda: {  	[sflag:s22] =	ssyncadd.s32 $0xFFFFDC00  }
0xdb: {  	_ =	swait.ge [sflag:s23], $0x2400  }
0xdc: {  	[sflag:s23] =	ssyncset.done $0x0  }
0xdd: {  	[sflag:s23] =	ssyncadd.s32 $0xFFFFDC00  }
0xde: {  	s5 =	simm.s32 $0x280;
	_ =	swait.ge [sflag:s24], $0x2400  }
0xdf: {  	s8 =	simm.s32 $0x140;
	s9 =	rddreg [dreg:$0x5];
	[sflag:s24] =	ssyncset.done $0x0  }
.LBB2_2:
0xe0: {  	[sflag:s24] =	ssyncadd.s32 $0xFFFFDC00;
	s9 =	sadd.s32 s8, s9  }
0xe1: {  	[tilespmem:s3], [sflag:$0x9] =	stream.linear.gather [hbm4b:s9+s3], $0xA00, $0x38;
	[tilespmem:$0x155C0] =	vst v63  }
0xe2: {  	_ =	swait.ge [sflag:s10], $0xA00  }
0xe3: {  	s9 =	rddreg [dreg:$0x4];
	[sflag:s10] =	ssyncset.done $0x0  }
0xe4: {  	[sflag:s10] =	ssyncadd.s32 $0xFFFFF600;
	s9 =	sadd.s32 s8, s9  }
0xe5: {  	[tilespmem:s11], [sflag:$0x9] =	stream.linear.gather [hbm4b:s9+s3], $0xA00, $0x38;
	[tilespmem:$0x155C0] =	vst v63  }
0xe6: {  	_ =	swait.ge [sflag:s10], $0xA00  }
0xe7: {  	[sflag:s10] =	ssyncset.done $0x0  }
0xe8: {  	[sflag:s10] =	ssyncadd.s32 $0xFFFFF600  }
0xe9: {  	[tilespmem:s13], [sflag:$0x1] =	stream.indirect.gather [hbm4b:s6+s12], $0x48, s3, s12, $0xb8;
	[tilespmem:$0x155C0] =	vst v63  }
0xea: {  	s7 =	smov.u32 s5  }
0xeb: {  	[tilespmem:s14], [sflag:$0x2] =	stream.indirect.gather [hbm4b:s6+s12], $0x48, s12, s12, $0xb8;
	[tilespmem:$0x155C0] =	vst v63  }
0xec: {  	s8 =	smov.u32 s7;
	s7 =	rddreg [dreg:$0x6]  }
0xed: {  	[tilespmem:s15], [sflag:$0x3] =	stream.indirect.gather [hbm4b:s6+s12], $0x48, s7, s12, $0xb8;
	[tilespmem:$0x155C0] =	vst v63  }
0xee: {  	s9 =	rddreg [dreg:$0x7]  }
0xef: {  	[tilespmem:s16], [sflag:$0x4] =	stream.indirect.gather [hbm4b:s6+s12], $0x48, s9, s12, $0xb8;
	[tilespmem:$0x155C0] =	vst v63  }
0xf0: {  	_ =	swait.ge [sflag:s17], $0x2400  }
0xf1: {  	[sflag:s17] =	ssyncset.done $0x0  }
0xf2: {  	[sflag:s17] =	ssyncadd.s32 $0xFFFFDC00  }
0xf3: {  	[spmem:s2] =	stream.indirect.scatter.add.f32 [tilespmem:s13], [sflag:$0x5], $0x48, s11, s12, $0xb8;
	[tilespmem:$0x155C0] =	vst v63  }
0xf4: {  	_ =	swait.ge [sflag:s18], $0x2400  }
0xf5: {  	[sflag:s18] =	ssyncset.done $0x0  }
0xf6: {  	s9 =	rddreg [dreg:$0x8];
	[sflag:s18] =	ssyncadd.s32 $0xFFFFDC00  }
0xf7: {  	[spmem:s2] =	stream.indirect.scatter.add.f32 [tilespmem:s14], [sflag:$0x6], $0x48, s9, s12, $0xb8;
	[tilespmem:$0x155C0] =	vst v63  }
0xf8: {  	_ =	swait.ge [sflag:s19], $0x2400  }
0xf9: {  	[sflag:s19] =	ssyncset.done $0x0  }
0xfa: {  	s9 =	rddreg [dreg:$0x9];
	[sflag:s19] =	ssyncadd.s32 $0xFFFFDC00  }
0xfb: {  	[spmem:s2] =	stream.indirect.scatter.add.f32 [tilespmem:s15], [sflag:$0x7], $0x48, s9, s12, $0xb8;
	[tilespmem:$0x155C0] =	vst v63  }
0xfc: {  	_ =	swait.ge [sflag:s20], $0x2400  }
0xfd: {  	[sflag:s20] =	ssyncset.done $0x0  }
0xfe: {  	s9 =	rddreg [dreg:$0xa];
	[sflag:s20] =	ssyncadd.s32 $0xFFFFDC00  }
0xff: {  	[spmem:s2] =	stream.indirect.scatter.add.f32 [tilespmem:s16], [sflag:$0x8], $0x48, s9, s12, $0xb8;
	[tilespmem:$0x155C0] =	vst v63  }
0x100: {  	_ =	swait.ge [sflag:s21], $0x2400  }
0x101: {  	[sflag:s21] =	ssyncset.done $0x0  }
0x102: {  	s9 =	rddreg [dreg:$0xb];
	[sflag:s21] =	ssyncadd.s32 $0xFFFFDC00  }
0x103: {  	[tilespmem:s13], [sflag:$0x1] =	stream.indirect.gather [hbm4b:s6+s12], $0x48, s9, s12, $0xb8;
	[tilespmem:$0x155C0] =	vst v63  }
0x104: {  	_ =	swait.ge [sflag:s22], $0x2400  }
0x105: {  	[sflag:s22] =	ssyncset.done $0x0  }
0x106: {  	s9 =	rddreg [dreg:$0xc];
	[sflag:s22] =	ssyncadd.s32 $0xFFFFDC00  }
0x107: {  	[tilespmem:s14], [sflag:$0x2] =	stream.indirect.gather [hbm4b:s6+s12], $0x48, s9, s12, $0xb8;
	[tilespmem:$0x155C0] =	vst v63  }
0x108: {  	_ =	swait.ge [sflag:s23], $0x2400  }
0x109: {  	[sflag:s23] =	ssyncset.done $0x0  }
0x10a: {  	s9 =	rddreg [dreg:$0xd];
	[sflag:s23] =	ssyncadd.s32 $0xFFFFDC00  }
0x10b: {  	[tilespmem:s15], [sflag:$0x3] =	stream.indirect.gather [hbm4b:s6+s12], $0x48, s9, s12, $0xb8;
	[tilespmem:$0x155C0] =	vst v63  }
0x10c: {  	_ =	swait.ge [sflag:s24], $0x2400  }
0x10d: {  	[sflag:s24] =	ssyncset.done $0x0  }
0x10e: {  	s9 =	rddreg [dreg:$0xe];
	[sflag:s24] =	ssyncadd.s32 $0xFFFFDC00  }
0x10f: {  	[tilespmem:s16], [sflag:$0x4] =	stream.indirect.gather [hbm4b:s6+s12], $0x48, s9, s12, $0xb8;
	[tilespmem:$0x155C0] =	vst v63  }
0x110: {  	_ =	swait.ge [sflag:s17], $0x2400  }
0x111: {  	[sflag:s17] =	ssyncset.done $0x0  }
0x112: {  	s9 =	rddreg [dreg:$0xf];
	[sflag:s17] =	ssyncadd.s32 $0xFFFFDC00  }
0x113: {  	[spmem:s2] =	stream.indirect.scatter.add.f32 [tilespmem:s13], [sflag:$0x5], $0x48, s9, s12, $0xb8;
	[tilespmem:$0x155C0] =	vst v63  }
0x114: {  	_ =	swait.ge [sflag:s18], $0x2400  }
0x115: {  	[sflag:s18] =	ssyncset.done $0x0  }
0x116: {  	s9 =	rddreg [dreg:$0x10];
	[sflag:s18] =	ssyncadd.s32 $0xFFFFDC00  }
0x117: {  	[spmem:s2] =	stream.indirect.scatter.add.f32 [tilespmem:s14], [sflag:$0x6], $0x48, s9, s12, $0xb8;
	[tilespmem:$0x155C0] =	vst v63  }
0x118: {  	_ =	swait.ge [sflag:s19], $0x2400  }
0x119: {  	[sflag:s19] =	ssyncset.done $0x0  }
0x11a: {  	s9 =	rddreg [dreg:$0x11];
	[sflag:s19] =	ssyncadd.s32 $0xFFFFDC00  }
0x11b: {  	[spmem:s2] =	stream.indirect.scatter.add.f32 [tilespmem:s15], [sflag:$0x7], $0x48, s9, s12, $0xb8;
	[tilespmem:$0x155C0] =	vst v63  }
0x11c: {  	_ =	swait.ge [sflag:s20], $0x2400  }
0x11d: {  	[sflag:s20] =	ssyncset.done $0x0  }
0x11e: {  	s9 =	rddreg [dreg:$0x12];
	[sflag:s20] =	ssyncadd.s32 $0xFFFFDC00  }
0x11f: {  	[spmem:s2] =	stream.indirect.scatter.add.f32 [tilespmem:s16], [sflag:$0x8], $0x48, s9, s12, $0xb8;
	[tilespmem:$0x155C0] =	vst v63  }
0x120: {  	_ =	swait.ge [sflag:s21], $0x2400  }
0x121: {  	[sflag:s21] =	ssyncset.done $0x0  }
0x122: {  	s9 =	rddreg [dreg:$0x13];
	[sflag:s21] =	ssyncadd.s32 $0xFFFFDC00  }
0x123: {  	[tilespmem:s13], [sflag:$0x1] =	stream.indirect.gather [hbm4b:s6+s12], $0x48, s9, s12, $0xb8;
	[tilespmem:$0x155C0] =	vst v63  }
0x124: {  	_ =	swait.ge [sflag:s22], $0x2400  }
0x125: {  	[sflag:s22] =	ssyncset.done $0x0  }
0x126: {  	s9 =	rddreg [dreg:$0x14];
	[sflag:s22] =	ssyncadd.s32 $0xFFFFDC00  }
0x127: {  	[tilespmem:s14], [sflag:$0x2] =	stream.indirect.gather [hbm4b:s6+s12], $0x48, s9, s12, $0xb8;
	[tilespmem:$0x155C0] =	vst v63  }
0x128: {  	_ =	swait.ge [sflag:s23], $0x2400  }
0x129: {  	[sflag:s23] =	ssyncset.done $0x0  }
0x12a: {  	s9 =	rddreg [dreg:$0x15];
	[sflag:s23] =	ssyncadd.s32 $0xFFFFDC00  }
0x12b: {  	[tilespmem:s15], [sflag:$0x3] =	stream.indirect.gather [hbm4b:s6+s12], $0x48, s9, s12, $0xb8;
	[tilespmem:$0x155C0] =	vst v63  }
0x12c: {  	_ =	swait.ge [sflag:s24], $0x2400  }
0x12d: {  	[sflag:s24] =	ssyncset.done $0x0  }
0x12e: {  	s9 =	rddreg [dreg:$0x16];
	[sflag:s24] =	ssyncadd.s32 $0xFFFFDC00  }
0x12f: {  	[tilespmem:s16], [sflag:$0x4] =	stream.indirect.gather [hbm4b:s6+s12], $0x48, s9, s12, $0xb8;
	[tilespmem:$0x155C0] =	vst v63  }
0x130: {  	_ =	swait.ge [sflag:s17], $0x2400  }
0x131: {  	[sflag:s17] =	ssyncset.done $0x0  }
0x132: {  	s9 =	rddreg [dreg:$0x17];
	[sflag:s17] =	ssyncadd.s32 $0xFFFFDC00  }
0x133: {  	[spmem:s2] =	stream.indirect.scatter.add.f32 [tilespmem:s13], [sflag:$0x5], $0x48, s9, s12, $0xb8;
	[tilespmem:$0x155C0] =	vst v63  }
0x134: {  	_ =	swait.ge [sflag:s18], $0x2400  }
0x135: {  	[sflag:s18] =	ssyncset.done $0x0  }
0x136: {  	s9 =	rddreg [dreg:$0x18];
	[sflag:s18] =	ssyncadd.s32 $0xFFFFDC00  }
0x137: {  	[spmem:s2] =	stream.indirect.scatter.add.f32 [tilespmem:s14], [sflag:$0x6], $0x48, s9, s12, $0xb8;
	[tilespmem:$0x155C0] =	vst v63  }
0x138: {  	_ =	swait.ge [sflag:s19], $0x2400  }
0x139: {  	[sflag:s19] =	ssyncset.done $0x0  }
0x13a: {  	s9 =	rddreg [dreg:$0x19];
	[sflag:s19] =	ssyncadd.s32 $0xFFFFDC00  }
0x13b: {  	[spmem:s2] =	stream.indirect.scatter.add.f32 [tilespmem:s15], [sflag:$0x7], $0x48, s9, s12, $0xb8;
	[tilespmem:$0x155C0] =	vst v63  }
0x13c: {  	_ =	swait.ge [sflag:s20], $0x2400  }
0x13d: {  	[sflag:s20] =	ssyncset.done $0x0  }
0x13e: {  	s9 =	rddreg [dreg:$0x1a];
	[sflag:s20] =	ssyncadd.s32 $0xFFFFDC00  }
0x13f: {  	[spmem:s2] =	stream.indirect.scatter.add.f32 [tilespmem:s16], [sflag:$0x8], $0x48, s9, s12, $0xb8;
	[tilespmem:$0x155C0] =	vst v63  }
0x140: {  	_ =	swait.ge [sflag:s21], $0x2400  }
0x141: {  	[sflag:s21] =	ssyncset.done $0x0  }
0x142: {  	s9 =	rddreg [dreg:$0x1b];
	[sflag:s21] =	ssyncadd.s32 $0xFFFFDC00  }
0x143: {  	[tilespmem:s13], [sflag:$0x1] =	stream.indirect.gather [hbm4b:s6+s12], $0x48, s9, s12, $0xb8;
	[tilespmem:$0x155C0] =	vst v63  }
0x144: {  	_ =	swait.ge [sflag:s22], $0x2400  }
0x145: {  	[sflag:s22] =	ssyncset.done $0x0  }
0x146: {  	s9 =	rddreg [dreg:$0x1c];
	[sflag:s22] =	ssyncadd.s32 $0xFFFFDC00  }
0x147: {  	[tilespmem:s14], [sflag:$0x2] =	stream.indirect.gather [hbm4b:s6+s12], $0x48, s9, s12, $0xb8;
	[tilespmem:$0x155C0] =	vst v63  }
0x148: {  	_ =	swait.ge [sflag:s23], $0x2400  }
0x149: {  	[sflag:s23] =	ssyncset.done $0x0  }
0x14a: {  	s9 =	rddreg [dreg:$0x1d];
	[sflag:s23] =	ssyncadd.s32 $0xFFFFDC00  }
0x14b: {  	[tilespmem:s15], [sflag:$0x3] =	stream.indirect.gather [hbm4b:s6+s12], $0x48, s9, s12, $0xb8;
	[tilespmem:$0x155C0] =	vst v63  }
0x14c: {  	_ =	swait.ge [sflag:s24], $0x2400  }
0x14d: {  	[sflag:s24] =	ssyncset.done $0x0  }
0x14e: {  	s9 =	rddreg [dreg:$0x1e];
	[sflag:s24] =	ssyncadd.s32 $0xFFFFDC00  }
0x14f: {  	[tilespmem:s16], [sflag:$0x4] =	stream.indirect.gather [hbm4b:s6+s12], $0x48, s9, s12, $0xb8;
	[tilespmem:$0x155C0] =	vst v63  }
0x150: {  	_ =	swait.ge [sflag:s17], $0x2400  }
0x151: {  	[sflag:s17] =	ssyncset.done $0x0  }
0x152: {  	s9 =	rddreg [dreg:$0x1f];
	[sflag:s17] =	ssyncadd.s32 $0xFFFFDC00  }
0x153: {  	[spmem:s2] =	stream.indirect.scatter.add.f32 [tilespmem:s13], [sflag:$0x5], $0x48, s9, s12, $0xb8;
	[tilespmem:$0x155C0] =	vst v63  }
0x154: {  	_ =	swait.ge [sflag:s18], $0x2400  }
0x155: {  	s9 =	sld [smem:$0x7FA]  }
0x156: {  	[sflag:s18] =	ssyncset.done $0x0  }
0x157: {  	[sflag:s18] =	ssyncadd.s32 $0xFFFFDC00  }
0x158: {  	[spmem:s2] =	stream.indirect.scatter.add.f32 [tilespmem:s14], [sflag:$0x6], $0x48, s9, s12, $0xb8;
	[tilespmem:$0x155C0] =	vst v63  }
0x159: {  	_ =	swait.ge [sflag:s19], $0x2400  }
0x15a: {  	s9 =	sld [smem:$0x7FB]  }
0x15b: {  	[sflag:s19] =	ssyncset.done $0x0  }
0x15c: {  	[sflag:s19] =	ssyncadd.s32 $0xFFFFDC00  }
0x15d: {  	[spmem:s2] =	stream.indirect.scatter.add.f32 [tilespmem:s15], [sflag:$0x7], $0x48, s9, s12, $0xb8;
	[tilespmem:$0x155C0] =	vst v63  }
0x15e: {  	_ =	swait.ge [sflag:s20], $0x2400  }
0x15f: {  	[sflag:s20] =	ssyncset.done $0x0  }
0x160: {  	[sflag:s20] =	ssyncadd.s32 $0xFFFFDC00  }
0x161: {  	[spmem:s2] =	stream.indirect.scatter.add.f32 [tilespmem:s16], [sflag:$0x8], $0x48, s25, s12, $0xb8;
	[tilespmem:$0x155C0] =	vst v63  }
0x162: {  	_ =	swait.ge [sflag:s21], $0x2400  }
0x163: {  	[sflag:s21] =	ssyncset.done $0x0  }
0x164: {  	[sflag:s21] =	ssyncadd.s32 $0xFFFFDC00  }
0x165: {  	[tilespmem:s13], [sflag:$0x1] =	stream.indirect.gather [hbm4b:s6+s12], $0x48, s26, s12, $0xb8;
	[tilespmem:$0x155C0] =	vst v63  }
0x166: {  	_ =	swait.ge [sflag:s22], $0x2400  }
0x167: {  	[sflag:s22] =	ssyncset.done $0x0  }
0x168: {  	[sflag:s22] =	ssyncadd.s32 $0xFFFFDC00  }
0x169: {  	[tilespmem:s14], [sflag:$0x2] =	stream.indirect.gather [hbm4b:s6+s12], $0x48, s28, s12, $0xb8;
	[tilespmem:$0x155C0] =	vst v63  }
0x16a: {  	_ =	swait.ge [sflag:s23], $0x2400  }
0x16b: {  	[sflag:s23] =	ssyncset.done $0x0  }
0x16c: {  	[sflag:s23] =	ssyncadd.s32 $0xFFFFDC00  }
0x16d: {  	[tilespmem:s15], [sflag:$0x3] =	stream.indirect.gather [hbm4b:s6+s12], $0x48, s29, s12, $0xb8;
	[tilespmem:$0x155C0] =	vst v63  }
0x16e: {  	_ =	swait.ge [sflag:s24], $0x2400  }
0x16f: {  	[sflag:s24] =	ssyncset.done $0x0  }
0x170: {  	[sflag:s24] =	ssyncadd.s32 $0xFFFFDC00  }
0x171: {  	[tilespmem:s16], [sflag:$0x4] =	stream.indirect.gather [hbm4b:s6+s12], $0x48, s30, s12, $0xb8;
	[tilespmem:$0x155C0] =	vst v63  }
0x172: {  	_ =	swait.ge [sflag:s17], $0x2400  }
0x173: {  	[sflag:s17] =	ssyncset.done $0x0  }
0x174: {  	[sflag:s17] =	ssyncadd.s32 $0xFFFFDC00  }
0x175: {  	[spmem:s2] =	stream.indirect.scatter.add.f32 [tilespmem:s13], [sflag:$0x5], $0x48, s31, s12, $0xb8;
	[tilespmem:$0x155C0] =	vst v63  }
0x176: {  	_ =	swait.ge [sflag:s18], $0x2400  }
0x177: {  	[sflag:s18] =	ssyncset.done $0x0  }
0x178: {  	[sflag:s18] =	ssyncadd.s32 $0xFFFFDC00  }
0x179: {  	[spmem:s2] =	stream.indirect.scatter.add.f32 [tilespmem:s14], [sflag:$0x6], $0x48, s0, s12, $0xb8;
	[tilespmem:$0x155C0] =	vst v63  }
0x17a: {  	_ =	swait.ge [sflag:s19], $0x2400  }
0x17b: {  	[sflag:s19] =	ssyncset.done $0x0  }
0x17c: {  	[sflag:s19] =	ssyncadd.s32 $0xFFFFDC00  }
0x17d: {  	[spmem:s2] =	stream.indirect.scatter.add.f32 [tilespmem:s15], [sflag:$0x7], $0x48, s1, s12, $0xb8;
	[tilespmem:$0x155C0] =	vst v63  }
0x17e: {  	_ =	swait.ge [sflag:s20], $0x2400  }
0x17f: {  	[sflag:s20] =	ssyncset.done $0x0  }
0x180: {  	[sflag:s20] =	ssyncadd.s32 $0xFFFFDC00  }
0x181: {  	[spmem:s2] =	stream.indirect.scatter.add.f32 [tilespmem:s16], [sflag:$0x8], $0x48, s4, s12, $0xb8;
	[tilespmem:$0x155C0] =	vst v63  }
0x182: {  	_ =	swait.ge [sflag:s21], $0x2400  }
0x183: {  	[sflag:s21] =	ssyncset.done $0x0  }
0x184: {  	[sflag:s21] =	ssyncadd.s32 $0xFFFFDC00  }
0x185: {  	_ =	swait.ge [sflag:s22], $0x2400  }
0x186: {  	[sflag:s22] =	ssyncset.done $0x0  }
0x187: {  	p0 =	sne.s32 s5, $0x8C0;
	[sflag:s22] =	ssyncadd.s32 $0xFFFFDC00  }
.Ltmp0:
0x188: {  	_ =	swait.ge [sflag:s23], $0x2400;
	(pc) =	sbr.rel @p0 .LBB2_2-.Ltmp0, $4  }
0x189: {  	[sflag:s23] =	ssyncset.done $0x0  }
0x18a: {  	[sflag:s23] =	ssyncadd.s32 $0xFFFFDC00  }
0x18b: {  	_ =	swait.ge [sflag:s24], $0x2400  }
0x18c: {  	s5 =	sadd.s32 $0x140, s5;
	s9 =	rddreg [dreg:$0x5];
	[sflag:s24] =	ssyncset.done $0x0  }
0x18d: {  	[sflag:s24] =	ssyncadd.s32 $0xFFFFDC00;
	s5 =	sadd.s32 s8, s9  }
0x18e: {  	[tilespmem:s3], [sflag:$0x9] =	stream.linear.gather [hbm4b:s5+s3], $0xA00, $0x38;
	[tilespmem:$0x155C0] =	vst v63  }
0x18f: {  	_ =	swait.ge [sflag:s10], $0xA00  }
0x190: {  	s7 =	rddreg [dreg:$0x4];
	[sflag:s10] =	ssyncset.done $0x0  }
0x191: {  	[sflag:s10] =	ssyncadd.s32 $0xFFFFF600;
	s5 =	sadd.s32 s8, s7  }
0x192: {  	[tilespmem:s11], [sflag:$0x9] =	stream.linear.gather [hbm4b:s5+s3], $0xA00, $0x38;
	[tilespmem:$0x155C0] =	vst v63  }
0x193: {  	_ =	swait.ge [sflag:s10], $0xA00  }
0x194: {  	[sflag:s10] =	ssyncset.done $0x0  }
0x195: {  	[sflag:s10] =	ssyncadd.s32 $0xFFFFF600  }
0x196: {  	[tilespmem:s13], [sflag:$0x1] =	stream.indirect.gather [hbm4b:s6+s12], $0x48, s3, s12, $0xb8;
	[tilespmem:$0x155C0] =	vst v63  }
0x197: {  	_ = 	snop  }
0x198: {  	[tilespmem:s14], [sflag:$0x2] =	stream.indirect.gather [hbm4b:s6+s12], $0x48, s12, s12, $0xb8;
	[tilespmem:$0x155C0] =	vst v63  }
0x199: {  	s9 =	rddreg [dreg:$0x6]  }
0x19a: {  	[tilespmem:s15], [sflag:$0x3] =	stream.indirect.gather [hbm4b:s6+s12], $0x48, s9, s12, $0xb8;
	[tilespmem:$0x155C0] =	vst v63  }
0x19b: {  	s7 =	rddreg [dreg:$0x7]  }
0x19c: {  	[tilespmem:s16], [sflag:$0x4] =	stream.indirect.gather [hbm4b:s6+s12], $0x48, s7, s12, $0xb8;
	[tilespmem:$0x155C0] =	vst v63  }
0x19d: {  	_ =	swait.ge [sflag:s17], $0x2400  }
0x19e: {  	[sflag:s17] =	ssyncset.done $0x0  }
0x19f: {  	[sflag:s17] =	ssyncadd.s32 $0xFFFFDC00  }
0x1a0: {  	[spmem:s2] =	stream.indirect.scatter.add.f32 [tilespmem:s13], [sflag:$0x5], $0x48, s11, s12, $0xb8;
	[tilespmem:$0x155C0] =	vst v63  }
0x1a1: {  	_ =	swait.ge [sflag:s18], $0x2400  }
0x1a2: {  	[sflag:s18] =	ssyncset.done $0x0  }
0x1a3: {  	s7 =	rddreg [dreg:$0x8];
	[sflag:s18] =	ssyncadd.s32 $0xFFFFDC00  }
0x1a4: {  	[spmem:s2] =	stream.indirect.scatter.add.f32 [tilespmem:s14], [sflag:$0x6], $0x48, s7, s12, $0xb8;
	[tilespmem:$0x155C0] =	vst v63  }
0x1a5: {  	_ =	swait.ge [sflag:s19], $0x2400  }
0x1a6: {  	[sflag:s19] =	ssyncset.done $0x0  }
0x1a7: {  	s8 =	rddreg [dreg:$0x9];
	[sflag:s19] =	ssyncadd.s32 $0xFFFFDC00  }
0x1a8: {  	[spmem:s2] =	stream.indirect.scatter.add.f32 [tilespmem:s15], [sflag:$0x7], $0x48, s8, s12, $0xb8;
	[tilespmem:$0x155C0] =	vst v63  }
0x1a9: {  	_ =	swait.ge [sflag:s20], $0x2400  }
0x1aa: {  	[sflag:s20] =	ssyncset.done $0x0  }
0x1ab: {  	s9 =	rddreg [dreg:$0xa];
	[sflag:s20] =	ssyncadd.s32 $0xFFFFDC00  }
0x1ac: {  	[spmem:s2] =	stream.indirect.scatter.add.f32 [tilespmem:s16], [sflag:$0x8], $0x48, s9, s12, $0xb8;
	[tilespmem:$0x155C0] =	vst v63  }
0x1ad: {  	_ =	swait.ge [sflag:s21], $0x2400  }
0x1ae: {  	[sflag:s21] =	ssyncset.done $0x0  }
0x1af: {  	s7 =	rddreg [dreg:$0xb];
	[sflag:s21] =	ssyncadd.s32 $0xFFFFDC00  }
0x1b0: {  	[tilespmem:s13], [sflag:$0x1] =	stream.indirect.gather [hbm4b:s6+s12], $0x48, s7, s12, $0xb8;
	[tilespmem:$0x155C0] =	vst v63  }
0x1b1: {  	_ =	swait.ge [sflag:s22], $0x2400  }
0x1b2: {  	[sflag:s22] =	ssyncset.done $0x0  }
0x1b3: {  	s8 =	rddreg [dreg:$0xc];
	[sflag:s22] =	ssyncadd.s32 $0xFFFFDC00  }
0x1b4: {  	[tilespmem:s14], [sflag:$0x2] =	stream.indirect.gather [hbm4b:s6+s12], $0x48, s8, s12, $0xb8;
	[tilespmem:$0x155C0] =	vst v63  }
0x1b5: {  	_ =	swait.ge [sflag:s23], $0x2400  }
0x1b6: {  	[sflag:s23] =	ssyncset.done $0x0  }
0x1b7: {  	s9 =	rddreg [dreg:$0xd];
	[sflag:s23] =	ssyncadd.s32 $0xFFFFDC00  }
0x1b8: {  	[tilespmem:s15], [sflag:$0x3] =	stream.indirect.gather [hbm4b:s6+s12], $0x48, s9, s12, $0xb8;
	[tilespmem:$0x155C0] =	vst v63  }
0x1b9: {  	_ =	swait.ge [sflag:s24], $0x2400  }
0x1ba: {  	[sflag:s24] =	ssyncset.done $0x0  }
0x1bb: {  	s7 =	rddreg [dreg:$0xe];
	[sflag:s24] =	ssyncadd.s32 $0xFFFFDC00  }
0x1bc: {  	[tilespmem:s16], [sflag:$0x4] =	stream.indirect.gather [hbm4b:s6+s12], $0x48, s7, s12, $0xb8;
	[tilespmem:$0x155C0] =	vst v63  }
0x1bd: {  	_ =	swait.ge [sflag:s17], $0x2400  }
0x1be: {  	[sflag:s17] =	ssyncset.done $0x0  }
0x1bf: {  	s8 =	rddreg [dreg:$0xf];
	[sflag:s17] =	ssyncadd.s32 $0xFFFFDC00  }
0x1c0: {  	[spmem:s2] =	stream.indirect.scatter.add.f32 [tilespmem:s13], [sflag:$0x5], $0x48, s8, s12, $0xb8;
	[tilespmem:$0x155C0] =	vst v63  }
0x1c1: {  	_ =	swait.ge [sflag:s18], $0x2400  }
0x1c2: {  	[sflag:s18] =	ssyncset.done $0x0  }
0x1c3: {  	s9 =	rddreg [dreg:$0x10];
	[sflag:s18] =	ssyncadd.s32 $0xFFFFDC00  }
0x1c4: {  	[spmem:s2] =	stream.indirect.scatter.add.f32 [tilespmem:s14], [sflag:$0x6], $0x48, s9, s12, $0xb8;
	[tilespmem:$0x155C0] =	vst v63  }
0x1c5: {  	_ =	swait.ge [sflag:s19], $0x2400  }
0x1c6: {  	[sflag:s19] =	ssyncset.done $0x0  }
0x1c7: {  	s7 =	rddreg [dreg:$0x11];
	[sflag:s19] =	ssyncadd.s32 $0xFFFFDC00  }
0x1c8: {  	[spmem:s2] =	stream.indirect.scatter.add.f32 [tilespmem:s15], [sflag:$0x7], $0x48, s7, s12, $0xb8;
	[tilespmem:$0x155C0] =	vst v63  }
0x1c9: {  	_ =	swait.ge [sflag:s20], $0x2400  }
0x1ca: {  	[sflag:s20] =	ssyncset.done $0x0  }
0x1cb: {  	s8 =	rddreg [dreg:$0x12];
	[sflag:s20] =	ssyncadd.s32 $0xFFFFDC00  }
0x1cc: {  	[spmem:s2] =	stream.indirect.scatter.add.f32 [tilespmem:s16], [sflag:$0x8], $0x48, s8, s12, $0xb8;
	[tilespmem:$0x155C0] =	vst v63  }
0x1cd: {  	_ =	swait.ge [sflag:s21], $0x2400  }
0x1ce: {  	[sflag:s21] =	ssyncset.done $0x0  }
0x1cf: {  	s9 =	rddreg [dreg:$0x13];
	[sflag:s21] =	ssyncadd.s32 $0xFFFFDC00  }
0x1d0: {  	[tilespmem:s13], [sflag:$0x1] =	stream.indirect.gather [hbm4b:s6+s12], $0x48, s9, s12, $0xb8;
	[tilespmem:$0x155C0] =	vst v63  }
0x1d1: {  	_ =	swait.ge [sflag:s22], $0x2400  }
0x1d2: {  	[sflag:s22] =	ssyncset.done $0x0  }
0x1d3: {  	s7 =	rddreg [dreg:$0x14];
	[sflag:s22] =	ssyncadd.s32 $0xFFFFDC00  }
0x1d4: {  	[tilespmem:s14], [sflag:$0x2] =	stream.indirect.gather [hbm4b:s6+s12], $0x48, s7, s12, $0xb8;
	[tilespmem:$0x155C0] =	vst v63  }
0x1d5: {  	_ =	swait.ge [sflag:s23], $0x2400  }
0x1d6: {  	[sflag:s23] =	ssyncset.done $0x0  }
0x1d7: {  	s8 =	rddreg [dreg:$0x15];
	[sflag:s23] =	ssyncadd.s32 $0xFFFFDC00  }
0x1d8: {  	[tilespmem:s15], [sflag:$0x3] =	stream.indirect.gather [hbm4b:s6+s12], $0x48, s8, s12, $0xb8;
	[tilespmem:$0x155C0] =	vst v63  }
0x1d9: {  	_ =	swait.ge [sflag:s24], $0x2400  }
0x1da: {  	[sflag:s24] =	ssyncset.done $0x0  }
0x1db: {  	s9 =	rddreg [dreg:$0x16];
	[sflag:s24] =	ssyncadd.s32 $0xFFFFDC00  }
0x1dc: {  	[tilespmem:s16], [sflag:$0x4] =	stream.indirect.gather [hbm4b:s6+s12], $0x48, s9, s12, $0xb8;
	[tilespmem:$0x155C0] =	vst v63  }
0x1dd: {  	_ =	swait.ge [sflag:s17], $0x2400  }
0x1de: {  	[sflag:s17] =	ssyncset.done $0x0  }
0x1df: {  	s7 =	rddreg [dreg:$0x17];
	[sflag:s17] =	ssyncadd.s32 $0xFFFFDC00  }
0x1e0: {  	[spmem:s2] =	stream.indirect.scatter.add.f32 [tilespmem:s13], [sflag:$0x5], $0x48, s7, s12, $0xb8;
	[tilespmem:$0x155C0] =	vst v63  }
0x1e1: {  	_ =	swait.ge [sflag:s18], $0x2400  }
0x1e2: {  	[sflag:s18] =	ssyncset.done $0x0  }
0x1e3: {  	s8 =	rddreg [dreg:$0x18];
	[sflag:s18] =	ssyncadd.s32 $0xFFFFDC00  }
0x1e4: {  	[spmem:s2] =	stream.indirect.scatter.add.f32 [tilespmem:s14], [sflag:$0x6], $0x48, s8, s12, $0xb8;
	[tilespmem:$0x155C0] =	vst v63  }
0x1e5: {  	_ =	swait.ge [sflag:s19], $0x2400  }
0x1e6: {  	[sflag:s19] =	ssyncset.done $0x0  }
0x1e7: {  	s9 =	rddreg [dreg:$0x19];
	[sflag:s19] =	ssyncadd.s32 $0xFFFFDC00  }
0x1e8: {  	[spmem:s2] =	stream.indirect.scatter.add.f32 [tilespmem:s15], [sflag:$0x7], $0x48, s9, s12, $0xb8;
	[tilespmem:$0x155C0] =	vst v63  }
0x1e9: {  	_ =	swait.ge [sflag:s20], $0x2400  }
0x1ea: {  	[sflag:s20] =	ssyncset.done $0x0  }
0x1eb: {  	s7 =	rddreg [dreg:$0x1a];
	[sflag:s20] =	ssyncadd.s32 $0xFFFFDC00  }
0x1ec: {  	[spmem:s2] =	stream.indirect.scatter.add.f32 [tilespmem:s16], [sflag:$0x8], $0x48, s7, s12, $0xb8;
	[tilespmem:$0x155C0] =	vst v63  }
0x1ed: {  	_ =	swait.ge [sflag:s21], $0x2400  }
0x1ee: {  	[sflag:s21] =	ssyncset.done $0x0  }
0x1ef: {  	s8 =	rddreg [dreg:$0x1b];
	[sflag:s21] =	ssyncadd.s32 $0xFFFFDC00  }
0x1f0: {  	[tilespmem:s13], [sflag:$0x1] =	stream.indirect.gather [hbm4b:s6+s12], $0x48, s8, s12, $0xb8;
	[tilespmem:$0x155C0] =	vst v63  }
0x1f1: {  	_ =	swait.ge [sflag:s22], $0x2400  }
0x1f2: {  	[sflag:s22] =	ssyncset.done $0x0  }
0x1f3: {  	s9 =	rddreg [dreg:$0x1c];
	[sflag:s22] =	ssyncadd.s32 $0xFFFFDC00  }
0x1f4: {  	[tilespmem:s14], [sflag:$0x2] =	stream.indirect.gather [hbm4b:s6+s12], $0x48, s9, s12, $0xb8;
	[tilespmem:$0x155C0] =	vst v63  }
0x1f5: {  	_ =	swait.ge [sflag:s23], $0x2400  }
0x1f6: {  	[sflag:s23] =	ssyncset.done $0x0  }
0x1f7: {  	s7 =	rddreg [dreg:$0x1d];
	[sflag:s23] =	ssyncadd.s32 $0xFFFFDC00  }
0x1f8: {  	[tilespmem:s15], [sflag:$0x3] =	stream.indirect.gather [hbm4b:s6+s12], $0x48, s7, s12, $0xb8;
	[tilespmem:$0x155C0] =	vst v63  }
0x1f9: {  	_ =	swait.ge [sflag:s24], $0x2400  }
0x1fa: {  	[sflag:s24] =	ssyncset.done $0x0  }
0x1fb: {  	s8 =	rddreg [dreg:$0x1e];
	[sflag:s24] =	ssyncadd.s32 $0xFFFFDC00  }
0x1fc: {  	[tilespmem:s16], [sflag:$0x4] =	stream.indirect.gather [hbm4b:s6+s12], $0x48, s8, s12, $0xb8;
	[tilespmem:$0x155C0] =	vst v63  }
0x1fd: {  	_ =	swait.ge [sflag:s17], $0x2400  }
0x1fe: {  	[sflag:s17] =	ssyncset.done $0x0  }
0x1ff: {  	s9 =	rddreg [dreg:$0x1f];
	[sflag:s17] =	ssyncadd.s32 $0xFFFFDC00  }
0x200: {  	[spmem:s2] =	stream.indirect.scatter.add.f32 [tilespmem:s13], [sflag:$0x5], $0x48, s9, s12, $0xb8;
	[tilespmem:$0x155C0] =	vst v63  }
0x201: {  	_ =	swait.ge [sflag:s18], $0x2400  }
0x202: {  	s7 =	sld [smem:$0x7FA]  }
0x203: {  	[sflag:s18] =	ssyncset.done $0x0  }
0x204: {  	[sflag:s18] =	ssyncadd.s32 $0xFFFFDC00  }
0x205: {  	[spmem:s2] =	stream.indirect.scatter.add.f32 [tilespmem:s14], [sflag:$0x6], $0x48, s7, s12, $0xb8;
	[tilespmem:$0x155C0] =	vst v63  }
0x206: {  	_ =	swait.ge [sflag:s19], $0x2400  }
0x207: {  	s8 =	sld [smem:$0x7FB]  }
0x208: {  	[sflag:s19] =	ssyncset.done $0x0  }
0x209: {  	[sflag:s19] =	ssyncadd.s32 $0xFFFFDC00  }
0x20a: {  	[spmem:s2] =	stream.indirect.scatter.add.f32 [tilespmem:s15], [sflag:$0x7], $0x48, s8, s12, $0xb8;
	[tilespmem:$0x155C0] =	vst v63  }
0x20b: {  	_ =	swait.ge [sflag:s20], $0x2400  }
0x20c: {  	[sflag:s20] =	ssyncset.done $0x0  }
0x20d: {  	[sflag:s20] =	ssyncadd.s32 $0xFFFFDC00  }
0x20e: {  	[spmem:s2] =	stream.indirect.scatter.add.f32 [tilespmem:s16], [sflag:$0x8], $0x48, s25, s12, $0xb8;
	[tilespmem:$0x155C0] =	vst v63  }
0x20f: {  	_ =	swait.ge [sflag:s21], $0x2400  }
0x210: {  	[sflag:s21] =	ssyncset.done $0x0  }
0x211: {  	[sflag:s21] =	ssyncadd.s32 $0xFFFFDC00  }
0x212: {  	[tilespmem:s13], [sflag:$0x1] =	stream.indirect.gather [hbm4b:s6+s12], $0x48, s26, s12, $0xb8;
	[tilespmem:$0x155C0] =	vst v63  }
0x213: {  	_ =	swait.ge [sflag:s22], $0x2400  }
0x214: {  	[sflag:s22] =	ssyncset.done $0x0  }
0x215: {  	[sflag:s22] =	ssyncadd.s32 $0xFFFFDC00  }
0x216: {  	[tilespmem:s14], [sflag:$0x2] =	stream.indirect.gather [hbm4b:s6+s12], $0x48, s28, s12, $0xb8;
	[tilespmem:$0x155C0] =	vst v63  }
0x217: {  	_ =	swait.ge [sflag:s23], $0x2400  }
0x218: {  	[sflag:s23] =	ssyncset.done $0x0  }
0x219: {  	[sflag:s23] =	ssyncadd.s32 $0xFFFFDC00  }
0x21a: {  	[tilespmem:s15], [sflag:$0x3] =	stream.indirect.gather [hbm4b:s6+s12], $0x48, s29, s12, $0xb8;
	[tilespmem:$0x155C0] =	vst v63  }
0x21b: {  	_ =	swait.ge [sflag:s24], $0x2400  }
0x21c: {  	[sflag:s24] =	ssyncset.done $0x0  }
0x21d: {  	[sflag:s24] =	ssyncadd.s32 $0xFFFFDC00  }
0x21e: {  	[tilespmem:s16], [sflag:$0x4] =	stream.indirect.gather [hbm4b:s6+s12], $0x48, s30, s12, $0xb8;
	[tilespmem:$0x155C0] =	vst v63  }
0x21f: {  	_ =	swait.ge [sflag:s17], $0x2400  }
0x220: {  	[sflag:s17] =	ssyncset.done $0x0  }
0x221: {  	[sflag:s17] =	ssyncadd.s32 $0xFFFFDC00  }
0x222: {  	[spmem:s2] =	stream.indirect.scatter.add.f32 [tilespmem:s13], [sflag:$0x5], $0x48, s31, s12, $0xb8;
	[tilespmem:$0x155C0] =	vst v63  }
0x223: {  	_ =	swait.ge [sflag:s18], $0x2400  }
0x224: {  	[sflag:s18] =	ssyncset.done $0x0  }
0x225: {  	[sflag:s18] =	ssyncadd.s32 $0xFFFFDC00  }
0x226: {  	[spmem:s2] =	stream.indirect.scatter.add.f32 [tilespmem:s14], [sflag:$0x6], $0x48, s0, s12, $0xb8;
	[tilespmem:$0x155C0] =	vst v63  }
0x227: {  	_ =	swait.ge [sflag:s19], $0x2400  }
0x228: {  	[sflag:s19] =	ssyncset.done $0x0  }
0x229: {  	[sflag:s19] =	ssyncadd.s32 $0xFFFFDC00  }
0x22a: {  	[spmem:s2] =	stream.indirect.scatter.add.f32 [tilespmem:s15], [sflag:$0x7], $0x48, s1, s12, $0xb8;
	[tilespmem:$0x155C0] =	vst v63  }
0x22b: {  	_ =	swait.ge [sflag:s20], $0x2400  }
0x22c: {  	[sflag:s20] =	ssyncset.done $0x0  }
0x22d: {  	[sflag:s20] =	ssyncadd.s32 $0xFFFFDC00  }
0x22e: {  	[spmem:s2] =	stream.indirect.scatter.add.f32 [tilespmem:s16], [sflag:$0x8], $0x48, s4, s12, $0xb8;
	[tilespmem:$0x155C0] =	vst v63  }
0x22f: {  	_ =	swait.ge [sflag:s21], $0x2400  }
0x230: {  	[sflag:s21] =	ssyncset.done $0x0  }
0x231: {  	[sflag:s21] =	ssyncadd.s32 $0xFFFFDC00  }
0x232: {  	_ =	swait.ge [sflag:s22], $0x2400  }
0x233: {  	[sflag:s22] =	ssyncset.done $0x0  }
0x234: {  	[sflag:s22] =	ssyncadd.s32 $0xFFFFDC00  }
0x235: {  	_ =	swait.ge [sflag:s23], $0x2400  }
0x236: {  	[sflag:s23] =	ssyncset.done $0x0  }
0x237: {  	[sflag:s23] =	ssyncadd.s32 $0xFFFFDC00  }
0x238: {  	_ =	swait.ge [sflag:s24], $0x2400  }
0x239: {  	[sflag:s24] =	ssyncset.done $0x0  }
0x23a: {  	[sflag:s24] =	ssyncadd.s32 $0xFFFFDC00  }
0x23b: {  	[bflag:$0x0] =	sbarrier.arrive $0xFFFF  }
0x23c: {  	s8 =	sld [smem:$0x7FC]  }
0x23d: {  	s9 =	sld [smem:$0x7F8]  }
0x23e: {  	s7 =	sld [smem:$0x7FD];
	_ =	sdelay $0x2  }
0x23f: {  	[hbm:s9], [sflag:s8] =	dma.local [spmem:s7], $0x1638  }
0x240: {  	_ =	swait.ge [sflag:s10], $0x1638  }
0x241: {  	s5 =	sld [smem:$0x7F6];
	_ =	sdelay $0x2  }
0x242: {  	s9 =	sadd.s32 $0x1, s5;
	s5 =	sld [smem:$0x7F9];
	_ =	sdelay $0x2  }
0x243: {  	p0 =	sne.s32 s9, s5  }
.Ltmp1:
0x244: {  	_ = 	snop;
	(pc) =	sbr.rel @p0 .LBB2_1-.Ltmp1, $3  }
0x245: {  	_ =	sdelay $0x1  }
0x246: {  	[sflag:s10] =	ssyncset.done $0x0  }
0x247: {  	[sflag:s10] =	ssyncadd.s32 $0xFFFFE9C8  }
0x248: {  	_ =	sfence.sel $0x180000  }
0x249: {  	[bflag:$0x0] =	sbarrier.arrive $0xFFFF  }
0x24a: {  	_ =	strace $0x90000047  }
0x24b: {  	s0 =	stileid.u32;
	[bflag:$0x2] =	sbarrier.arrive $0xFFFF  }
0x24c: {  	p0 =	sne.s32 s0, $0x0;
	s0 =	rddreg [dreg:$0x3]  }
0x24d: {  	s0 =	sadd.s32 @!p0 $0x100000, s0  }
0x24e: {  	[sflag:s0] =	ssyncadd.tile.s32 @!p0 $0x1;
	_ =	shalt  }
.Lfunc_end2:
_tile_overlayer_lowered:
.L_overlay_start_2:
0x24f: {  	(tag) =	ssettag $0x2  }
0x250: {  	s0 =	rddreg [dreg:$0x0];
	s2 =	stileid.u32  }
0x251: {  	s1 =	rddreg [dreg:$0x1];
	p0 =	sne.s32 s2, $0x0  }
0x252: {  	s3 =	rddreg [dreg:$0x2];
	[bflag:$0x3] =	sbarrier.arrive $0xFFFF;
	s2 =	simm.s32 @!p0 $0x1C09  }
0x253: {  	[timem:s3], [sflag:s2] =	dma.local @!p0 [hbm:s0], s1  }
0x254: {  	s0 =	simm.s32 @!p0 $0x9  }
0x255: {  	_ =	swait.ge @!p0 [sflag:s0], s1  }
0x256: {  	s1 =	ssub.s32 @!p0 $0x0, s1;
	[sflag:s0] =	ssyncset.done @!p0 $0x0  }
0x257: {  	[sflag:s0] =	ssyncadd.s32 @!p0 s1  }
0x258: {  	[bflag:$0x3] =	sbarrier.arrive $0xFFFF  }
0x259: {  	_ =	shalt  }

</sc_bundles>
